<compile_context>
chip_gen: v7x
topology: tpu7x:2x2x1
jax: 0.10.2.dev20260603
libtpu: 0.0.44.dev20260713+nightly
codegen_flags: <defaults>
</compile_context>

<pallas_src>
import functools

import numpy as np
import jax
import jax.numpy as jnp
from jax import lax
from jax.experimental import pallas as pl
from jax.experimental.pallas import tpu as pltpu
from jax.experimental.pallas import tpu_sc as plsc

N_TREES = 128
MAX_DEPTH = 10
N_NODES = 2 ** MAX_DEPTH - 1
NPAD = N_NODES + 1
BATCH = 16384
N_FEAT = 512
N_WORDS = N_FEAT // 32

NC = 2
NS = 16
NW = NC * NS
TP = 4
RP = NW // TP
TREES_PER = N_TREES // TP
ROWS_PER = BATCH // RP
CHUNK = 1024
N_CHUNKS = ROWS_PER // CHUNK
UNROLL = 4


def _make_forest_kernel():
  mesh = plsc.VectorSubcoreMesh(
      core_axis_name="c", subcore_axis_name="s", num_cores=NC,
      num_subcores=NS)

  @functools.partial(
      pl.kernel,
      out_type=jax.ShapeDtypeStruct((BATCH, N_TREES), jnp.int32),
      mesh=mesh,
      scratch_types=[
          pltpu.VMEM((TREES_PER * NPAD,), jnp.int32),
          pltpu.VMEM((TREES_PER * NPAD,), jnp.int32),
          pltpu.VMEM((CHUNK * N_WORDS,), jnp.int32),
          pltpu.VMEM((CHUNK, TREES_PER), jnp.int32),
      ],
      compiler_params=pltpu.CompilerParams(
          use_tc_tiling_on_sc=False, needs_layout_passes=False),
  )
  def forest(xw_hbm, ftbl_hbm, lout_hbm, out_hbm, ftbl_v, lout_v, xw_v, out_v):
    wid = lax.axis_index("s") * NC + lax.axis_index("c")
    tp = wid // RP
    rp = wid % RP

    tbl_base = tp * TREES_PER * NPAD
    pltpu.sync_copy(ftbl_hbm.at[pl.ds(tbl_base, TREES_PER * NPAD)], ftbl_v)
    pltpu.sync_copy(lout_hbm.at[pl.ds(tbl_base, TREES_PER * NPAD)], lout_v)

    lane = lax.iota(jnp.int32, 16)
    lane_w = lane * N_WORDS
    ones = jnp.full((16,), 1, dtype=jnp.int32)

    for chunk in range(N_CHUNKS):
      row0 = rp * ROWS_PER + chunk * CHUNK
      pltpu.sync_copy(
          xw_hbm.at[pl.ds(row0 * N_WORDS, CHUNK * N_WORDS)], xw_v)

      def tree_body(tl, _):
        tref = ftbl_v.at[pl.ds(tl * NPAD, NPAD)]
        lref = lout_v.at[pl.ds(tl * NPAD, NPAD)]
        tlv = jnp.full((16,), tl, dtype=jnp.int32)

        @plsc.parallel_loop(0, CHUNK // 16, unroll=UNROLL)
        def rg_body(rg):
          rowb = rg * (16 * N_WORDS) + lane_w
          m = ones
          for d in range(MAX_DEPTH):
            tv = plsc.load_gather(tref, [m])
            w = plsc.load_gather(xw_v, [rowb + (tv >> 5)])
            dec = (w >> (tv & 31)) & 1
            m = m + m + dec
          acc = plsc.load_gather(lref, [m & 1023])
          rowloc = rg * 16 + lane
          plsc.store_scatter(out_v, [rowloc, tlv], acc)

        return 0

      lax.fori_loop(0, TREES_PER, tree_body, 0)
      pltpu.sync_copy(
          out_v,
          out_hbm.at[pl.ds(row0, CHUNK), pl.ds(tp * TREES_PER, TREES_PER)])

  return forest


_forest = _make_forest_kernel()


ROWS_TC = 1024


def _assemble_body(x_ref, ow_ref, cat_ref, out_ref):
  cat_ref[:, :N_FEAT] = x_ref[...]
  ow = ow_ref[...]
  for d in range(MAX_DEPTH):
    b = ((ow >> d) & 1) != 0
    cat_ref[:, N_FEAT + d * N_TREES:N_FEAT + (d + 1) * N_TREES] = b
  out_ref[...] = b


_assemble = pl.pallas_call(
    _assemble_body,
    grid=(BATCH // ROWS_TC,),
    in_specs=[
        pl.BlockSpec((ROWS_TC, N_FEAT), lambda i: (i, 0)),
        pl.BlockSpec((ROWS_TC, N_TREES), lambda i: (i, 0)),
    ],
    out_specs=[
        pl.BlockSpec((ROWS_TC, N_FEAT + MAX_DEPTH * N_TREES),
                     lambda i: (i, 0)),
        pl.BlockSpec((ROWS_TC, N_TREES), lambda i: (i, 0)),
    ],
    out_shape=[
        jax.ShapeDtypeStruct((BATCH, N_FEAT + MAX_DEPTH * N_TREES),
                             jnp.bool_),
        jax.ShapeDtypeStruct((BATCH, N_TREES), jnp.bool_),
    ],
)


def _make_lout_weights():
  w = np.zeros((N_NODES * 2, NPAD), np.float32)
  p = np.arange(NPAD)
  for d in range(MAX_DEPTH):
    node0 = (2 ** d - 1) + (p >> (MAX_DEPTH - d))
    dec = (p >> (MAX_DEPTH - 1 - d)) & 1
    w[node0 * 2 + dec, p] += float(1 << d)
  return w


_LOUT_W = _make_lout_weights()


def kernel(x, node_outputs, node_foci):
  xi = x.astype(jnp.int32).reshape(BATCH, N_WORDS, 32)
  shifts = jnp.left_shift(jnp.int32(1), jnp.arange(32, dtype=jnp.int32))
  xw = jnp.sum(xi * shifts, axis=-1, dtype=jnp.int32).reshape(-1)

  ftbl = jnp.pad(node_foci.astype(jnp.int32), ((0, 0), (1, 0)))[:, :NPAD]

  nof = node_outputs.reshape(N_TREES, N_NODES * 2).astype(jnp.float32)
  lout = jnp.dot(nof, _LOUT_W,
                 preferred_element_type=jnp.float32).astype(jnp.int32)

  out_words = _forest(xw, ftbl.reshape(-1), lout.reshape(-1))

  x_cat, output = _assemble(x, out_words)
  return (x_cat, output)

# --- scband reference (transcript-rebuilt; emitter-appended) ---
"""Pipeline reference for scband-forest-83829171683948 (READ-ONLY COPY).

The authoritative reference and input builder live on the scoring server;
editing this copy changes nothing except your own understanding.
"""

import jax, jax.numpy as jnp
import numpy as np

N_TREES = 128
MAX_DEPTH = 10
N_NODES = 2 ** MAX_DEPTH - 1  # 1023
BATCH = 16384
N_FEAT = 512


def setup_inputs(seed: int = 0) -> dict:
    key = jax.random.key(seed)
    k1, k2, k3 = jax.random.split(key, 3)
    # boolean input features (0/1 decisions)
    x = jax.random.randint(k1, (BATCH, N_FEAT), 0, 2) > 0
    # learned (non-grad) forest parameters, populated with valid values
    # (module default is uninitialized / -1; we model a trained forest)
    node_outputs = jax.random.randint(k2, (N_TREES, N_NODES, 2), 0, 2) > 0
    # foci restricted to the initial feature range so every level's gather is in-bounds
    node_foci = jax.random.randint(k3, (N_TREES, N_NODES), 0, N_FEAT).astype(jnp.int32)
    return {"x": x, "node_outputs": node_outputs, "node_foci": node_foci}


def reference(x, node_outputs, node_foci):
    batch = x.shape[0]
    n_trees = node_foci.shape[0]
    tree_idx = jnp.arange(n_trees)[None, :]  # [1, T] broadcasts against [B, T]
    current_nodes = jnp.zeros((batch, n_trees), dtype=jnp.int32)
    output = None
    for d in range(MAX_DEPTH):  # current_depth == max_depth (trained forest)
        # gather per-(sample, tree) node output maps: [B, T, 2]
        cur_out_maps = node_outputs[tree_idx, current_nodes]
        # gather per-(sample, tree) focus feature index: [B, T]
        cur_foci = node_foci[tree_idx, current_nodes]
        # decisions = x.gather(1, current_foci).long(): [B, T]
        decisions = jnp.take_along_axis(x, cur_foci, axis=1).astype(jnp.int32)
        # output = current_output_maps.gather(2, decisions): [B, T] bool
        output = jnp.take_along_axis(cur_out_maps, decisions[:, :, None], axis=2)[:, :, 0]
        # descend: left/right child
        current_nodes = current_nodes * 2 + decisions + 1
        # x = torch.cat([x, output], dim=1)
        x = jnp.concatenate([x, output], axis=1)
    return (x, output)

if __name__ == "__main__":
    import jax
    _d = setup_inputs()
    print(jax.jit(kernel)(*tuple(_d.values())))

</pallas_src>

<mosaic_0001>
#map = affine_map<(d0, d1) -> (0)>
#map1 = affine_map<(d0, d1) -> (0, 0)>
module attributes {stable_mosaic.version = 14 : i64} {
  func.func @forest(%arg0: i32, %arg1: i32, %arg2: memref<262144xi32, #tpu.memory_space<hbm>>, %arg3: memref<131072xi32, #tpu.memory_space<hbm>>, %arg4: memref<131072xi32, #tpu.memory_space<hbm>>, %arg5: memref<16384x128xi32, #tpu.memory_space<hbm>>, %arg6: memref<32768xi32, #tpu.memory_space<vmem>>, %arg7: memref<32768xi32, #tpu.memory_space<vmem>>, %arg8: memref<16384xi32, #tpu.memory_space<vmem>>, %arg9: memref<1024x32xi32, #tpu.memory_space<vmem>>) attributes {dimension_semantics = [#tpu.dimension_semantics<core_parallel>, #tpu.dimension_semantics<subcore_parallel>], iteration_bounds = array<i64: 2, 16>, scalar_prefetch = 0 : i64, scratch_operands = 4 : i64, tpu.core_type = #tpu.core_type<sc_vector_subcore>, window_params = [{transform_indices = #map}, {transform_indices = #map}, {transform_indices = #map}, {transform_indices = #map1}]} {
    %mul3A = arith.constant 2 : i32
    %mul3A_0 = arith.muli %arg1, %mul3A : i32
    %add3A = arith.addi %mul3A_0, %arg0 : i32
    %jit3A = arith.constant 8 : i32
    %div3A = arith.divsi %add3A, %jit3A : i32
    %sign3A = arith.constant 0 : i32
    %sign3A_1 = arith.cmpi sgt, %add3A, %sign3A : i32
    %sign3A_2 = arith.extui %sign3A_1 : i1 to i32
    %sign3A_3 = arith.constant 0 : i32
    %sign3A_4 = arith.cmpi slt, %add3A, %sign3A_3 : i32
    %sign3A_5 = arith.extui %sign3A_4 : i1 to i32
    %sign3A_6 = arith.subi %sign3A_2, %sign3A_5 : i32
    %sign3A_7 = arith.constant 0 : i32
    %sign3A_8 = arith.cmpi sgt, %jit3A, %sign3A_7 : i32
    %sign3A_9 = arith.extui %sign3A_8 : i1 to i32
    %sign3A_10 = arith.constant 0 : i32
    %sign3A_11 = arith.cmpi slt, %jit3A, %sign3A_10 : i32
    %sign3A_12 = arith.extui %sign3A_11 : i1 to i32
    %sign3A_13 = arith.subi %sign3A_9, %sign3A_12 : i32
    %ne3A = arith.cmpi ne, %sign3A_6, %sign3A_13 : i32
    %rem3A = arith.remsi %add3A, %jit3A : i32
    %ne3A_14 = arith.constant 0 : i32
    %ne3A_15 = arith.cmpi ne, %rem3A, %ne3A_14 : i32
    %and3A = arith.andi %ne3A, %ne3A_15 : i1
    %sub3A = arith.constant 1 : i32
    %sub3A_16 = arith.subi %div3A, %sub3A : i32
    %select_n3A = arith.select %and3A, %sub3A_16, %div3A : i32
    %jit3A_17 = arith.constant 8 : i32
    %eq3A = arith.constant 0 : i32
    %eq3A_18 = arith.cmpi eq, %jit3A_17, %eq3A : i32
    %jit3A_19 = arith.constant 1 : i32
    %select_n3A_20 = arith.select %eq3A_18, %jit3A_19, %jit3A_17 : i32
    %rem3A_21 = arith.remsi %add3A, %select_n3A_20 : i32
    %ne3A_22 = arith.constant 0 : i32
    %ne3A_23 = arith.cmpi ne, %rem3A_21, %ne3A_22 : i32
    %lt3A = arith.constant 0 : i32
    %lt3A_24 = arith.cmpi slt, %rem3A_21, %lt3A : i32
    %lt3A_25 = arith.constant 0 : i32
    %lt3A_26 = arith.cmpi slt, %select_n3A_20, %lt3A_25 : i32
    %ne3A_27 = arith.xori %lt3A_24, %lt3A_26 : i1
    %and3A_28 = arith.andi %ne3A_27, %ne3A_23 : i1
    %add3A_29 = arith.addi %rem3A_21, %select_n3A_20 : i32
    %select_n3A_30 = arith.select %and3A_28, %add3A_29, %rem3A_21 : i32
    %mul3A_31 = arith.constant 32 : i32
    %mul3A_32 = arith.muli %select_n3A, %mul3A_31 : i32
    %mul3A_33 = arith.constant 1024 : i32
    %mul3A_34 = arith.muli %mul3A_32, %mul3A_33 : i32
    "tpu.region"() ({
      %run_scoped3A = tpu.sem_alloc : memref<!tpu.dma_semaphore, #tpu.memory_space<semaphore_mem>>
      %dma_start3A = tpu.memref_slice %arg3[%mul3A_34] : memref<131072xi32, #tpu.memory_space<hbm>> -> memref<32768xi32, #tpu.memory_space<hbm>>
      %dma_start3A_68 = tpu.memref_slice %arg3[%mul3A_34] : memref<131072xi32, #tpu.memory_space<hbm>> -> memref<32768xi32, #tpu.memory_space<hbm>>
      tpu.enqueue_dma source(%dma_start3A_68 : memref<32768xi32, #tpu.memory_space<hbm>>) target(%arg6 : memref<32768xi32, #tpu.memory_space<vmem>>) target_semaphore(%run_scoped3A : memref<!tpu.dma_semaphore, #tpu.memory_space<semaphore_mem>>)
      %dma_wait3A = tpu.memref_slice %arg3[%mul3A_34] : memref<131072xi32, #tpu.memory_space<hbm>> -> memref<32768xi32, #tpu.memory_space<hbm>>
      %dma_wait3A_69 = tpu.memref_slice %arg3[%mul3A_34] : memref<131072xi32, #tpu.memory_space<hbm>> -> memref<32768xi32, #tpu.memory_space<hbm>>
      tpu.wait_dma2 semaphore(%run_scoped3A : memref<!tpu.dma_semaphore, #tpu.memory_space<semaphore_mem>>) src(%dma_wait3A_69 : memref<32768xi32, #tpu.memory_space<hbm>>) dst(%arg6 : memref<32768xi32, #tpu.memory_space<vmem>>)
      tpu.yield
    }) : () -> ()
    "tpu.region"() ({
      %run_scoped3A = tpu.sem_alloc : memref<!tpu.dma_semaphore, #tpu.memory_space<semaphore_mem>>
      %dma_start3A = tpu.memref_slice %arg4[%mul3A_34] : memref<131072xi32, #tpu.memory_space<hbm>> -> memref<32768xi32, #tpu.memory_space<hbm>>
      %dma_start3A_68 = tpu.memref_slice %arg4[%mul3A_34] : memref<131072xi32, #tpu.memory_space<hbm>> -> memref<32768xi32, #tpu.memory_space<hbm>>
      tpu.enqueue_dma source(%dma_start3A_68 : memref<32768xi32, #tpu.memory_space<hbm>>) target(%arg7 : memref<32768xi32, #tpu.memory_space<vmem>>) target_semaphore(%run_scoped3A : memref<!tpu.dma_semaphore, #tpu.memory_space<semaphore_mem>>)
      %dma_wait3A = tpu.memref_slice %arg4[%mul3A_34] : memref<131072xi32, #tpu.memory_space<hbm>> -> memref<32768xi32, #tpu.memory_space<hbm>>
      %dma_wait3A_69 = tpu.memref_slice %arg4[%mul3A_34] : memref<131072xi32, #tpu.memory_space<hbm>> -> memref<32768xi32, #tpu.memory_space<hbm>>
      tpu.wait_dma2 semaphore(%run_scoped3A : memref<!tpu.dma_semaphore, #tpu.memory_space<semaphore_mem>>) src(%dma_wait3A_69 : memref<32768xi32, #tpu.memory_space<hbm>>) dst(%arg7 : memref<32768xi32, #tpu.memory_space<vmem>>)
      tpu.yield
    }) : () -> ()
    %iota3A = tpu.iota {dimensions = array<i32: 0>} : vector<16xi32>
    %mul3A_35 = arith.constant 16 : i32
    %mul3A_36 = vector.broadcast %mul3A_35 : i32 to vector<16xi32>
    %mul3A_37 = arith.muli %iota3A, %mul3A_36 : vector<16xi32>
    %broadcast_in_dim3A = arith.constant 1 : i32
    %broadcast_in_dim3A_38 = vector.broadcast %broadcast_in_dim3A : i32 to vector<16xi32>
    %mul3A_39 = arith.constant 2048 : i32
    %mul3A_40 = arith.muli %select_n3A_30, %mul3A_39 : i32
    %add3A_41 = arith.constant 0 : i32
    %add3A_42 = arith.addi %mul3A_40, %add3A_41 : i32
    %mul3A_43 = arith.constant 16 : i32
    %mul3A_44 = arith.muli %add3A_42, %mul3A_43 : i32
    "tpu.region"() ({
      %run_scoped3A = tpu.sem_alloc : memref<!tpu.dma_semaphore, #tpu.memory_space<semaphore_mem>>
      %dma_start3A = tpu.memref_slice %arg2[%mul3A_44] : memref<262144xi32, #tpu.memory_space<hbm>> -> memref<16384xi32, #tpu.memory_space<hbm>>
      %dma_start3A_68 = tpu.memref_slice %arg2[%mul3A_44] : memref<262144xi32, #tpu.memory_space<hbm>> -> memref<16384xi32, #tpu.memory_space<hbm>>
      tpu.enqueue_dma source(%dma_start3A_68 : memref<16384xi32, #tpu.memory_space<hbm>>) target(%arg8 : memref<16384xi32, #tpu.memory_space<vmem>>) target_semaphore(%run_scoped3A : memref<!tpu.dma_semaphore, #tpu.memory_space<semaphore_mem>>)
      %dma_wait3A = tpu.memref_slice %arg2[%mul3A_44] : memref<262144xi32, #tpu.memory_space<hbm>> -> memref<16384xi32, #tpu.memory_space<hbm>>
      %dma_wait3A_69 = tpu.memref_slice %arg2[%mul3A_44] : memref<262144xi32, #tpu.memory_space<hbm>> -> memref<16384xi32, #tpu.memory_space<hbm>>
      tpu.wait_dma2 semaphore(%run_scoped3A : memref<!tpu.dma_semaphore, #tpu.memory_space<semaphore_mem>>) src(%dma_wait3A_69 : memref<16384xi32, #tpu.memory_space<hbm>>) dst(%arg8 : memref<16384xi32, #tpu.memory_space<vmem>>)
      tpu.yield
    }) : () -> ()
    %scan3A = arith.constant 0 : i32
    %scan3A_45 = arith.constant 0 : i32
    %scan3A_46 = arith.constant 32 : i32
    %scan3A_47 = arith.addi %scan3A_45, %scan3A_46 : i32
    %scan3A_48 = arith.constant 1 : i32
    %scan3A_49 = scf.for %scan3A_68 = %scan3A_45 to %scan3A_47 step %scan3A_48 iter_args(%scan3A_69 = %scan3A) -> (i32)  : i32 {
      %mul3A_70 = arith.constant 1024 : i32
      %mul3A_71 = arith.muli %scan3A_68, %mul3A_70 : i32
      %mul3A_72 = arith.constant 1024 : i32
      %mul3A_73 = arith.muli %scan3A_68, %mul3A_72 : i32
      %broadcast_in_dim3A_74 = vector.broadcast %scan3A_68 : i32 to vector<16xi32>
      %parallel_loop3A = arith.constant 0 : i32
      %parallel_loop3A_75 = arith.constant 64 : i32
      %parallel_loop3A_76 = arith.constant 1 : i32
      scf.for %parallel_loop3A_78 = %parallel_loop3A to %parallel_loop3A_75 step %parallel_loop3A_76  : i32 {
        %parallel_loop3A_79 = arith.constant 256 : i32
        %parallel_loop3A_80 = arith.muli %parallel_loop3A_78, %parallel_loop3A_79 : i32
        %parallel_loop3A_81 = vector.broadcast %parallel_loop3A_80 : i32 to vector<16xi32>
        %parallel_loop3A_82 = arith.addi %parallel_loop3A_81, %mul3A_37 : vector<16xi32>
        %parallel_loop3A_83 = tpu.memref_slice %arg6[%mul3A_71] : memref<32768xi32, #tpu.memory_space<vmem>> -> memref<1024xi32, #tpu.memory_space<vmem>>
        %parallel_loop3A_84 = tpu.vector_load_idx %parallel_loop3A_83[%broadcast_in_dim3A_38] : memref<1024xi32, #tpu.memory_space<vmem>>[vector<16xi32>], vector<16xi32>,
        %parallel_loop3A_85 = arith.constant 5 : i32
        %parallel_loop3A_86 = vector.broadcast %parallel_loop3A_85 : i32 to vector<16xi32>
        %parallel_loop3A_87 = arith.shrsi %parallel_loop3A_84, %parallel_loop3A_86 : vector<16xi32>
        %parallel_loop3A_88 = arith.addi %parallel_loop3A_82, %parallel_loop3A_87 : vector<16xi32>
        %parallel_loop3A_89 = tpu.vector_load_idx %arg8[%parallel_loop3A_88] : memref<16384xi32, #tpu.memory_space<vmem>>[vector<16xi32>], vector<16xi32>,
        %parallel_loop3A_90 = arith.constant 31 : i32
        %parallel_loop3A_91 = vector.broadcast %parallel_loop3A_90 : i32 to vector<16xi32>
        %parallel_loop3A_92 = arith.andi %parallel_loop3A_84, %parallel_loop3A_91 : vector<16xi32>
        %parallel_loop3A_93 = arith.shrsi %parallel_loop3A_89, %parallel_loop3A_92 : vector<16xi32>
        %parallel_loop3A_94 = arith.constant 1 : i32
        %parallel_loop3A_95 = vector.broadcast %parallel_loop3A_94 : i32 to vector<16xi32>
        %parallel_loop3A_96 = arith.andi %parallel_loop3A_93, %parallel_loop3A_95 : vector<16xi32>
        %parallel_loop3A_97 = arith.addi %broadcast_in_dim3A_38, %broadcast_in_dim3A_38 : vector<16xi32>
        %parallel_loop3A_98 = arith.addi %parallel_loop3A_97, %parallel_loop3A_96 : vector<16xi32>
        %parallel_loop3A_99 = tpu.memref_slice %arg6[%mul3A_71] : memref<32768xi32, #tpu.memory_space<vmem>> -> memref<1024xi32, #tpu.memory_space<vmem>>
        %parallel_loop3A_100 = tpu.vector_load_idx %parallel_loop3A_99[%parallel_loop3A_98] : memref<1024xi32, #tpu.memory_space<vmem>>[vector<16xi32>], vector<16xi32>,
        %parallel_loop3A_101 = arith.constant 5 : i32
        %parallel_loop3A_102 = vector.broadcast %parallel_loop3A_101 : i32 to vector<16xi32>
        %parallel_loop3A_103 = arith.shrsi %parallel_loop3A_100, %parallel_loop3A_102 : vector<16xi32>
        %parallel_loop3A_104 = arith.addi %parallel_loop3A_82, %parallel_loop3A_103 : vector<16xi32>
        %parallel_loop3A_105 = tpu.vector_load_idx %arg8[%parallel_loop3A_104] : memref<16384xi32, #tpu.memory_space<vmem>>[vector<16xi32>], vector<16xi32>,
        %parallel_loop3A_106 = arith.constant 31 : i32
        %parallel_loop3A_107 = vector.broadcast %parallel_loop3A_106 : i32 to vector<16xi32>
        %parallel_loop3A_108 = arith.andi %parallel_loop3A_100, %parallel_loop3A_107 : vector<16xi32>
        %parallel_loop3A_109 = arith.shrsi %parallel_loop3A_105, %parallel_loop3A_108 : vector<16xi32>
        %parallel_loop3A_110 = arith.constant 1 : i32
        %parallel_loop3A_111 = vector.broadcast %parallel_loop3A_110 : i32 to vector<16xi32>
        %parallel_loop3A_112 = arith.andi %parallel_loop3A_109, %parallel_loop3A_111 : vector<16xi32>
        %parallel_loop3A_113 = arith.addi %parallel_loop3A_98, %parallel_loop3A_98 : vector<16xi32>
        %parallel_loop3A_114 = arith.addi %parallel_loop3A_113, %parallel_loop3A_112 : vector<16xi32>
        %parallel_loop3A_115 = tpu.memref_slice %arg6[%mul3A_71] : memref<32768xi32, #tpu.memory_space<vmem>> -> memref<1024xi32, #tpu.memory_space<vmem>>
        %parallel_loop3A_116 = tpu.vector_load_idx %parallel_loop3A_115[%parallel_loop3A_114] : memref<1024xi32, #tpu.memory_space<vmem>>[vector<16xi32>], vector<16xi32>,
        %parallel_loop3A_117 = arith.constant 5 : i32
        %parallel_loop3A_118 = vector.broadcast %parallel_loop3A_117 : i32 to vector<16xi32>
        %parallel_loop3A_119 = arith.shrsi %parallel_loop3A_116, %parallel_loop3A_118 : vector<16xi32>
        %parallel_loop3A_120 = arith.addi %parallel_loop3A_82, %parallel_loop3A_119 : vector<16xi32>
        %parallel_loop3A_121 = tpu.vector_load_idx %arg8[%parallel_loop3A_120] : memref<16384xi32, #tpu.memory_space<vmem>>[vector<16xi32>], vector<16xi32>,
        %parallel_loop3A_122 = arith.constant 31 : i32
        %parallel_loop3A_123 = vector.broadcast %parallel_loop3A_122 : i32 to vector<16xi32>
        %parallel_loop3A_124 = arith.andi %parallel_loop3A_116, %parallel_loop3A_123 : vector<16xi32>
        %parallel_loop3A_125 = arith.shrsi %parallel_loop3A_121, %parallel_loop3A_124 : vector<16xi32>
        %parallel_loop3A_126 = arith.constant 1 : i32
        %parallel_loop3A_127 = vector.broadcast %parallel_loop3A_126 : i32 to vector<16xi32>
        %parallel_loop3A_128 = arith.andi %parallel_loop3A_125, %parallel_loop3A_127 : vector<16xi32>
        %parallel_loop3A_129 = arith.addi %parallel_loop3A_114, %parallel_loop3A_114 : vector<16xi32>
        %parallel_loop3A_130 = arith.addi %parallel_loop3A_129, %parallel_loop3A_128 : vector<16xi32>
        %parallel_loop3A_131 = tpu.memref_slice %arg6[%mul3A_71] : memref<32768xi32, #tpu.memory_space<vmem>> -> memref<1024xi32, #tpu.memory_space<vmem>>
        %parallel_loop3A_132 = tpu.vector_load_idx %parallel_loop3A_131[%parallel_loop3A_130] : memref<1024xi32, #tpu.memory_space<vmem>>[vector<16xi32>], vector<16xi32>,
        %parallel_loop3A_133 = arith.constant 5 : i32
        %parallel_loop3A_134 = vector.broadcast %parallel_loop3A_133 : i32 to vector<16xi32>
        %parallel_loop3A_135 = arith.shrsi %parallel_loop3A_132, %parallel_loop3A_134 : vector<16xi32>
        %parallel_loop3A_136 = arith.addi %parallel_loop3A_82, %parallel_loop3A_135 : vector<16xi32>
        %parallel_loop3A_137 = tpu.vector_load_idx %arg8[%parallel_loop3A_136] : memref<16384xi32, #tpu.memory_space<vmem>>[vector<16xi32>], vector<16xi32>,
        %parallel_loop3A_138 = arith.constant 31 : i32
        %parallel_loop3A_139 = vector.broadcast %parallel_loop3A_138 : i32 to vector<16xi32>
        %parallel_loop3A_140 = arith.andi %parallel_loop3A_132, %parallel_loop3A_139 : vector<16xi32>
        %parallel_loop3A_141 = arith.shrsi %parallel_loop3A_137, %parallel_loop3A_140 : vector<16xi32>
        %parallel_loop3A_142 = arith.constant 1 : i32
        %parallel_loop3A_143 = vector.broadcast %parallel_loop3A_142 : i32 to vector<16xi32>
        %parallel_loop3A_144 = arith.andi %parallel_loop3A_141, %parallel_loop3A_143 : vector<16xi32>
        %parallel_loop3A_145 = arith.addi %parallel_loop3A_130, %parallel_loop3A_130 : vector<16xi32>
        %parallel_loop3A_146 = arith.addi %parallel_loop3A_145, %parallel_loop3A_144 : vector<16xi32>
        %parallel_loop3A_147 = tpu.memref_slice %arg6[%mul3A_71] : memref<32768xi32, #tpu.memory_space<vmem>> -> memref<1024xi32, #tpu.memory_space<vmem>>
        %parallel_loop3A_148 = tpu.vector_load_idx %parallel_loop3A_147[%parallel_loop3A_146] : memref<1024xi32, #tpu.memory_space<vmem>>[vector<16xi32>], vector<16xi32>,
        %parallel_loop3A_149 = arith.constant 5 : i32
        %parallel_loop3A_150 = vector.broadcast %parallel_loop3A_149 : i32 to vector<16xi32>
        %parallel_loop3A_151 = arith.shrsi %parallel_loop3A_148, %parallel_loop3A_150 : vector<16xi32>
        %parallel_loop3A_152 = arith.addi %parallel_loop3A_82, %parallel_loop3A_151 : vector<16xi32>
        %parallel_loop3A_153 = tpu.vector_load_idx %arg8[%parallel_loop3A_152] : memref<16384xi32, #tpu.memory_space<vmem>>[vector<16xi32>], vector<16xi32>,
        %parallel_loop3A_154 = arith.constant 31 : i32
        %parallel_loop3A_155 = vector.broadcast %parallel_loop3A_154 : i32 to vector<16xi32>
        %parallel_loop3A_156 = arith.andi %parallel_loop3A_148, %parallel_loop3A_155 : vector<16xi32>
        %parallel_loop3A_157 = arith.shrsi %parallel_loop3A_153, %parallel_loop3A_156 : vector<16xi32>
        %parallel_loop3A_158 = arith.constant 1 : i32
        %parallel_loop3A_159 = vector.broadcast %parallel_loop3A_158 : i32 to vector<16xi32>
        %parallel_loop3A_160 = arith.andi %parallel_loop3A_157, %parallel_loop3A_159 : vector<16xi32>
        %parallel_loop3A_161 = arith.addi %parallel_loop3A_146, %parallel_loop3A_146 : vector<16xi32>
        %parallel_loop3A_162 = arith.addi %parallel_loop3A_161, %parallel_loop3A_160 : vector<16xi32>
        %parallel_loop3A_163 = tpu.memref_slice %arg6[%mul3A_71] : memref<32768xi32, #tpu.memory_space<vmem>> -> memref<1024xi32, #tpu.memory_space<vmem>>
        %parallel_loop3A_164 = tpu.vector_load_idx %parallel_loop3A_163[%parallel_loop3A_162] : memref<1024xi32, #tpu.memory_space<vmem>>[vector<16xi32>], vector<16xi32>,
        %parallel_loop3A_165 = arith.constant 5 : i32
        %parallel_loop3A_166 = vector.broadcast %parallel_loop3A_165 : i32 to vector<16xi32>
        %parallel_loop3A_167 = arith.shrsi %parallel_loop3A_164, %parallel_loop3A_166 : vector<16xi32>
        %parallel_loop3A_168 = arith.addi %parallel_loop3A_82, %parallel_loop3A_167 : vector<16xi32>
        %parallel_loop3A_169 = tpu.vector_load_idx %arg8[%parallel_loop3A_168] : memref<16384xi32, #tpu.memory_space<vmem>>[vector<16xi32>], vector<16xi32>,
        %parallel_loop3A_170 = arith.constant 31 : i32
        %parallel_loop3A_171 = vector.broadcast %parallel_loop3A_170 : i32 to vector<16xi32>
        %parallel_loop3A_172 = arith.andi %parallel_loop3A_164, %parallel_loop3A_171 : vector<16xi32>
        %parallel_loop3A_173 = arith.shrsi %parallel_loop3A_169, %parallel_loop3A_172 : vector<16xi32>
        %parallel_loop3A_174 = arith.constant 1 : i32
        %parallel_loop3A_175 = vector.broadcast %parallel_loop3A_174 : i32 to vector<16xi32>
        %parallel_loop3A_176 = arith.andi %parallel_loop3A_173, %parallel_loop3A_175 : vector<16xi32>
        %parallel_loop3A_177 = arith.addi %parallel_loop3A_162, %parallel_loop3A_162 : vector<16xi32>
        %parallel_loop3A_178 = arith.addi %parallel_loop3A_177, %parallel_loop3A_176 : vector<16xi32>
        %parallel_loop3A_179 = tpu.memref_slice %arg6[%mul3A_71] : memref<32768xi32, #tpu.memory_space<vmem>> -> memref<1024xi32, #tpu.memory_space<vmem>>
        %parallel_loop3A_180 = tpu.vector_load_idx %parallel_loop3A_179[%parallel_loop3A_178] : memref<1024xi32, #tpu.memory_space<vmem>>[vector<16xi32>], vector<16xi32>,
        %parallel_loop3A_181 = arith.constant 5 : i32
        %parallel_loop3A_182 = vector.broadcast %parallel_loop3A_181 : i32 to vector<16xi32>
        %parallel_loop3A_183 = arith.shrsi %parallel_loop3A_180, %parallel_loop3A_182 : vector<16xi32>
        %parallel_loop3A_184 = arith.addi %parallel_loop3A_82, %parallel_loop3A_183 : vector<16xi32>
        %parallel_loop3A_185 = tpu.vector_load_idx %arg8[%parallel_loop3A_184] : memref<16384xi32, #tpu.memory_space<vmem>>[vector<16xi32>], vector<16xi32>,
        %parallel_loop3A_186 = arith.constant 31 : i32
        %parallel_loop3A_187 = vector.broadcast %parallel_loop3A_186 : i32 to vector<16xi32>
        %parallel_loop3A_188 = arith.andi %parallel_loop3A_180, %parallel_loop3A_187 : vector<16xi32>
        %parallel_loop3A_189 = arith.shrsi %parallel_loop3A_185, %parallel_loop3A_188 : vector<16xi32>
        %parallel_loop3A_190 = arith.constant 1 : i32
        %parallel_loop3A_191 = vector.broadcast %parallel_loop3A_190 : i32 to vector<16xi32>
        %parallel_loop3A_192 = arith.andi %parallel_loop3A_189, %parallel_loop3A_191 : vector<16xi32>
        %parallel_loop3A_193 = arith.addi %parallel_loop3A_178, %parallel_loop3A_178 : vector<16xi32>
        %parallel_loop3A_194 = arith.addi %parallel_loop3A_193, %parallel_loop3A_192 : vector<16xi32>
        %parallel_loop3A_195 = tpu.memref_slice %arg6[%mul3A_71] : memref<32768xi32, #tpu.memory_space<vmem>> -> memref<1024xi32, #tpu.memory_space<vmem>>
        %parallel_loop3A_196 = tpu.vector_load_idx %parallel_loop3A_195[%parallel_loop3A_194] : memref<1024xi32, #tpu.memory_space<vmem>>[vector<16xi32>], vector<16xi32>,
        %parallel_loop3A_197 = arith.constant 5 : i32
        %parallel_loop3A_198 = vector.broadcast %parallel_loop3A_197 : i32 to vector<16xi32>
        %parallel_loop3A_199 = arith.shrsi %parallel_loop3A_196, %parallel_loop3A_198 : vector<16xi32>
        %parallel_loop3A_200 = arith.addi %parallel_loop3A_82, %parallel_loop3A_199 : vector<16xi32>
        %parallel_loop3A_201 = tpu.vector_load_idx %arg8[%parallel_loop3A_200] : memref<16384xi32, #tpu.memory_space<vmem>>[vector<16xi32>], vector<16xi32>,
        %parallel_loop3A_202 = arith.constant 31 : i32
        %parallel_loop3A_203 = vector.broadcast %parallel_loop3A_202 : i32 to vector<16xi32>
        %parallel_loop3A_204 = arith.andi %parallel_loop3A_196, %parallel_loop3A_203 : vector<16xi32>
        %parallel_loop3A_205 = arith.shrsi %parallel_loop3A_201, %parallel_loop3A_204 : vector<16xi32>
        %parallel_loop3A_206 = arith.constant 1 : i32
        %parallel_loop3A_207 = vector.broadcast %parallel_loop3A_206 : i32 to vector<16xi32>
        %parallel_loop3A_208 = arith.andi %parallel_loop3A_205, %parallel_loop3A_207 : vector<16xi32>
        %parallel_loop3A_209 = arith.addi %parallel_loop3A_194, %parallel_loop3A_194 : vector<16xi32>
        %parallel_loop3A_210 = arith.addi %parallel_loop3A_209, %parallel_loop3A_208 : vector<16xi32>
        %parallel_loop3A_211 = tpu.memref_slice %arg6[%mul3A_71] : memref<32768xi32, #tpu.memory_space<vmem>> -> memref<1024xi32, #tpu.memory_space<vmem>>
        %parallel_loop3A_212 = tpu.vector_load_idx %parallel_loop3A_211[%parallel_loop3A_210] : memref<1024xi32, #tpu.memory_space<vmem>>[vector<16xi32>], vector<16xi32>,
        %parallel_loop3A_213 = arith.constant 5 : i32
        %parallel_loop3A_214 = vector.broadcast %parallel_loop3A_213 : i32 to vector<16xi32>
        %parallel_loop3A_215 = arith.shrsi %parallel_loop3A_212, %parallel_loop3A_214 : vector<16xi32>
        %parallel_loop3A_216 = arith.addi %parallel_loop3A_82, %parallel_loop3A_215 : vector<16xi32>
        %parallel_loop3A_217 = tpu.vector_load_idx %arg8[%parallel_loop3A_216] : memref<16384xi32, #tpu.memory_space<vmem>>[vector<16xi32>], vector<16xi32>,
        %parallel_loop3A_218 = arith.constant 31 : i32
        %parallel_loop3A_219 = vector.broadcast %parallel_loop3A_218 : i32 to vector<16xi32>
        %parallel_loop3A_220 = arith.andi %parallel_loop3A_212, %parallel_loop3A_219 : vector<16xi32>
        %parallel_loop3A_221 = arith.shrsi %parallel_loop3A_217, %parallel_loop3A_220 : vector<16xi32>
        %parallel_loop3A_222 = arith.constant 1 : i32
        %parallel_loop3A_223 = vector.broadcast %parallel_loop3A_222 : i32 to vector<16xi32>
        %parallel_loop3A_224 = arith.andi %parallel_loop3A_221, %parallel_loop3A_223 : vector<16xi32>
        %parallel_loop3A_225 = arith.addi %parallel_loop3A_210, %parallel_loop3A_210 : vector<16xi32>
        %parallel_loop3A_226 = arith.addi %parallel_loop3A_225, %parallel_loop3A_224 : vector<16xi32>
        %parallel_loop3A_227 = tpu.memref_slice %arg6[%mul3A_71] : memref<32768xi32, #tpu.memory_space<vmem>> -> memref<1024xi32, #tpu.memory_space<vmem>>
        %parallel_loop3A_228 = tpu.vector_load_idx %parallel_loop3A_227[%parallel_loop3A_226] : memref<1024xi32, #tpu.memory_space<vmem>>[vector<16xi32>], vector<16xi32>,
        %parallel_loop3A_229 = arith.constant 5 : i32
        %parallel_loop3A_230 = vector.broadcast %parallel_loop3A_229 : i32 to vector<16xi32>
        %parallel_loop3A_231 = arith.shrsi %parallel_loop3A_228, %parallel_loop3A_230 : vector<16xi32>
        %parallel_loop3A_232 = arith.addi %parallel_loop3A_82, %parallel_loop3A_231 : vector<16xi32>
        %parallel_loop3A_233 = tpu.vector_load_idx %arg8[%parallel_loop3A_232] : memref<16384xi32, #tpu.memory_space<vmem>>[vector<16xi32>], vector<16xi32>,
        %parallel_loop3A_234 = arith.constant 31 : i32
        %parallel_loop3A_235 = vector.broadcast %parallel_loop3A_234 : i32 to vector<16xi32>
        %parallel_loop3A_236 = arith.andi %parallel_loop3A_228, %parallel_loop3A_235 : vector<16xi32>
        %parallel_loop3A_237 = arith.shrsi %parallel_loop3A_233, %parallel_loop3A_236 : vector<16xi32>
        %parallel_loop3A_238 = arith.constant 1 : i32
        %parallel_loop3A_239 = vector.broadcast %parallel_loop3A_238 : i32 to vector<16xi32>
        %parallel_loop3A_240 = arith.andi %parallel_loop3A_237, %parallel_loop3A_239 : vector<16xi32>
        %parallel_loop3A_241 = arith.addi %parallel_loop3A_226, %parallel_loop3A_226 : vector<16xi32>
        %parallel_loop3A_242 = arith.addi %parallel_loop3A_241, %parallel_loop3A_240 : vector<16xi32>
        %parallel_loop3A_243 = arith.constant 1023 : i32
        %parallel_loop3A_244 = vector.broadcast %parallel_loop3A_243 : i32 to vector<16xi32>
        %parallel_loop3A_245 = arith.andi %parallel_loop3A_242, %parallel_loop3A_244 : vector<16xi32>
        %parallel_loop3A_246 = tpu.memref_slice %arg7[%mul3A_73] : memref<32768xi32, #tpu.memory_space<vmem>> -> memref<1024xi32, #tpu.memory_space<vmem>>
        %parallel_loop3A_247 = tpu.vector_load_idx %parallel_loop3A_246[%parallel_loop3A_245] : memref<1024xi32, #tpu.memory_space<vmem>>[vector<16xi32>], vector<16xi32>,
        %parallel_loop3A_248 = arith.constant 16 : i32
        %parallel_loop3A_249 = arith.muli %parallel_loop3A_78, %parallel_loop3A_248 : i32
        %parallel_loop3A_250 = vector.broadcast %parallel_loop3A_249 : i32 to vector<16xi32>
        %parallel_loop3A_251 = arith.addi %parallel_loop3A_250, %iota3A : vector<16xi32>
        tpu.vector_store_idx %arg9[%parallel_loop3A_251, %broadcast_in_dim3A_74], %parallel_loop3A_247 : memref<1024x32xi32, #tpu.memory_space<vmem>>[vector<16xi32>, vector<16xi32>], vector<16xi32>,
      } {sc.loop_unroll_factor = 4 : i64, sc.parallel_access}
      %scan3A_77 = arith.constant 0 : i32
      scf.yield %scan3A_77 : i32
    }
    %scan3A_50 = arith.constant 32 : i32
    %mul3A_51 = arith.constant 32 : i32
    %mul3A_52 = arith.muli %select_n3A, %mul3A_51 : i32
    "tpu.region"() ({
      %run_scoped3A = tpu.sem_alloc : memref<!tpu.dma_semaphore, #tpu.memory_space<semaphore_mem>>
      %dma_start3A = tpu.memref_slice %arg5[%add3A_42, %mul3A_52] : memref<16384x128xi32, #tpu.memory_space<hbm>> -> memref<1024x32xi32, #tpu.memory_space<hbm>>
      %dma_start3A_68 = tpu.memref_slice %arg5[%add3A_42, %mul3A_52] : memref<16384x128xi32, #tpu.memory_space<hbm>> -> memref<1024x32xi32, #tpu.memory_space<hbm>>
      tpu.enqueue_dma source(%arg9 : memref<1024x32xi32, #tpu.memory_space<vmem>>) target(%dma_start3A_68 : memref<1024x32xi32, #tpu.memory_space<hbm>>) target_semaphore(%run_scoped3A : memref<!tpu.dma_semaphore, #tpu.memory_space<semaphore_mem>>)
      %dma_wait3A = tpu.memref_slice %arg5[%add3A_42, %mul3A_52] : memref<16384x128xi32, #tpu.memory_space<hbm>> -> memref<1024x32xi32, #tpu.memory_space<hbm>>
      %dma_wait3A_69 = tpu.memref_slice %arg5[%add3A_42, %mul3A_52] : memref<16384x128xi32, #tpu.memory_space<hbm>> -> memref<1024x32xi32, #tpu.memory_space<hbm>>
      tpu.wait_dma2 semaphore(%run_scoped3A : memref<!tpu.dma_semaphore, #tpu.memory_space<semaphore_mem>>) src(%arg9 : memref<1024x32xi32, #tpu.memory_space<vmem>>) dst(%dma_wait3A_69 : memref<1024x32xi32, #tpu.memory_space<hbm>>)
      tpu.yield
    }) : () -> ()
    %mul3A_53 = arith.constant 2048 : i32
    %mul3A_54 = arith.muli %select_n3A_30, %mul3A_53 : i32
    %add3A_55 = arith.constant 1024 : i32
    %add3A_56 = arith.addi %mul3A_54, %add3A_55 : i32
    %mul3A_57 = arith.constant 16 : i32
    %mul3A_58 = arith.muli %add3A_56, %mul3A_57 : i32
    "tpu.region"() ({
      %run_scoped3A = tpu.sem_alloc : memref<!tpu.dma_semaphore, #tpu.memory_space<semaphore_mem>>
      %dma_start3A = tpu.memref_slice %arg2[%mul3A_58] : memref<262144xi32, #tpu.memory_space<hbm>> -> memref<16384xi32, #tpu.memory_space<hbm>>
      %dma_start3A_68 = tpu.memref_slice %arg2[%mul3A_58] : memref<262144xi32, #tpu.memory_space<hbm>> -> memref<16384xi32, #tpu.memory_space<hbm>>
      tpu.enqueue_dma source(%dma_start3A_68 : memref<16384xi32, #tpu.memory_space<hbm>>) target(%arg8 : memref<16384xi32, #tpu.memory_space<vmem>>) target_semaphore(%run_scoped3A : memref<!tpu.dma_semaphore, #tpu.memory_space<semaphore_mem>>)
      %dma_wait3A = tpu.memref_slice %arg2[%mul3A_58] : memref<262144xi32, #tpu.memory_space<hbm>> -> memref<16384xi32, #tpu.memory_space<hbm>>
      %dma_wait3A_69 = tpu.memref_slice %arg2[%mul3A_58] : memref<262144xi32, #tpu.memory_space<hbm>> -> memref<16384xi32, #tpu.memory_space<hbm>>
      tpu.wait_dma2 semaphore(%run_scoped3A : memref<!tpu.dma_semaphore, #tpu.memory_space<semaphore_mem>>) src(%dma_wait3A_69 : memref<16384xi32, #tpu.memory_space<hbm>>) dst(%arg8 : memref<16384xi32, #tpu.memory_space<vmem>>)
      tpu.yield
    }) : () -> ()
    %scan3A_59 = arith.constant 0 : i32
    %scan3A_60 = arith.constant 0 : i32
    %scan3A_61 = arith.constant 32 : i32
    %scan3A_62 = arith.addi %scan3A_60, %scan3A_61 : i32
    %scan3A_63 = arith.constant 1 : i32
    %scan3A_64 = scf.for %scan3A_68 = %scan3A_60 to %scan3A_62 step %scan3A_63 iter_args(%scan3A_69 = %scan3A_59) -> (i32)  : i32 {
      %mul3A_70 = arith.constant 1024 : i32
      %mul3A_71 = arith.muli %scan3A_68, %mul3A_70 : i32
      %mul3A_72 = arith.constant 1024 : i32
      %mul3A_73 = arith.muli %scan3A_68, %mul3A_72 : i32
      %broadcast_in_dim3A_74 = vector.broadcast %scan3A_68 : i32 to vector<16xi32>
      %parallel_loop3A = arith.constant 0 : i32
      %parallel_loop3A_75 = arith.constant 64 : i32
      %parallel_loop3A_76 = arith.constant 1 : i32
      scf.for %parallel_loop3A_78 = %parallel_loop3A to %parallel_loop3A_75 step %parallel_loop3A_76  : i32 {
        %parallel_loop3A_79 = arith.constant 256 : i32
        %parallel_loop3A_80 = arith.muli %parallel_loop3A_78, %parallel_loop3A_79 : i32
        %parallel_loop3A_81 = vector.broadcast %parallel_loop3A_80 : i32 to vector<16xi32>
        %parallel_loop3A_82 = arith.addi %parallel_loop3A_81, %mul3A_37 : vector<16xi32>
        %parallel_loop3A_83 = tpu.memref_slice %arg6[%mul3A_71] : memref<32768xi32, #tpu.memory_space<vmem>> -> memref<1024xi32, #tpu.memory_space<vmem>>
        %parallel_loop3A_84 = tpu.vector_load_idx %parallel_loop3A_83[%broadcast_in_dim3A_38] : memref<1024xi32, #tpu.memory_space<vmem>>[vector<16xi32>], vector<16xi32>,
        %parallel_loop3A_85 = arith.constant 5 : i32
        %parallel_loop3A_86 = vector.broadcast %parallel_loop3A_85 : i32 to vector<16xi32>
        %parallel_loop3A_87 = arith.shrsi %parallel_loop3A_84, %parallel_loop3A_86 : vector<16xi32>
        %parallel_loop3A_88 = arith.addi %parallel_loop3A_82, %parallel_loop3A_87 : vector<16xi32>
        %parallel_loop3A_89 = tpu.vector_load_idx %arg8[%parallel_loop3A_88] : memref<16384xi32, #tpu.memory_space<vmem>>[vector<16xi32>], vector<16xi32>,
        %parallel_loop3A_90 = arith.constant 31 : i32
        %parallel_loop3A_91 = vector.broadcast %parallel_loop3A_90 : i32 to vector<16xi32>
        %parallel_loop3A_92 = arith.andi %parallel_loop3A_84, %parallel_loop3A_91 : vector<16xi32>
        %parallel_loop3A_93 = arith.shrsi %parallel_loop3A_89, %parallel_loop3A_92 : vector<16xi32>
        %parallel_loop3A_94 = arith.constant 1 : i32
        %parallel_loop3A_95 = vector.broadcast %parallel_loop3A_94 : i32 to vector<16xi32>
        %parallel_loop3A_96 = arith.andi %parallel_loop3A_93, %parallel_loop3A_95 : vector<16xi32>
        %parallel_loop3A_97 = arith.addi %broadcast_in_dim3A_38, %broadcast_in_dim3A_38 : vector<16xi32>
        %parallel_loop3A_98 = arith.addi %parallel_loop3A_97, %parallel_loop3A_96 : vector<16xi32>
        %parallel_loop3A_99 = tpu.memref_slice %arg6[%mul3A_71] : memref<32768xi32, #tpu.memory_space<vmem>> -> memref<1024xi32, #tpu.memory_space<vmem>>
        %parallel_loop3A_100 = tpu.vector_load_idx %parallel_loop3A_99[%parallel_loop3A_98] : memref<1024xi32, #tpu.memory_space<vmem>>[vector<16xi32>], vector<16xi32>,
        %parallel_loop3A_101 = arith.constant 5 : i32
        %parallel_loop3A_102 = vector.broadcast %parallel_loop3A_101 : i32 to vector<16xi32>
        %parallel_loop3A_103 = arith.shrsi %parallel_loop3A_100, %parallel_loop3A_102 : vector<16xi32>
        %parallel_loop3A_104 = arith.addi %parallel_loop3A_82, %parallel_loop3A_103 : vector<16xi32>
        %parallel_loop3A_105 = tpu.vector_load_idx %arg8[%parallel_loop3A_104] : memref<16384xi32, #tpu.memory_space<vmem>>[vector<16xi32>], vector<16xi32>,
        %parallel_loop3A_106 = arith.constant 31 : i32
        %parallel_loop3A_107 = vector.broadcast %parallel_loop3A_106 : i32 to vector<16xi32>
        %parallel_loop3A_108 = arith.andi %parallel_loop3A_100, %parallel_loop3A_107 : vector<16xi32>
        %parallel_loop3A_109 = arith.shrsi %parallel_loop3A_105, %parallel_loop3A_108 : vector<16xi32>
        %parallel_loop3A_110 = arith.constant 1 : i32
        %parallel_loop3A_111 = vector.broadcast %parallel_loop3A_110 : i32 to vector<16xi32>
        %parallel_loop3A_112 = arith.andi %parallel_loop3A_109, %parallel_loop3A_111 : vector<16xi32>
        %parallel_loop3A_113 = arith.addi %parallel_loop3A_98, %parallel_loop3A_98 : vector<16xi32>
        %parallel_loop3A_114 = arith.addi %parallel_loop3A_113, %parallel_loop3A_112 : vector<16xi32>
        %parallel_loop3A_115 = tpu.memref_slice %arg6[%mul3A_71] : memref<32768xi32, #tpu.memory_space<vmem>> -> memref<1024xi32, #tpu.memory_space<vmem>>
        %parallel_loop3A_116 = tpu.vector_load_idx %parallel_loop3A_115[%parallel_loop3A_114] : memref<1024xi32, #tpu.memory_space<vmem>>[vector<16xi32>], vector<16xi32>,
        %parallel_loop3A_117 = arith.constant 5 : i32
        %parallel_loop3A_118 = vector.broadcast %parallel_loop3A_117 : i32 to vector<16xi32>
        %parallel_loop3A_119 = arith.shrsi %parallel_loop3A_116, %parallel_loop3A_118 : vector<16xi32>
        %parallel_loop3A_120 = arith.addi %parallel_loop3A_82, %parallel_loop3A_119 : vector<16xi32>
        %parallel_loop3A_121 = tpu.vector_load_idx %arg8[%parallel_loop3A_120] : memref<16384xi32, #tpu.memory_space<vmem>>[vector<16xi32>], vector<16xi32>,
        %parallel_loop3A_122 = arith.constant 31 : i32
        %parallel_loop3A_123 = vector.broadcast %parallel_loop3A_122 : i32 to vector<16xi32>
        %parallel_loop3A_124 = arith.andi %parallel_loop3A_116, %parallel_loop3A_123 : vector<16xi32>
        %parallel_loop3A_125 = arith.shrsi %parallel_loop3A_121, %parallel_loop3A_124 : vector<16xi32>
        %parallel_loop3A_126 = arith.constant 1 : i32
        %parallel_loop3A_127 = vector.broadcast %parallel_loop3A_126 : i32 to vector<16xi32>
        %parallel_loop3A_128 = arith.andi %parallel_loop3A_125, %parallel_loop3A_127 : vector<16xi32>
        %parallel_loop3A_129 = arith.addi %parallel_loop3A_114, %parallel_loop3A_114 : vector<16xi32>
        %parallel_loop3A_130 = arith.addi %parallel_loop3A_129, %parallel_loop3A_128 : vector<16xi32>
        %parallel_loop3A_131 = tpu.memref_slice %arg6[%mul3A_71] : memref<32768xi32, #tpu.memory_space<vmem>> -> memref<1024xi32, #tpu.memory_space<vmem>>
        %parallel_loop3A_132 = tpu.vector_load_idx %parallel_loop3A_131[%parallel_loop3A_130] : memref<1024xi32, #tpu.memory_space<vmem>>[vector<16xi32>], vector<16xi32>,
        %parallel_loop3A_133 = arith.constant 5 : i32
        %parallel_loop3A_134 = vector.broadcast %parallel_loop3A_133 : i32 to vector<16xi32>
        %parallel_loop3A_135 = arith.shrsi %parallel_loop3A_132, %parallel_loop3A_134 : vector<16xi32>
        %parallel_loop3A_136 = arith.addi %parallel_loop3A_82, %parallel_loop3A_135 : vector<16xi32>
        %parallel_loop3A_137 = tpu.vector_load_idx %arg8[%parallel_loop3A_136] : memref<16384xi32, #tpu.memory_space<vmem>>[vector<16xi32>], vector<16xi32>,
        %parallel_loop3A_138 = arith.constant 31 : i32
        %parallel_loop3A_139 = vector.broadcast %parallel_loop3A_138 : i32 to vector<16xi32>
        %parallel_loop3A_140 = arith.andi %parallel_loop3A_132, %parallel_loop3A_139 : vector<16xi32>
        %parallel_loop3A_141 = arith.shrsi %parallel_loop3A_137, %parallel_loop3A_140 : vector<16xi32>
        %parallel_loop3A_142 = arith.constant 1 : i32
        %parallel_loop3A_143 = vector.broadcast %parallel_loop3A_142 : i32 to vector<16xi32>
        %parallel_loop3A_144 = arith.andi %parallel_loop3A_141, %parallel_loop3A_143 : vector<16xi32>
        %parallel_loop3A_145 = arith.addi %parallel_loop3A_130, %parallel_loop3A_130 : vector<16xi32>
        %parallel_loop3A_146 = arith.addi %parallel_loop3A_145, %parallel_loop3A_144 : vector<16xi32>
        %parallel_loop3A_147 = tpu.memref_slice %arg6[%mul3A_71] : memref<32768xi32, #tpu.memory_space<vmem>> -> memref<1024xi32, #tpu.memory_space<vmem>>
        %parallel_loop3A_148 = tpu.vector_load_idx %parallel_loop3A_147[%parallel_loop3A_146] : memref<1024xi32, #tpu.memory_space<vmem>>[vector<16xi32>], vector<16xi32>,
        %parallel_loop3A_149 = arith.constant 5 : i32
        %parallel_loop3A_150 = vector.broadcast %parallel_loop3A_149 : i32 to vector<16xi32>
        %parallel_loop3A_151 = arith.shrsi %parallel_loop3A_148, %parallel_loop3A_150 : vector<16xi32>
        %parallel_loop3A_152 = arith.addi %parallel_loop3A_82, %parallel_loop3A_151 : vector<16xi32>
        %parallel_loop3A_153 = tpu.vector_load_idx %arg8[%parallel_loop3A_152] : memref<16384xi32, #tpu.memory_space<vmem>>[vector<16xi32>], vector<16xi32>,
        %parallel_loop3A_154 = arith.constant 31 : i32
        %parallel_loop3A_155 = vector.broadcast %parallel_loop3A_154 : i32 to vector<16xi32>
        %parallel_loop3A_156 = arith.andi %parallel_loop3A_148, %parallel_loop3A_155 : vector<16xi32>
        %parallel_loop3A_157 = arith.shrsi %parallel_loop3A_153, %parallel_loop3A_156 : vector<16xi32>
        %parallel_loop3A_158 = arith.constant 1 : i32
        %parallel_loop3A_159 = vector.broadcast %parallel_loop3A_158 : i32 to vector<16xi32>
        %parallel_loop3A_160 = arith.andi %parallel_loop3A_157, %parallel_loop3A_159 : vector<16xi32>
        %parallel_loop3A_161 = arith.addi %parallel_loop3A_146, %parallel_loop3A_146 : vector<16xi32>
        %parallel_loop3A_162 = arith.addi %parallel_loop3A_161, %parallel_loop3A_160 : vector<16xi32>
        %parallel_loop3A_163 = tpu.memref_slice %arg6[%mul3A_71] : memref<32768xi32, #tpu.memory_space<vmem>> -> memref<1024xi32, #tpu.memory_space<vmem>>
        %parallel_loop3A_164 = tpu.vector_load_idx %parallel_loop3A_163[%parallel_loop3A_162] : memref<1024xi32, #tpu.memory_space<vmem>>[vector<16xi32>], vector<16xi32>,
        %parallel_loop3A_165 = arith.constant 5 : i32
        %parallel_loop3A_166 = vector.broadcast %parallel_loop3A_165 : i32 to vector<16xi32>
        %parallel_loop3A_167 = arith.shrsi %parallel_loop3A_164, %parallel_loop3A_166 : vector<16xi32>
        %parallel_loop3A_168 = arith.addi %parallel_loop3A_82, %parallel_loop3A_167 : vector<16xi32>
        %parallel_loop3A_169 = tpu.vector_load_idx %arg8[%parallel_loop3A_168] : memref<16384xi32, #tpu.memory_space<vmem>>[vector<16xi32>], vector<16xi32>,
        %parallel_loop3A_170 = arith.constant 31 : i32
        %parallel_loop3A_171 = vector.broadcast %parallel_loop3A_170 : i32 to vector<16xi32>
        %parallel_loop3A_172 = arith.andi %parallel_loop3A_164, %parallel_loop3A_171 : vector<16xi32>
        %parallel_loop3A_173 = arith.shrsi %parallel_loop3A_169, %parallel_loop3A_172 : vector<16xi32>
        %parallel_loop3A_174 = arith.constant 1 : i32
        %parallel_loop3A_175 = vector.broadcast %parallel_loop3A_174 : i32 to vector<16xi32>
        %parallel_loop3A_176 = arith.andi %parallel_loop3A_173, %parallel_loop3A_175 : vector<16xi32>
        %parallel_loop3A_177 = arith.addi %parallel_loop3A_162, %parallel_loop3A_162 : vector<16xi32>
        %parallel_loop3A_178 = arith.addi %parallel_loop3A_177, %parallel_loop3A_176 : vector<16xi32>
        %parallel_loop3A_179 = tpu.memref_slice %arg6[%mul3A_71] : memref<32768xi32, #tpu.memory_space<vmem>> -> memref<1024xi32, #tpu.memory_space<vmem>>
        %parallel_loop3A_180 = tpu.vector_load_idx %parallel_loop3A_179[%parallel_loop3A_178] : memref<1024xi32, #tpu.memory_space<vmem>>[vector<16xi32>], vector<16xi32>,
        %parallel_loop3A_181 = arith.constant 5 : i32
        %parallel_loop3A_182 = vector.broadcast %parallel_loop3A_181 : i32 to vector<16xi32>
        %parallel_loop3A_183 = arith.shrsi %parallel_loop3A_180, %parallel_loop3A_182 : vector<16xi32>
        %parallel_loop3A_184 = arith.addi %parallel_loop3A_82, %parallel_loop3A_183 : vector<16xi32>
        %parallel_loop3A_185 = tpu.vector_load_idx %arg8[%parallel_loop3A_184] : memref<16384xi32, #tpu.memory_space<vmem>>[vector<16xi32>], vector<16xi32>,
        %parallel_loop3A_186 = arith.constant 31 : i32
        %parallel_loop3A_187 = vector.broadcast %parallel_loop3A_186 : i32 to vector<16xi32>
        %parallel_loop3A_188 = arith.andi %parallel_loop3A_180, %parallel_loop3A_187 : vector<16xi32>
        %parallel_loop3A_189 = arith.shrsi %parallel_loop3A_185, %parallel_loop3A_188 : vector<16xi32>
        %parallel_loop3A_190 = arith.constant 1 : i32
        %parallel_loop3A_191 = vector.broadcast %parallel_loop3A_190 : i32 to vector<16xi32>
        %parallel_loop3A_192 = arith.andi %parallel_loop3A_189, %parallel_loop3A_191 : vector<16xi32>
        %parallel_loop3A_193 = arith.addi %parallel_loop3A_178, %parallel_loop3A_178 : vector<16xi32>
        %parallel_loop3A_194 = arith.addi %parallel_loop3A_193, %parallel_loop3A_192 : vector<16xi32>
        %parallel_loop3A_195 = tpu.memref_slice %arg6[%mul3A_71] : memref<32768xi32, #tpu.memory_space<vmem>> -> memref<1024xi32, #tpu.memory_space<vmem>>
        %parallel_loop3A_196 = tpu.vector_load_idx %parallel_loop3A_195[%parallel_loop3A_194] : memref<1024xi32, #tpu.memory_space<vmem>>[vector<16xi32>], vector<16xi32>,
        %parallel_loop3A_197 = arith.constant 5 : i32
        %parallel_loop3A_198 = vector.broadcast %parallel_loop3A_197 : i32 to vector<16xi32>
        %parallel_loop3A_199 = arith.shrsi %parallel_loop3A_196, %parallel_loop3A_198 : vector<16xi32>
        %parallel_loop3A_200 = arith.addi %parallel_loop3A_82, %parallel_loop3A_199 : vector<16xi32>
        %parallel_loop3A_201 = tpu.vector_load_idx %arg8[%parallel_loop3A_200] : memref<16384xi32, #tpu.memory_space<vmem>>[vector<16xi32>], vector<16xi32>,
        %parallel_loop3A_202 = arith.constant 31 : i32
        %parallel_loop3A_203 = vector.broadcast %parallel_loop3A_202 : i32 to vector<16xi32>
        %parallel_loop3A_204 = arith.andi %parallel_loop3A_196, %parallel_loop3A_203 : vector<16xi32>
        %parallel_loop3A_205 = arith.shrsi %parallel_loop3A_201, %parallel_loop3A_204 : vector<16xi32>
        %parallel_loop3A_206 = arith.constant 1 : i32
        %parallel_loop3A_207 = vector.broadcast %parallel_loop3A_206 : i32 to vector<16xi32>
        %parallel_loop3A_208 = arith.andi %parallel_loop3A_205, %parallel_loop3A_207 : vector<16xi32>
        %parallel_loop3A_209 = arith.addi %parallel_loop3A_194, %parallel_loop3A_194 : vector<16xi32>
        %parallel_loop3A_210 = arith.addi %parallel_loop3A_209, %parallel_loop3A_208 : vector<16xi32>
        %parallel_loop3A_211 = tpu.memref_slice %arg6[%mul3A_71] : memref<32768xi32, #tpu.memory_space<vmem>> -> memref<1024xi32, #tpu.memory_space<vmem>>
        %parallel_loop3A_212 = tpu.vector_load_idx %parallel_loop3A_211[%parallel_loop3A_210] : memref<1024xi32, #tpu.memory_space<vmem>>[vector<16xi32>], vector<16xi32>,
        %parallel_loop3A_213 = arith.constant 5 : i32
        %parallel_loop3A_214 = vector.broadcast %parallel_loop3A_213 : i32 to vector<16xi32>
        %parallel_loop3A_215 = arith.shrsi %parallel_loop3A_212, %parallel_loop3A_214 : vector<16xi32>
        %parallel_loop3A_216 = arith.addi %parallel_loop3A_82, %parallel_loop3A_215 : vector<16xi32>
        %parallel_loop3A_217 = tpu.vector_load_idx %arg8[%parallel_loop3A_216] : memref<16384xi32, #tpu.memory_space<vmem>>[vector<16xi32>], vector<16xi32>,
        %parallel_loop3A_218 = arith.constant 31 : i32
        %parallel_loop3A_219 = vector.broadcast %parallel_loop3A_218 : i32 to vector<16xi32>
        %parallel_loop3A_220 = arith.andi %parallel_loop3A_212, %parallel_loop3A_219 : vector<16xi32>
        %parallel_loop3A_221 = arith.shrsi %parallel_loop3A_217, %parallel_loop3A_220 : vector<16xi32>
        %parallel_loop3A_222 = arith.constant 1 : i32
        %parallel_loop3A_223 = vector.broadcast %parallel_loop3A_222 : i32 to vector<16xi32>
        %parallel_loop3A_224 = arith.andi %parallel_loop3A_221, %parallel_loop3A_223 : vector<16xi32>
        %parallel_loop3A_225 = arith.addi %parallel_loop3A_210, %parallel_loop3A_210 : vector<16xi32>
        %parallel_loop3A_226 = arith.addi %parallel_loop3A_225, %parallel_loop3A_224 : vector<16xi32>
        %parallel_loop3A_227 = tpu.memref_slice %arg6[%mul3A_71] : memref<32768xi32, #tpu.memory_space<vmem>> -> memref<1024xi32, #tpu.memory_space<vmem>>
        %parallel_loop3A_228 = tpu.vector_load_idx %parallel_loop3A_227[%parallel_loop3A_226] : memref<1024xi32, #tpu.memory_space<vmem>>[vector<16xi32>], vector<16xi32>,
        %parallel_loop3A_229 = arith.constant 5 : i32
        %parallel_loop3A_230 = vector.broadcast %parallel_loop3A_229 : i32 to vector<16xi32>
        %parallel_loop3A_231 = arith.shrsi %parallel_loop3A_228, %parallel_loop3A_230 : vector<16xi32>
        %parallel_loop3A_232 = arith.addi %parallel_loop3A_82, %parallel_loop3A_231 : vector<16xi32>
        %parallel_loop3A_233 = tpu.vector_load_idx %arg8[%parallel_loop3A_232] : memref<16384xi32, #tpu.memory_space<vmem>>[vector<16xi32>], vector<16xi32>,
        %parallel_loop3A_234 = arith.constant 31 : i32
        %parallel_loop3A_235 = vector.broadcast %parallel_loop3A_234 : i32 to vector<16xi32>
        %parallel_loop3A_236 = arith.andi %parallel_loop3A_228, %parallel_loop3A_235 : vector<16xi32>
        %parallel_loop3A_237 = arith.shrsi %parallel_loop3A_233, %parallel_loop3A_236 : vector<16xi32>
        %parallel_loop3A_238 = arith.constant 1 : i32
        %parallel_loop3A_239 = vector.broadcast %parallel_loop3A_238 : i32 to vector<16xi32>
        %parallel_loop3A_240 = arith.andi %parallel_loop3A_237, %parallel_loop3A_239 : vector<16xi32>
        %parallel_loop3A_241 = arith.addi %parallel_loop3A_226, %parallel_loop3A_226 : vector<16xi32>
        %parallel_loop3A_242 = arith.addi %parallel_loop3A_241, %parallel_loop3A_240 : vector<16xi32>
        %parallel_loop3A_243 = arith.constant 1023 : i32
        %parallel_loop3A_244 = vector.broadcast %parallel_loop3A_243 : i32 to vector<16xi32>
        %parallel_loop3A_245 = arith.andi %parallel_loop3A_242, %parallel_loop3A_244 : vector<16xi32>
        %parallel_loop3A_246 = tpu.memref_slice %arg7[%mul3A_73] : memref<32768xi32, #tpu.memory_space<vmem>> -> memref<1024xi32, #tpu.memory_space<vmem>>
        %parallel_loop3A_247 = tpu.vector_load_idx %parallel_loop3A_246[%parallel_loop3A_245] : memref<1024xi32, #tpu.memory_space<vmem>>[vector<16xi32>], vector<16xi32>,
        %parallel_loop3A_248 = arith.constant 16 : i32
        %parallel_loop3A_249 = arith.muli %parallel_loop3A_78, %parallel_loop3A_248 : i32
        %parallel_loop3A_250 = vector.broadcast %parallel_loop3A_249 : i32 to vector<16xi32>
        %parallel_loop3A_251 = arith.addi %parallel_loop3A_250, %iota3A : vector<16xi32>
        tpu.vector_store_idx %arg9[%parallel_loop3A_251, %broadcast_in_dim3A_74], %parallel_loop3A_247 : memref<1024x32xi32, #tpu.memory_space<vmem>>[vector<16xi32>, vector<16xi32>], vector<16xi32>,
      } {sc.loop_unroll_factor = 4 : i64, sc.parallel_access}
      %scan3A_77 = arith.constant 0 : i32
      scf.yield %scan3A_77 : i32
    }
    %scan3A_65 = arith.constant 32 : i32
    %mul3A_66 = arith.constant 32 : i32
    %mul3A_67 = arith.muli %select_n3A, %mul3A_66 : i32
    "tpu.region"() ({
      %run_scoped3A = tpu.sem_alloc : memref<!tpu.dma_semaphore, #tpu.memory_space<semaphore_mem>>
      %dma_start3A = tpu.memref_slice %arg5[%add3A_56, %mul3A_67] : memref<16384x128xi32, #tpu.memory_space<hbm>> -> memref<1024x32xi32, #tpu.memory_space<hbm>>
      %dma_start3A_68 = tpu.memref_slice %arg5[%add3A_56, %mul3A_67] : memref<16384x128xi32, #tpu.memory_space<hbm>> -> memref<1024x32xi32, #tpu.memory_space<hbm>>
      tpu.enqueue_dma source(%arg9 : memref<1024x32xi32, #tpu.memory_space<vmem>>) target(%dma_start3A_68 : memref<1024x32xi32, #tpu.memory_space<hbm>>) target_semaphore(%run_scoped3A : memref<!tpu.dma_semaphore, #tpu.memory_space<semaphore_mem>>)
      %dma_wait3A = tpu.memref_slice %arg5[%add3A_56, %mul3A_67] : memref<16384x128xi32, #tpu.memory_space<hbm>> -> memref<1024x32xi32, #tpu.memory_space<hbm>>
      %dma_wait3A_69 = tpu.memref_slice %arg5[%add3A_56, %mul3A_67] : memref<16384x128xi32, #tpu.memory_space<hbm>> -> memref<1024x32xi32, #tpu.memory_space<hbm>>
      tpu.wait_dma2 semaphore(%run_scoped3A : memref<!tpu.dma_semaphore, #tpu.memory_space<semaphore_mem>>) src(%arg9 : memref<1024x32xi32, #tpu.memory_space<vmem>>) dst(%dma_wait3A_69 : memref<1024x32xi32, #tpu.memory_space<hbm>>)
      tpu.yield
    }) : () -> ()
    return
  }
}

module attributes {stable_mosaic.version = 14 : i64} {
  func.func @_assemble_body(%arg0: i32, %arg1: memref<1024x512xi32, #tpu.memory_space<vmem>>, %arg2: memref<1024x128xi32, #tpu.memory_space<vmem>>, %arg3: memref<1024x1792xi32, #tpu.memory_space<vmem>>, %arg4: memref<1024x128xi32, #tpu.memory_space<vmem>>) attributes {dimension_semantics = [#tpu.dimension_semantics<arbitrary>], iteration_bounds = array<i64: 16>, scalar_prefetch = 0 : i64, scratch_operands = 0 : i64, tpu.core_type = #tpu.core_type<tc>, window_params = [{transform_indices = @transform_0, window_bounds = array<i64: 1024, 512>}, {transform_indices = @transform_1, window_bounds = array<i64: 1024, 128>}, {transform_indices = @transform_2, window_bounds = array<i64: 1024, 1792>}, {transform_indices = @transform_3, window_bounds = array<i64: 1024, 128>}]} {
    %get3A = arith.constant 0 : index
    %get3A_0 = arith.constant 0 : index
    %get3A_1 = vector.load %arg1[%get3A, %get3A_0] : memref<1024x512xi32, #tpu.memory_space<vmem>>, vector<1024x512xi32>
    %get3A_2 = arith.constant dense<0> : vector<1024x512xi32>
    %get3A_3 = arith.cmpi ne, %get3A_1, %get3A_2 : vector<1024x512xi32>
    %swap3A = arith.constant 0 : index
    %swap3A_4 = arith.constant 0 : index
    %swap3A_5 = vector.load %arg3[%swap3A, %swap3A_4] : memref<1024x1792xi32, #tpu.memory_space<vmem>>, vector<1024x512xi32>
    %swap3A_6 = arith.extui %get3A_3 : vector<1024x512xi1> to vector<1024x512xi32>
    %swap3A_7 = arith.constant dense<0> : vector<1024x512xi32>
    %swap3A_8 = arith.cmpi ne, %swap3A_5, %swap3A_7 : vector<1024x512xi32>
    tpu.vector_store %arg3[%swap3A, %swap3A_4], %swap3A_6 {strides = array<i32>} : memref<1024x1792xi32, #tpu.memory_space<vmem>>, vector<1024x512xi32>,
    %get3A_9 = arith.constant 0 : index
    %get3A_10 = arith.constant 0 : index
    %get3A_11 = vector.load %arg2[%get3A_9, %get3A_10] : memref<1024x128xi32, #tpu.memory_space<vmem>>, vector<1024x128xi32>
    %shift_right_arithmetic3A = arith.constant 0 : i32
    %shift_right_arithmetic3A_12 = vector.broadcast %shift_right_arithmetic3A : i32 to vector<1024x128xi32>
    %shift_right_arithmetic3A_13 = arith.shrsi %get3A_11, %shift_right_arithmetic3A_12 : vector<1024x128xi32>
    %and3A = arith.constant 1 : i32
    %and3A_14 = vector.broadcast %and3A : i32 to vector<1024x128xi32>
    %and3A_15 = arith.andi %shift_right_arithmetic3A_13, %and3A_14 : vector<1024x128xi32>
    %ne3A = arith.constant 0 : i32
    %ne3A_16 = vector.broadcast %ne3A : i32 to vector<1024x128xi32>
    %ne3A_17 = arith.cmpi ne, %and3A_15, %ne3A_16 : vector<1024x128xi32>
    %swap3A_18 = arith.constant 0 : index
    %swap3A_19 = arith.constant 512 : index
    %swap3A_20 = vector.load %arg3[%swap3A_18, %swap3A_19] : memref<1024x1792xi32, #tpu.memory_space<vmem>>, vector<1024x128xi32>
    %swap3A_21 = arith.extui %ne3A_17 : vector<1024x128xi1> to vector<1024x128xi32>
    %swap3A_22 = arith.constant dense<0> : vector<1024x128xi32>
    %swap3A_23 = arith.cmpi ne, %swap3A_20, %swap3A_22 : vector<1024x128xi32>
    tpu.vector_store %arg3[%swap3A_18, %swap3A_19], %swap3A_21 {strides = array<i32>} : memref<1024x1792xi32, #tpu.memory_space<vmem>>, vector<1024x128xi32>,
    %shift_right_arithmetic3A_24 = arith.constant 1 : i32
    %shift_right_arithmetic3A_25 = vector.broadcast %shift_right_arithmetic3A_24 : i32 to vector<1024x128xi32>
    %shift_right_arithmetic3A_26 = arith.shrsi %get3A_11, %shift_right_arithmetic3A_25 : vector<1024x128xi32>
    %and3A_27 = arith.constant 1 : i32
    %and3A_28 = vector.broadcast %and3A_27 : i32 to vector<1024x128xi32>
    %and3A_29 = arith.andi %shift_right_arithmetic3A_26, %and3A_28 : vector<1024x128xi32>
    %ne3A_30 = arith.constant 0 : i32
    %ne3A_31 = vector.broadcast %ne3A_30 : i32 to vector<1024x128xi32>
    %ne3A_32 = arith.cmpi ne, %and3A_29, %ne3A_31 : vector<1024x128xi32>
    %swap3A_33 = arith.constant 0 : index
    %swap3A_34 = arith.constant 640 : index
    %swap3A_35 = vector.load %arg3[%swap3A_33, %swap3A_34] : memref<1024x1792xi32, #tpu.memory_space<vmem>>, vector<1024x128xi32>
    %swap3A_36 = arith.extui %ne3A_32 : vector<1024x128xi1> to vector<1024x128xi32>
    %swap3A_37 = arith.constant dense<0> : vector<1024x128xi32>
    %swap3A_38 = arith.cmpi ne, %swap3A_35, %swap3A_37 : vector<1024x128xi32>
    tpu.vector_store %arg3[%swap3A_33, %swap3A_34], %swap3A_36 {strides = array<i32>} : memref<1024x1792xi32, #tpu.memory_space<vmem>>, vector<1024x128xi32>,
    %shift_right_arithmetic3A_39 = arith.constant 2 : i32
    %shift_right_arithmetic3A_40 = vector.broadcast %shift_right_arithmetic3A_39 : i32 to vector<1024x128xi32>
    %shift_right_arithmetic3A_41 = arith.shrsi %get3A_11, %shift_right_arithmetic3A_40 : vector<1024x128xi32>
    %and3A_42 = arith.constant 1 : i32
    %and3A_43 = vector.broadcast %and3A_42 : i32 to vector<1024x128xi32>
    %and3A_44 = arith.andi %shift_right_arithmetic3A_41, %and3A_43 : vector<1024x128xi32>
    %ne3A_45 = arith.constant 0 : i32
    %ne3A_46 = vector.broadcast %ne3A_45 : i32 to vector<1024x128xi32>
    %ne3A_47 = arith.cmpi ne, %and3A_44, %ne3A_46 : vector<1024x128xi32>
    %swap3A_48 = arith.constant 0 : index
    %swap3A_49 = arith.constant 768 : index
    %swap3A_50 = vector.load %arg3[%swap3A_48, %swap3A_49] : memref<1024x1792xi32, #tpu.memory_space<vmem>>, vector<1024x128xi32>
    %swap3A_51 = arith.extui %ne3A_47 : vector<1024x128xi1> to vector<1024x128xi32>
    %swap3A_52 = arith.constant dense<0> : vector<1024x128xi32>
    %swap3A_53 = arith.cmpi ne, %swap3A_50, %swap3A_52 : vector<1024x128xi32>
    tpu.vector_store %arg3[%swap3A_48, %swap3A_49], %swap3A_51 {strides = array<i32>} : memref<1024x1792xi32, #tpu.memory_space<vmem>>, vector<1024x128xi32>,
    %shift_right_arithmetic3A_54 = arith.constant 3 : i32
    %shift_right_arithmetic3A_55 = vector.broadcast %shift_right_arithmetic3A_54 : i32 to vector<1024x128xi32>
    %shift_right_arithmetic3A_56 = arith.shrsi %get3A_11, %shift_right_arithmetic3A_55 : vector<1024x128xi32>
    %and3A_57 = arith.constant 1 : i32
    %and3A_58 = vector.broadcast %and3A_57 : i32 to vector<1024x128xi32>
    %and3A_59 = arith.andi %shift_right_arithmetic3A_56, %and3A_58 : vector<1024x128xi32>
    %ne3A_60 = arith.constant 0 : i32
    %ne3A_61 = vector.broadcast %ne3A_60 : i32 to vector<1024x128xi32>
    %ne3A_62 = arith.cmpi ne, %and3A_59, %ne3A_61 : vector<1024x128xi32>
    %swap3A_63 = arith.constant 0 : index
    %swap3A_64 = arith.constant 896 : index
    %swap3A_65 = vector.load %arg3[%swap3A_63, %swap3A_64] : memref<1024x1792xi32, #tpu.memory_space<vmem>>, vector<1024x128xi32>
    %swap3A_66 = arith.extui %ne3A_62 : vector<1024x128xi1> to vector<1024x128xi32>
    %swap3A_67 = arith.constant dense<0> : vector<1024x128xi32>
    %swap3A_68 = arith.cmpi ne, %swap3A_65, %swap3A_67 : vector<1024x128xi32>
    tpu.vector_store %arg3[%swap3A_63, %swap3A_64], %swap3A_66 {strides = array<i32>} : memref<1024x1792xi32, #tpu.memory_space<vmem>>, vector<1024x128xi32>,
    %shift_right_arithmetic3A_69 = arith.constant 4 : i32
    %shift_right_arithmetic3A_70 = vector.broadcast %shift_right_arithmetic3A_69 : i32 to vector<1024x128xi32>
    %shift_right_arithmetic3A_71 = arith.shrsi %get3A_11, %shift_right_arithmetic3A_70 : vector<1024x128xi32>
    %and3A_72 = arith.constant 1 : i32
    %and3A_73 = vector.broadcast %and3A_72 : i32 to vector<1024x128xi32>
    %and3A_74 = arith.andi %shift_right_arithmetic3A_71, %and3A_73 : vector<1024x128xi32>
    %ne3A_75 = arith.constant 0 : i32
    %ne3A_76 = vector.broadcast %ne3A_75 : i32 to vector<1024x128xi32>
    %ne3A_77 = arith.cmpi ne, %and3A_74, %ne3A_76 : vector<1024x128xi32>
    %swap3A_78 = arith.constant 0 : index
    %swap3A_79 = arith.constant 1024 : index
    %swap3A_80 = vector.load %arg3[%swap3A_78, %swap3A_79] : memref<1024x1792xi32, #tpu.memory_space<vmem>>, vector<1024x128xi32>
    %swap3A_81 = arith.extui %ne3A_77 : vector<1024x128xi1> to vector<1024x128xi32>
    %swap3A_82 = arith.constant dense<0> : vector<1024x128xi32>
    %swap3A_83 = arith.cmpi ne, %swap3A_80, %swap3A_82 : vector<1024x128xi32>
    tpu.vector_store %arg3[%swap3A_78, %swap3A_79], %swap3A_81 {strides = array<i32>} : memref<1024x1792xi32, #tpu.memory_space<vmem>>, vector<1024x128xi32>,
    %shift_right_arithmetic3A_84 = arith.constant 5 : i32
    %shift_right_arithmetic3A_85 = vector.broadcast %shift_right_arithmetic3A_84 : i32 to vector<1024x128xi32>
    %shift_right_arithmetic3A_86 = arith.shrsi %get3A_11, %shift_right_arithmetic3A_85 : vector<1024x128xi32>
    %and3A_87 = arith.constant 1 : i32
    %and3A_88 = vector.broadcast %and3A_87 : i32 to vector<1024x128xi32>
    %and3A_89 = arith.andi %shift_right_arithmetic3A_86, %and3A_88 : vector<1024x128xi32>
    %ne3A_90 = arith.constant 0 : i32
    %ne3A_91 = vector.broadcast %ne3A_90 : i32 to vector<1024x128xi32>
    %ne3A_92 = arith.cmpi ne, %and3A_89, %ne3A_91 : vector<1024x128xi32>
    %swap3A_93 = arith.constant 0 : index
    %swap3A_94 = arith.constant 1152 : index
    %swap3A_95 = vector.load %arg3[%swap3A_93, %swap3A_94] : memref<1024x1792xi32, #tpu.memory_space<vmem>>, vector<1024x128xi32>
    %swap3A_96 = arith.extui %ne3A_92 : vector<1024x128xi1> to vector<1024x128xi32>
    %swap3A_97 = arith.constant dense<0> : vector<1024x128xi32>
    %swap3A_98 = arith.cmpi ne, %swap3A_95, %swap3A_97 : vector<1024x128xi32>
    tpu.vector_store %arg3[%swap3A_93, %swap3A_94], %swap3A_96 {strides = array<i32>} : memref<1024x1792xi32, #tpu.memory_space<vmem>>, vector<1024x128xi32>,
    %shift_right_arithmetic3A_99 = arith.constant 6 : i32
    %shift_right_arithmetic3A_100 = vector.broadcast %shift_right_arithmetic3A_99 : i32 to vector<1024x128xi32>
    %shift_right_arithmetic3A_101 = arith.shrsi %get3A_11, %shift_right_arithmetic3A_100 : vector<1024x128xi32>
    %and3A_102 = arith.constant 1 : i32
    %and3A_103 = vector.broadcast %and3A_102 : i32 to vector<1024x128xi32>
    %and3A_104 = arith.andi %shift_right_arithmetic3A_101, %and3A_103 : vector<1024x128xi32>
    %ne3A_105 = arith.constant 0 : i32
    %ne3A_106 = vector.broadcast %ne3A_105 : i32 to vector<1024x128xi32>
    %ne3A_107 = arith.cmpi ne, %and3A_104, %ne3A_106 : vector<1024x128xi32>
    %swap3A_108 = arith.constant 0 : index
    %swap3A_109 = arith.constant 1280 : index
    %swap3A_110 = vector.load %arg3[%swap3A_108, %swap3A_109] : memref<1024x1792xi32, #tpu.memory_space<vmem>>, vector<1024x128xi32>
    %swap3A_111 = arith.extui %ne3A_107 : vector<1024x128xi1> to vector<1024x128xi32>
    %swap3A_112 = arith.constant dense<0> : vector<1024x128xi32>
    %swap3A_113 = arith.cmpi ne, %swap3A_110, %swap3A_112 : vector<1024x128xi32>
    tpu.vector_store %arg3[%swap3A_108, %swap3A_109], %swap3A_111 {strides = array<i32>} : memref<1024x1792xi32, #tpu.memory_space<vmem>>, vector<1024x128xi32>,
    %shift_right_arithmetic3A_114 = arith.constant 7 : i32
    %shift_right_arithmetic3A_115 = vector.broadcast %shift_right_arithmetic3A_114 : i32 to vector<1024x128xi32>
    %shift_right_arithmetic3A_116 = arith.shrsi %get3A_11, %shift_right_arithmetic3A_115 : vector<1024x128xi32>
    %and3A_117 = arith.constant 1 : i32
    %and3A_118 = vector.broadcast %and3A_117 : i32 to vector<1024x128xi32>
    %and3A_119 = arith.andi %shift_right_arithmetic3A_116, %and3A_118 : vector<1024x128xi32>
    %ne3A_120 = arith.constant 0 : i32
    %ne3A_121 = vector.broadcast %ne3A_120 : i32 to vector<1024x128xi32>
    %ne3A_122 = arith.cmpi ne, %and3A_119, %ne3A_121 : vector<1024x128xi32>
    %swap3A_123 = arith.constant 0 : index
    %swap3A_124 = arith.constant 1408 : index
    %swap3A_125 = vector.load %arg3[%swap3A_123, %swap3A_124] : memref<1024x1792xi32, #tpu.memory_space<vmem>>, vector<1024x128xi32>
    %swap3A_126 = arith.extui %ne3A_122 : vector<1024x128xi1> to vector<1024x128xi32>
    %swap3A_127 = arith.constant dense<0> : vector<1024x128xi32>
    %swap3A_128 = arith.cmpi ne, %swap3A_125, %swap3A_127 : vector<1024x128xi32>
    tpu.vector_store %arg3[%swap3A_123, %swap3A_124], %swap3A_126 {strides = array<i32>} : memref<1024x1792xi32, #tpu.memory_space<vmem>>, vector<1024x128xi32>,
    %shift_right_arithmetic3A_129 = arith.constant 8 : i32
    %shift_right_arithmetic3A_130 = vector.broadcast %shift_right_arithmetic3A_129 : i32 to vector<1024x128xi32>
    %shift_right_arithmetic3A_131 = arith.shrsi %get3A_11, %shift_right_arithmetic3A_130 : vector<1024x128xi32>
    %and3A_132 = arith.constant 1 : i32
    %and3A_133 = vector.broadcast %and3A_132 : i32 to vector<1024x128xi32>
    %and3A_134 = arith.andi %shift_right_arithmetic3A_131, %and3A_133 : vector<1024x128xi32>
    %ne3A_135 = arith.constant 0 : i32
    %ne3A_136 = vector.broadcast %ne3A_135 : i32 to vector<1024x128xi32>
    %ne3A_137 = arith.cmpi ne, %and3A_134, %ne3A_136 : vector<1024x128xi32>
    %swap3A_138 = arith.constant 0 : index
    %swap3A_139 = arith.constant 1536 : index
    %swap3A_140 = vector.load %arg3[%swap3A_138, %swap3A_139] : memref<1024x1792xi32, #tpu.memory_space<vmem>>, vector<1024x128xi32>
    %swap3A_141 = arith.extui %ne3A_137 : vector<1024x128xi1> to vector<1024x128xi32>
    %swap3A_142 = arith.constant dense<0> : vector<1024x128xi32>
    %swap3A_143 = arith.cmpi ne, %swap3A_140, %swap3A_142 : vector<1024x128xi32>
    tpu.vector_store %arg3[%swap3A_138, %swap3A_139], %swap3A_141 {strides = array<i32>} : memref<1024x1792xi32, #tpu.memory_space<vmem>>, vector<1024x128xi32>,
    %shift_right_arithmetic3A_144 = arith.constant 9 : i32
    %shift_right_arithmetic3A_145 = vector.broadcast %shift_right_arithmetic3A_144 : i32 to vector<1024x128xi32>
    %shift_right_arithmetic3A_146 = arith.shrsi %get3A_11, %shift_right_arithmetic3A_145 : vector<1024x128xi32>
    %and3A_147 = arith.constant 1 : i32
    %and3A_148 = vector.broadcast %and3A_147 : i32 to vector<1024x128xi32>
    %and3A_149 = arith.andi %shift_right_arithmetic3A_146, %and3A_148 : vector<1024x128xi32>
    %ne3A_150 = arith.constant 0 : i32
    %ne3A_151 = vector.broadcast %ne3A_150 : i32 to vector<1024x128xi32>
    %ne3A_152 = arith.cmpi ne, %and3A_149, %ne3A_151 : vector<1024x128xi32>
    %swap3A_153 = arith.constant 0 : index
    %swap3A_154 = arith.constant 1664 : index
    %swap3A_155 = vector.load %arg3[%swap3A_153, %swap3A_154] : memref<1024x1792xi32, #tpu.memory_space<vmem>>, vector<1024x128xi32>
    %swap3A_156 = arith.extui %ne3A_152 : vector<1024x128xi1> to vector<1024x128xi32>
    %swap3A_157 = arith.constant dense<0> : vector<1024x128xi32>
    %swap3A_158 = arith.cmpi ne, %swap3A_155, %swap3A_157 : vector<1024x128xi32>
    tpu.vector_store %arg3[%swap3A_153, %swap3A_154], %swap3A_156 {strides = array<i32>} : memref<1024x1792xi32, #tpu.memory_space<vmem>>, vector<1024x128xi32>,
    %swap3A_159 = arith.constant 0 : index
    %swap3A_160 = arith.constant 0 : index
    %swap3A_161 = vector.load %arg4[%swap3A_159, %swap3A_160] : memref<1024x128xi32, #tpu.memory_space<vmem>>, vector<1024x128xi32>
    %swap3A_162 = arith.extui %ne3A_152 : vector<1024x128xi1> to vector<1024x128xi32>
    %swap3A_163 = arith.constant dense<0> : vector<1024x128xi32>
    %swap3A_164 = arith.cmpi ne, %swap3A_161, %swap3A_163 : vector<1024x128xi32>
    tpu.vector_store %arg4[%swap3A_159, %swap3A_160], %swap3A_162 {strides = array<i32>} : memref<1024x128xi32, #tpu.memory_space<vmem>>, vector<1024x128xi32>,
    return
  }
  func.func @transform_0(%arg0: i32) -> (i32, i32) {
    %c0_i32 = arith.constant 0 : i32
    %c0_i32_0 = arith.constant 0 : i32
    return %arg0, %c0_i32 : i32, i32
  }
  func.func @transform_1(%arg0: i32) -> (i32, i32) {
    %c0_i32 = arith.constant 0 : i32
    %c0_i32_0 = arith.constant 0 : i32
    return %arg0, %c0_i32 : i32, i32
  }
  func.func @transform_2(%arg0: i32) -> (i32, i32) {
    %c0_i32 = arith.constant 0 : i32
    %c0_i32_0 = arith.constant 0 : i32
    return %arg0, %c0_i32 : i32, i32
  }
  func.func @transform_3(%arg0: i32) -> (i32, i32) {
    %c0_i32 = arith.constant 0 : i32
    %c0_i32_0 = arith.constant 0 : i32
    return %arg0, %c0_i32 : i32, i32
  }
}

</mosaic_0001>

<sc_bundles>
// kernel: kernel.4.cloned.1.call-start
scs
__scs_entry_jumppad:
0x0: {  	(pc) =	sbr.rel $0x88, $3  }
0x1: {  	(tag) =	ssettag $0x0;
	lr =	simm.s32 $0x1  }
0x2: {  	[smem:$0x3F9E] =	sst lr;
	_ =	strace $0xD0000000  }
0x3: {  	_ = 	snop  }
0x4: {  	_ = 	snop  }
0x5: {  	_ = 	snop  }
0x6: {  	_ = 	snop  }
0x7: {  	_ = 	snop  }
__scs_overlays_trampoline_lowered:
0x8: {  	[smem:$0x3FAD] =	sst s0  }
0x9: {  	[smem:$0x3FAE] =	sst s1  }
0xa: {  	[smem:$0x3FAF] =	sst s2  }
0xb: {  	[smem:$0x3FB0] =	sst s3  }
0xc: {  	[smem:$0x3FB1] =	sst s4  }
0xd: {  	[smem:$0x3FB2] =	sst s5  }
0xe: {  	[smem:$0x3FB3] =	sst s6  }
0xf: {  	[smem:$0x3FB4] =	sst s7  }
0x10: {  	[smem:$0x3FB5] =	sst s8  }
0x11: {  	[smem:$0x3FB6] =	sst s9;
	s0 =	simm.s32 @!p0 $0x0  }
0x12: {  	s1 =	sld [smem:$0x3F9C];
	s0 =	simm.s32 @p0 $0x1  }
0x13: {  	[smem:$0x3FB7] =	sst s0;
	s0 =	simm.s32 @!p1 $0x0  }
0x14: {  	s2 =	sld [smem:$0x3F9B];
	s0 =	simm.s32 @p1 $0x1  }
0x15: {  	[smem:$0x3FB8] =	sst s0;
	s0 =	simm.s32 @!p2 $0x0  }
0x16: {  	s3 =	sld [smem:$0x3FDB];
	s0 =	simm.s32 @p2 $0x1  }
0x17: {  	s4 =	simm.s32 $0x1BF5;
	[smem:$0x3FBA] =	sst s0  }
0x18: {  	s0 =	sld [smem:$0x3F9D];
	_ =	swait.ge [sflag:s4], $0x0  }
0x19: {  	s7 =	sld [smem:$0x3F9E]  }
0x1a: {  	s8 =	sadd.s32 $0xFFFFE003, lr  }
0x1b: {  	s9 =	sadd.s32 $0xFFFFFEF7, lr;
	s5 =	simm.s32 $0xFFFFFFFF;
	p2 =	slt.u32 s8, $0xFFFFF086  }
0x1c: {  	p1 =	slt.u32 s9, $0xF7A;
	s5 =	simm.s32 @!p2 $0x0  }
0x1d: {  	s5 =	simm.s32 @p1 $0x1;
	p0 =	seq.s32 s7, s2  }
0x1e: {  	s7 =	smul.u32 @!p0 $0xF7A, s2;
	p2 =	seq.s32 @!p0 s5, $0x0  }
0x1f: {  	s9 =	smul.u32 $0xF7A, s1;
	s8 =	simm.s32 @!p0 $0x1BF5;
	p2 =	por !p2, p0  }
0x20: {  	[sflag:s8] =	ssyncset.s32 @!p0 $0xFFFFF086;
	s6 =	sadd.s32 @!p0 s3, s7;
	s7 =	simm.s32 @!p0 $0x108  }
0x21: {  	s3 =	sadd.s32 s3, s9;
	s6 =	sadd.s32 @!p0 $0x88, s6;
	s7 =	simm.s32 @p2 $0x1082  }
0x22: {  	[simem:s7], [sflag:s8] =	dma.local @!p0 [hbm:s6], $0xF7A  }
0x23: {  	s9 =	sor.u32 $0xD0000000, s2;
	s6 =	simm.s32 $0x108;
	_ =	swait.ge @!p0 [sflag:s8], $0x0  }
0x24: {  	s3 =	sadd.s32 $0x88, s3;
	s6 =	simm.s32 @!p1 $0x1082;
	[sflag:s4] =	ssyncset.s32 $0xFFFFF086  }
0x25: {  	[simem:s6], [sflag:s4] =	dma.local [hbm:s3], $0xF7A  }
0x26: {  	[smem:$0x3F9E] =	sst s1;
	(tag) =	ssettag s2;
	_ =	strace s9  }
0x27: {  	s1 =	sld [smem:$0x3FAE]  }
0x28: {  	s2 =	sld [smem:$0x3FAF]  }
0x29: {  	s4 =	sld [smem:$0x3FB1]  }
0x2a: {  	p0 =	seq.s32 s5, $0x0;
	s5 =	sld [smem:$0x3FB2]  }
0x2b: {  	s6 =	sld [smem:$0x3FB3]  }
0x2c: {  	s7 =	sld [smem:$0x3FB4]  }
0x2d: {  	s3 =	simm.s32 $0x108;
	s8 =	sld [smem:$0x3FB5]  }
0x2e: {  	s3 =	simm.s32 @!p0 $0x1082;
	s9 =	sld [smem:$0x3FB6]  }
0x2f: {  	lr =	sadd.s32 s0, s3;
	s0 =	sld [smem:$0x3FAD]  }
0x30: {  	s3 =	sld [smem:$0x3FB0]  }
0x31: {  	[smem:$0x3FB9] =	sst s10  }
0x32: {  	s10 =	sld [smem:$0x3FB7];
	_ =	sdelay $0x3  }
0x33: {  	p0 =	seq.s32 s10, $0x1;
	s10 =	sld [smem:$0x3FB9];
	_ =	sdelay $0x3  }
0x34: {  	[smem:$0x3FB9] =	sst s10  }
0x35: {  	s10 =	sld [smem:$0x3FB8];
	_ =	sdelay $0x3  }
0x36: {  	p1 =	seq.s32 s10, $0x1;
	s10 =	sld [smem:$0x3FB9];
	_ =	sdelay $0x3  }
0x37: {  	[smem:$0x3FB9] =	sst s10  }
0x38: {  	s10 =	sld [smem:$0x3FBA]  }
0x39: {  	_ = 	snop;
	(pc) =	sbr.ind lr, $3  }
0x3a: {  	_ = 	snop  }
0x3b: {  	_ = 	snop  }
0x3c: {  	p2 =	seq.s32 s10, $0x1;
	s10 =	sld [smem:$0x3FB9]  }
0x3d: {  	_ =	shalt  }
0x3e: {  	_ =	shalt  }
0x3f: {  	_ =	shalt  }
0x40: {  	_ =	shalt  }
0x41: {  	_ =	shalt  }
0x42: {  	_ =	shalt  }
0x43: {  	_ =	shalt  }
0x44: {  	_ =	shalt  }
0x45: {  	_ =	shalt  }
0x46: {  	_ =	shalt  }
0x47: {  	_ =	shalt  }
0x48: {  	_ =	shalt  }
0x49: {  	_ =	shalt  }
0x4a: {  	_ =	shalt  }
0x4b: {  	_ =	shalt  }
0x4c: {  	_ =	shalt  }
0x4d: {  	_ =	shalt  }
0x4e: {  	_ =	shalt  }
0x4f: {  	_ =	shalt  }
0x50: {  	_ =	shalt  }
0x51: {  	_ =	shalt  }
0x52: {  	_ =	shalt  }
0x53: {  	_ =	shalt  }
0x54: {  	_ =	shalt  }
0x55: {  	_ =	shalt  }
0x56: {  	_ =	shalt  }
0x57: {  	_ =	shalt  }
0x58: {  	_ =	shalt  }
0x59: {  	_ =	shalt  }
0x5a: {  	_ =	shalt  }
0x5b: {  	_ =	shalt  }
0x5c: {  	_ =	shalt  }
0x5d: {  	_ =	shalt  }
0x5e: {  	_ =	shalt  }
0x5f: {  	_ =	shalt  }
0x60: {  	_ =	shalt  }
0x61: {  	_ =	shalt  }
0x62: {  	_ =	shalt  }
0x63: {  	_ =	shalt  }
0x64: {  	_ =	shalt  }
0x65: {  	_ =	shalt  }
0x66: {  	_ =	shalt  }
0x67: {  	_ =	shalt  }
0x68: {  	_ =	shalt  }
0x69: {  	_ =	shalt  }
0x6a: {  	_ =	shalt  }
0x6b: {  	_ =	shalt  }
0x6c: {  	_ =	shalt  }
0x6d: {  	_ =	shalt  }
0x6e: {  	_ =	shalt  }
0x6f: {  	_ =	shalt  }
0x70: {  	_ =	shalt  }
0x71: {  	_ =	shalt  }
0x72: {  	_ =	shalt  }
0x73: {  	_ =	shalt  }
0x74: {  	_ =	shalt  }
0x75: {  	_ =	shalt  }
0x76: {  	_ =	shalt  }
0x77: {  	_ =	shalt  }
0x78: {  	_ =	shalt  }
0x79: {  	_ =	shalt  }
0x7a: {  	_ =	shalt  }
0x7b: {  	_ =	shalt  }
0x7c: {  	_ =	shalt  }
0x7d: {  	_ =	shalt  }
0x7e: {  	_ =	shalt  }
0x7f: {  	_ =	shalt  }
0x80: {  	_ =	shalt  }
0x81: {  	_ =	shalt  }
0x82: {  	_ =	shalt  }
0x83: {  	_ =	shalt  }
0x84: {  	_ =	shalt  }
0x85: {  	_ =	shalt  }
0x86: {  	_ =	shalt  }
0x87: {  	_ =	shalt  }
.Lfunc_end0:
.L_simem_size_0:
called_computation.1_lowered:
.L_overlay_start_0:
0x88: {  	s2 =	sld [smem:$0x3FD9]  }
0x89: {  	s3 =	sld [smem:$0x3FFE];
	_ =	sdelay $0x1  }
0x8a: {  	s1 =	srdreg.scid  }
0x8b: {  	s0 =	sand.u32 $0x1, s1  }
0x8c: {  	s14 =	sshll.u32 s0, $0xA;
	s2 =	sadd.s32 s3, s2  }
0x8d: {  	s2 =	sadd.s32 s2, s14  }
0x8e: {  	[smem:$0x3FC5] =	sst s2  }
0x8f: {  	_ = 	snop  }
0x90: {  	s2 =	sld [smem:$0x3FD0];
	_ =	sdelay $0x2  }
0x91: {  	s15 =	simm.s32 $0xA;
	s4 =	simm.s32 $0x10  }
0x92: {  	[smem:s4], [sflag:s15] =	dma.local [hbm:s2], $0x1  }
0x93: {  	_ =	swait.eq [sflag:s15], $0x1  }
0x94: {  	[sflag:s15] =	ssyncset.done $0x0  }
0x95: {  	s16 =	sld [smem:$0x10];
	[sflag:s15] =	ssyncadd.s32 $0xFFFFFFFF  }
0x96: {  	s17 =	sld [smem:$0x11];
	(tm) =	ssettm $0x1  }
0x97: {  	s18 =	sld [smem:$0x3FFB];
	_ =	sdelay $0x3  }
0x98: {  	_ =	strace s18  }
0x99: {  	s4 =	sld [smem:$0x3FFC];
	_ =	sdelay $0x3  }
0x9a: {  	_ =	strace s4  }
0x9b: {  	s4 =	sld [smem:$0x3FFD];
	_ =	sdelay $0x3  }
0x9c: {  	_ =	strace s4  }
0x9d: {  	_ =	strace $0x8FFFFFFF  }
0x9e: {  	s19 =	sld [smem:$0x3FDB];
	_ =	sdelay $0x1  }
0x9f: {  	s5 =	simm.s32 $_scs_section_size  }
0xa0: {  	s6 =	simm.s32 $_size__tile_overlayer_lowered;
	s7 =	simm.s32 $_tile_overlayer_lowered  }
0xa1: {  	s22 =	simm.s32 $0x1BFF;
	s21 =	sshll.u32 s7, $0x1;
	s4 =	sadd.s32 s5, s19  }
0xa2: {  	s8 =	simm.s32 $0x0;
	s20 =	sshll.u32 s6, $0x1;
	s6 =	sadd.s32 s21, s4  }
0xa3: {  	[timem:s8], [sflag:s22] =	dma.local [hbm:s6], s20  }
0xa4: {  	_ =	swait.ge [sflag:s22], s20  }
0xa5: {  	s5 =	ssub.s32 $0x0, s20;
	[sflag:s22] =	ssyncset.done $0x0  }
0xa6: {  	[sflag:s22] =	ssyncadd.s32 s5;
	_ =	sdelay $0x1  }
0xa7: {  	s23 =	simm.s32 $0x1B8B  }
0xa8: {  	_ =	swait.ge [sflag:s23], $0x1  }
0xa9: {  	[sflag:s23] =	ssyncset.done $0x0  }
0xaa: {  	s25 =	simm.s32 $0x1B8E;
	s24 =	sld [smem:$0x3FFE];
	[sflag:s23] =	ssyncadd.s32 $0xFFFFFFFF  }
0xab: {  	s26 =	simm.s32 $execute0_lowered;
	[smem:$0x3FD2] =	sst s25  }
0xac: {  	s6 =	sshll.u32 s26, $0x1;
	_ =	strace $0x80000049;
	[dreg:$0x1] =	wrdreg $0xFFFFFFFF  }
0xad: {  	s28 =	simm.s32 $_size_execute0_lowered;
	s4 =	sadd.s32 s4, s6;
	[dreg:$0x0] =	wrdreg $0x0  }
0xae: {  	s6 =	sshll.u32 s28, $0x1;
	[dreg:$0x2] =	wrdreg s4  }
0xaf: {  	[dreg:$0x3] =	wrdreg s6  }
0xb0: {  	[dreg:$0x4] =	wrdreg $0xC0  }
0xb1: {  	_ =	task [dreg:s8], $0x5FFFF  }
0xb2: {  	[dreg:$0x1] =	wrdreg $0xFFFFFFFF  }
0xb3: {  	[dreg:$0x0] =	wrdreg $0x60  }
0xb4: {  	[dreg:$0x2] =	wrdreg s17  }
0xb5: {  	[dreg:$0x3] =	wrdreg s24  }
0xb6: {  	[dreg:$0x4] =	wrdreg s16  }
0xb7: {  	[dreg:$0x5] =	wrdreg $0x9  }
0xb8: {  	_ =	task.clear_ibuf [dreg:s8], $0x6FFFF;
	_ =	strace $0x90000049  }
0xb9: {  	s29 =	simm.s32 $0x9;
	_ =	strace $0x8000004B  }
0xba: {  	_ =	swait.ge [sflag:s29], $0x1  }
0xbb: {  	[sflag:s29] =	ssyncadd.s32 $0xFFFFFFFF  }
0xbc: {  	_ =	strace $0x9000004B  }
0xbd: {  	_ =	sfence  }
0xbe: {  	s30 =	sld [smem:$0x0];
	_ =	sdelay $0x2  }
0xbf: {  	s31 =	sshll.u32 s1, $0xD;
	s1 =	sshrl.u32 s1, $0x2  }
0xc0: {  	s3 =	sand.u32 $0x4000, s31;
	s1 =	sadd.s32 s1, s30  }
0xc1: {  	s0 =	sor.u32 s3, s0;
	s1 =	sshll.u32 s1, $0x11  }
0xc2: {  	s0 =	sor.u32 s1, s0  }
0xc3: {  	s0 =	sadd.s32 $0x8F2B, s0  }
0xc4: {  	[sflag:s0] =	ssyncadd.remote.s32 $0x1  }
0xc5: {  	_ =	sfence.sel $0xFFFF  }
0xc6: {  	[dreg:$0x0] =	wrdreg $0xFFFFFFFF;
	(pc) =	sbr.abs _section_cstart, $3  }
0xc7: {  	[dreg:$0x1] =	wrdreg $0xFFFFFFFF  }
0xc8: {  	_ =	task.clear_ibuf [dreg:s8], $0x2FFFF;
	_ =	strace $0x9FFFFFFF  }
0xc9: {  	(tm) =	ssettm $0x7FFFFFFF  }
tec
execute0_lowered:
.L_overlay_start_1:
0x0: {  	(tag) =	ssettag $0x1  }
0x1: {  	s7 =	rddreg [dreg:$0x0]  }
0x2: {  	s3 =	rddreg [dreg:$0x1]  }
0x3: {  	s8 =	rddreg [dreg:$0x2]  }
0x4: {  	s0 =	rddreg [dreg:$0x3];
	s2 =	simm.s32 $0x0  }
0x5: {  	s1 =	stileid.u32;
	s4 =	srdreg.scid;
	s14 =	simm.s32 $0x20  }
0x6: {  	s15 =	simm.s32 $0x80;
	s16 =	simm.s32 $0x0;
	[smem:$0x7FF] =	sst s2  }
0x7: {  	s5 =	sshrl.u32 s1, $0x2;
	s4 =	sand.u32 $0x1, s4;
	s10 =	sshll.u32 s1, $0x1  }
0x8: {  	_ =	strace $0x8000004A;
	s6 =	sshll.u32 s5, $0xC;
	s9 =	ssub.s32 $0x2, s4  }
0x9: {  	s10 =	sand.u32 $0x6, s10;
	s12 =	sshll.u32 s5, $0x5;
	s6 =	sadd.s32 s6, s3  }
0xa: {  	s28 =	sshrl.u32 s9, $0x1;
	s10 =	sor.u32 s4, s10;
	s3 =	sadd.s32 $0x204E00, s6  }
0xb: {  	s9 =	ssub.s32 s9, s28;
	s4 =	sadd.s32 $0x200E00, s6;
	s29 =	sshll.u32 s10, $0xB  }
0xc: {  	s11 =	sshll.u32 s10, $0xC;
	s10 =	sshll.u32 s10, $0x12;
	s6 =	sor.u32 $0x400, s29  }
0xd: {  	v1 =	vimm.s32 $0x1;
	s5 =	sadd.s32 s7, s11;
	s10 =	sor.u32 s12, s10;
	s9 =	smax.u32 s9, $0x1  }
0xe: {  	s30 =	sshll.u32 s6, $0x7;
	s10 =	sshrl.u32 s10, $0x3;
	s13 =	sshll.u32 s6, $0x1  }
0xf: {  	s11 =	sor.u32 s12, s30;
	s6 =	sadd.s32 s8, s10;
	s7 =	sadd.s32 s7, s13  }
0x10: {  	v2 =	vlaneseq.u32;
	s10 =	simm.s32 $0x1;
	s12 =	simm.s32 $0x10000;
	s31 =	sshrl.u32 s11, $0x3  }
0x11: {  	v0 =	vmul.u32 $0x10, v2;
	v2 =	vmul.u32 $0x20, v2;
	s13 =	simm.s32 $0x14000;
	s11 =	simm.s32 $0x8000;
	s8 =	sadd.s32 s8, s31  }
.LBB2_1:
0x12: {  	[tilespmem:s2], [sflag:$0x1] =	stream.linear.gather [hbm4b:s3+s2], $0x8000, $0x38;
	[tilespmem:$0x1C000] =	vst v63  }
0x13: {  	_ =	swait.ge [sflag:s10], $0x8000  }
0x14: {  	[sflag:s10] =	ssyncset.done $0x0  }
0x15: {  	[sflag:s10] =	ssyncadd.s32 $0xFFFF8000  }
0x16: {  	[tilespmem:s11], [sflag:$0x1] =	stream.linear.gather [hbm4b:s4+s2], $0x8000, $0x38;
	[tilespmem:$0x1C000] =	vst v63  }
0x17: {  	_ =	swait.ge [sflag:s10], $0x8000  }
0x18: {  	[sflag:s10] =	ssyncset.done $0x0  }
0x19: {  	[sflag:s10] =	ssyncadd.s32 $0xFFFF8000  }
0x1a: {  	[tilespmem:s12], [sflag:$0x1] =	stream.linear.gather [hbm4b:s5+s2], $0x4000, $0x38;
	[tilespmem:$0x1C000] =	vst v63  }
0x1b: {  	_ =	swait.ge [sflag:s10], $0x4000  }
0x1c: {  	[sflag:s10] =	ssyncset.done $0x0  }
0x1d: {  	s17 =	simm.s32 $0x0;
	[sflag:s10] =	ssyncadd.s32 $0xFFFFC000  }
.LBB2_2:
0x1e: {  	_ =	sdelay $0x2  }
0x1f: {  	s18 =	sshll.u32 s17, $0xA  }
0x20: {  	v3 =	vld.idx.msk [tilespmem:v1+s18+$0x0], $0xffff;
	_ =	sdelay $0x3  }
0x21: {  	s19 =	simm.s32 $0x300  }
0x22: {  	v15 =	vor.u32 s19, v0;
	v4 =	vshra.s32 v3, $0x5  }
0x23: {  	v5 =	vadd.s32 v15, v4;
	_ =	sdelay $0x4  }
0x24: {  	v5 =	vld.idx.msk [tilespmem:v5+s12+$0x0], $0xffff;
	_ =	sdelay $0x2  }
0x25: {  	s20 =	simm.s32 $0x0  }
0x26: {  	v12 =	vor.u32 s20, v0;
	v3 =	vand.u32 $0x1F, v3  }
0x27: {  	v6 =	vadd.s32 v12, v4;
	v5 =	vshrl.u32 v5, v3  }
0x28: {  	v5 =	vand.u32 $0x1, v5  }
0x29: {  	v5 =	vor.u32 $0x2, v5;
	_ =	sdelay $0x1  }
0x2a: {  	s21 =	simm.s32 $0x100  }
0x2b: {  	s20 =	simm.s32 $0x200;
	v14 =	vor.u32 s21, v0;
	v6 =	vld.idx.msk [tilespmem:v6+s12+$0x0], $0xffff  }
0x2c: {  	v13 =	vor.u32 s20, v0;
	v7 =	vadd.s32 v14, v4  }
0x2d: {  	v4 =	vadd.s32 v13, v4;
	v8 =	vld.idx.msk [tilespmem:v5+s18+$0x0], $0xffff;
	_ =	sdelay $0x2  }
0x2e: {  	v6 =	vshrl.u32 v6, v3  }
0x2f: {  	v7 =	vld.idx.msk [tilespmem:v7+s12+$0x0], $0xffff;
	v6 =	vand.u32 $0x1, v6  }
0x30: {  	v4 =	vld.idx.msk [tilespmem:v4+s12+$0x0], $0xffff;
	v6 =	vor.u32 $0x2, v6;
	v9 =	vshra.s32 v8, $0x5  }
0x31: {  	v9 =	vadd.s32 v15, v9;
	_ =	sdelay $0x2  }
0x32: {  	v7 =	vshrl.u32 v7, v3  }
0x33: {  	v3 =	vshrl.u32 v4, v3;
	v7 =	vand.u32 $0x1, v7;
	v4 =	vld.idx.msk [tilespmem:v6+s18+$0x0], $0xffff  }
0x34: {  	v3 =	vand.u32 $0x1, v3;
	v10 =	vor.u32 $0x2, v7;
	v7 =	vld.idx.msk [tilespmem:v9+s12+$0x0], $0xffff  }
0x35: {  	v9 =	vor.u32 $0x2, v3;
	_ =	sdelay $0x2  }
0x36: {  	v8 =	vand.u32 $0x1F, v8;
	v3 =	vshra.s32 v4, $0x5  }
0x37: {  	v11 =	vld.idx.msk [tilespmem:v10+s18+$0x0], $0xffff;
	v3 =	vadd.s32 v12, v3;
	v7 =	vshrl.u32 v7, v8  }
0x38: {  	v17 =	vld.idx.msk [tilespmem:v9+s18+$0x0], $0xffff;
	v8 =	vshll.u32 v5, $0x1;
	v7 =	vand.u32 $0x1, v7  }
0x39: {  	v8 =	vor.u32 v7, v8;
	_ =	sdelay $0x2  }
0x3a: {  	v3 =	vld.idx.msk [tilespmem:v3+s12+$0x0], $0xffff;
	v7 =	vshra.s32 v11, $0x5  }
0x3b: {  	v7 =	vadd.s32 v14, v7;
	v16 =	vshra.s32 v17, $0x5  }
0x3c: {  	v16 =	vadd.s32 v13, v16;
	v18 =	vld.idx.msk [tilespmem:v8+s18+$0x0], $0xffff;
	_ =	sdelay $0x1  }
0x3d: {  	v4 =	vand.u32 $0x1F, v4  }
0x3e: {  	v3 =	vshrl.u32 v3, v4  }
0x3f: {  	v4 =	vshll.u32 v6, $0x1;
	v3 =	vand.u32 $0x1, v3;
	v7 =	vld.idx.msk [tilespmem:v7+s12+$0x0], $0xffff  }
0x40: {  	v19 =	vld.idx.msk [tilespmem:v16+s12+$0x0], $0xffff;
	v16 =	vor.u32 v3, v4;
	v3 =	vshra.s32 v18, $0x5  }
0x41: {  	v3 =	vadd.s32 v15, v3;
	_ =	sdelay $0x1  }
0x42: {  	v4 =	vand.u32 $0x1F, v11  }
0x43: {  	v11 =	vand.u32 $0x1F, v17;
	v4 =	vshrl.u32 v7, v4  }
0x44: {  	v7 =	vshll.u32 v10, $0x1;
	v4 =	vand.u32 $0x1, v4;
	v11 =	vshrl.u32 v19, v11;
	v19 =	vld.idx.msk [tilespmem:v16+s18+$0x0], $0xffff  }
0x45: {  	v20 =	vshll.u32 v9, $0x1;
	v17 =	vor.u32 v4, v7;
	v4 =	vand.u32 $0x1, v11;
	v3 =	vld.idx.msk [tilespmem:v3+s12+$0x0], $0xffff  }
0x46: {  	v7 =	vor.u32 v4, v20;
	_ =	sdelay $0x2  }
0x47: {  	v11 =	vand.u32 $0x1F, v18;
	v4 =	vshra.s32 v19, $0x5  }
0x48: {  	v18 =	vld.idx.msk [tilespmem:v17+s18+$0x0], $0xffff;
	v4 =	vadd.s32 v12, v4;
	v3 =	vshrl.u32 v3, v11  }
0x49: {  	v20 =	vshll.u32 v8, $0x1;
	v11 =	vld.idx.msk [tilespmem:v7+s18+$0x0], $0xffff;
	v3 =	vand.u32 $0x1, v3  }
0x4a: {  	v3 =	vor.u32 v3, v20;
	_ =	sdelay $0x2  }
0x4b: {  	v20 =	vshra.s32 v18, $0x5;
	v4 =	vld.idx.msk [tilespmem:v4+s12+$0x0], $0xffff  }
0x4c: {  	v20 =	vadd.s32 v14, v20;
	v21 =	vshra.s32 v11, $0x5  }
0x4d: {  	v21 =	vadd.s32 v13, v21;
	v22 =	vld.idx.msk [tilespmem:v3+s18+$0x0], $0xffff;
	_ =	sdelay $0x1  }
0x4e: {  	v19 =	vand.u32 $0x1F, v19  }
0x4f: {  	v4 =	vshrl.u32 v4, v19  }
0x50: {  	v20 =	vld.idx.msk [tilespmem:v20+s12+$0x0], $0xffff;
	v19 =	vshll.u32 v16, $0x1;
	v4 =	vand.u32 $0x1, v4  }
0x51: {  	v21 =	vld.idx.msk [tilespmem:v21+s12+$0x0], $0xffff;
	v4 =	vor.u32 v4, v19;
	v19 =	vshra.s32 v22, $0x5  }
0x52: {  	v19 =	vadd.s32 v15, v19;
	_ =	sdelay $0x1  }
0x53: {  	v18 =	vand.u32 $0x1F, v18  }
0x54: {  	v11 =	vand.u32 $0x1F, v11;
	v18 =	vshrl.u32 v20, v18  }
0x55: {  	v20 =	vshll.u32 v17, $0x1;
	v18 =	vand.u32 $0x1, v18;
	v11 =	vshrl.u32 v21, v11;
	v21 =	vld.idx.msk [tilespmem:v4+s18+$0x0], $0xffff  }
0x56: {  	v23 =	vshll.u32 v7, $0x1;
	v18 =	vor.u32 v18, v20;
	v11 =	vand.u32 $0x1, v11;
	v19 =	vld.idx.msk [tilespmem:v19+s12+$0x0], $0xffff  }
0x57: {  	v11 =	vor.u32 v11, v23;
	_ =	sdelay $0x2  }
0x58: {  	v22 =	vand.u32 $0x1F, v22;
	v20 =	vshra.s32 v21, $0x5  }
0x59: {  	v23 =	vld.idx.msk [tilespmem:v18+s18+$0x0], $0xffff;
	v20 =	vadd.s32 v12, v20;
	v19 =	vshrl.u32 v19, v22  }
0x5a: {  	v3 =	vshll.u32 v3, $0x1;
	v22 =	vld.idx.msk [tilespmem:v11+s18+$0x0], $0xffff;
	v19 =	vand.u32 $0x1, v19  }
0x5b: {  	v19 =	vor.u32 v19, v3  }
0x5c: {  	v5 =	vshll.u32 v5, $0x3;
	v3 =	vand.u32 $0x7, v19  }
0x5d: {  	v3 =	vor.u32 v5, v3  }
0x5e: {  	v5 =	vshra.s32 v23, $0x5;
	v20 =	vld.idx.msk [tilespmem:v20+s12+$0x0], $0xffff  }
0x5f: {  	v5 =	vadd.s32 v14, v5;
	v24 =	vshra.s32 v22, $0x5  }
0x60: {  	v24 =	vadd.s32 v13, v24;
	_ =	sdelay $0x1  }
0x61: {  	v21 =	vand.u32 $0x1F, v21;
	v25 =	vld.idx.msk [tilespmem:v3+s18+$0x0], $0xffff  }
0x62: {  	v3 =	vshrl.u32 v20, v21  }
0x63: {  	v4 =	vshll.u32 v4, $0x1;
	v5 =	vld.idx.msk [tilespmem:v5+s12+$0x0], $0xffff;
	v3 =	vand.u32 $0x1, v3  }
0x64: {  	v20 =	vld.idx.msk [tilespmem:v24+s12+$0x0], $0xffff;
	v21 =	vor.u32 v3, v4  }
0x65: {  	v3 =	vshll.u32 v6, $0x3;
	v24 =	vld.idx.msk [tilespmem:v1+s18+$0x0], $0xffff;
	v4 =	vand.u32 $0x7, v21  }
0x66: {  	v3 =	vor.u32 v3, v4;
	v4 =	vshra.s32 v25, $0x5  }
0x67: {  	v10 =	vshll.u32 v10, $0x3;
	v6 =	vand.u32 $0x1F, v23;
	v4 =	vadd.s32 v15, v4  }
0x68: {  	s22 =	simm.s32 $0x700;
	v18 =	vshll.u32 v18, $0x1;
	v11 =	vshll.u32 v11, $0x1;
	v5 =	vshrl.u32 v5, v6  }
0x69: {  	v22 =	vand.u32 $0x1F, v22;
	v6 =	vor.u32 s22, v0;
	v5 =	vand.u32 $0x1, v5  }
0x6a: {  	v20 =	vshrl.u32 v20, v22;
	v22 =	vshra.s32 v24, $0x5;
	v18 =	vor.u32 v5, v18  }
0x6b: {  	s23 =	simm.s32 $0x400;
	v5 =	vand.u32 $0x1, v20;
	v26 =	vadd.s32 v6, v22;
	v20 =	vand.u32 $0x7, v18;
	v23 =	vld.idx.msk [tilespmem:v3+s18+$0x0], $0xffff  }
0x6c: {  	v27 =	vor.u32 v5, v11;
	v3 =	vor.u32 s23, v0;
	v10 =	vor.u32 v10, v20;
	v11 =	vld.idx.msk [tilespmem:v4+s12+$0x0], $0xffff  }
0x6d: {  	s24 =	simm.s32 $0x500;
	v5 =	vand.u32 $0x7, v27;
	v4 =	vshll.u32 v9, $0x3;
	v9 =	vadd.s32 v3, v22  }
0x6e: {  	s25 =	simm.s32 $0x600;
	v20 =	vor.u32 v4, v5;
	v4 =	vor.u32 s24, v0  }
0x6f: {  	v5 =	vor.u32 s25, v0;
	v28 =	vadd.s32 v4, v22  }
0x70: {  	v25 =	vand.u32 $0x1F, v25;
	v22 =	vadd.s32 v5, v22;
	v26 =	vld.idx.msk [tilespmem:v26+s12+$0x0], $0xffff;
	v29 =	vshra.s32 v23, $0x5  }
0x71: {  	v30 =	vld.idx.msk [tilespmem:v10+s18+$0x0], $0xffff;
	v10 =	vadd.s32 v12, v29;
	v11 =	vshrl.u32 v11, v25  }
0x72: {  	v19 =	vshll.u32 v19, $0x1;
	v9 =	vld.idx.msk [tilespmem:v9+s12+$0x0], $0xffff;
	v11 =	vand.u32 $0x1, v11  }
0x73: {  	v20 =	vld.idx.msk [tilespmem:v20+s18+$0x0], $0xffff;
	v19 =	vor.u32 v11, v19  }
0x74: {  	v8 =	vshll.u32 v8, $0x3;
	v24 =	vand.u32 $0x1F, v24;
	v11 =	vld.idx.msk [tilespmem:v28+s12+$0x0], $0xffff;
	v25 =	vand.u32 $0x7, v19  }
0x75: {  	v22 =	vld.idx.msk [tilespmem:v22+s12+$0x0], $0xffff;
	v26 =	vshrl.u32 v26, v24;
	v25 =	vor.u32 v8, v25  }
0x76: {  	v10 =	vld.idx.msk [tilespmem:v10+s12+$0x0], $0xffff;
	v8 =	vand.u32 $0x1, v26  }
0x77: {  	v26 =	vshra.s32 v30, $0x5;
	v9 =	vshrl.u32 v9, v24;
	v8 =	vor.u32 $0x2, v8  }
0x78: {  	v23 =	vand.u32 $0x1F, v23;
	v26 =	vadd.s32 v14, v26;
	v9 =	vand.u32 $0x1, v9  }
0x79: {  	v28 =	vshra.s32 v20, $0x5;
	v11 =	vshrl.u32 v11, v24;
	v9 =	vor.u32 $0x2, v9  }
0x7a: {  	v28 =	vadd.s32 v13, v28;
	v22 =	vshrl.u32 v22, v24;
	v11 =	vand.u32 $0x1, v11;
	v24 =	vld.idx.msk [tilespmem:v25+s18+$0x0], $0xffff  }
0x7b: {  	v23 =	vshrl.u32 v10, v23;
	v10 =	vor.u32 $0x2, v11;
	v11 =	vand.u32 $0x1, v22  }
0x7c: {  	v21 =	vshll.u32 v21, $0x1;
	v22 =	vand.u32 $0x1, v23;
	v11 =	vor.u32 $0x2, v11;
	v23 =	vld.idx.msk [tilespmem:v8+s18+$0x0], $0xffff  }
0x7d: {  	v25 =	vld.idx.msk [tilespmem:v26+s12+$0x0], $0xffff;
	v21 =	vor.u32 v22, v21  }
0x7e: {  	v16 =	vshll.u32 v16, $0x3;
	v22 =	vld.idx.msk [tilespmem:v9+s18+$0x0], $0xffff;
	v26 =	vand.u32 $0x7, v21  }
0x7f: {  	v28 =	vld.idx.msk [tilespmem:v28+s12+$0x0], $0xffff;
	v16 =	vor.u32 v16, v26;
	v26 =	vshra.s32 v24, $0x5  }
0x80: {  	v29 =	vld.idx.msk [tilespmem:v10+s18+$0x0], $0xffff;
	v26 =	vadd.s32 v15, v26  }
0x81: {  	v18 =	vshll.u32 v18, $0x1;
	v31 =	vld.idx.msk [tilespmem:v11+s18+$0x0], $0xffff;
	v32 =	vshra.s32 v23, $0x5  }
0x82: {  	v27 =	vshll.u32 v27, $0x1;
	v30 =	vand.u32 $0x1F, v30;
	v32 =	vadd.s32 v6, v32  }
0x83: {  	v20 =	vand.u32 $0x1F, v20;
	v25 =	vshrl.u32 v25, v30;
	v33 =	vshra.s32 v22, $0x5  }
0x84: {  	v20 =	vshrl.u32 v28, v20;
	v30 =	vadd.s32 v3, v33;
	v46 =	vld.idx.msk [tilespmem:v16+s18+$0x0], $0xffff;
	v16 =	vand.u32 $0x1, v25  }
0x85: {  	v20 =	vand.u32 $0x1, v20;
	v25 =	vshra.s32 v29, $0x5;
	v18 =	vor.u32 v16, v18;
	v26 =	vld.idx.msk [tilespmem:v26+s12+$0x0], $0xffff  }
0x86: {  	v20 =	vor.u32 v20, v27;
	v16 =	vadd.s32 v4, v25;
	v25 =	vshra.s32 v31, $0x5  }
0x87: {  	v7 =	vshll.u32 v7, $0x3;
	v27 =	vand.u32 $0x7, v20;
	v25 =	vadd.s32 v5, v25;
	v32 =	vld.idx.msk [tilespmem:v32+s12+$0x0], $0xffff  }
0x88: {  	v17 =	vshll.u32 v17, $0x3;
	v28 =	vand.u32 $0x7, v18;
	v7 =	vor.u32 v7, v27  }
0x89: {  	v24 =	vand.u32 $0x1F, v24;
	v17 =	vor.u32 v17, v28;
	v28 =	vld.idx.msk [tilespmem:v30+s12+$0x0], $0xffff  }
0x8a: {  	v19 =	vshll.u32 v19, $0x1;
	v30 =	vshra.s32 v46, $0x5;
	v24 =	vshrl.u32 v26, v24  }
0x8b: {  	v27 =	vadd.s32 v12, v30;
	v26 =	vld.idx.msk [tilespmem:v16+s12+$0x0], $0xffff;
	v16 =	vand.u32 $0x1F, v23;
	v23 =	vand.u32 $0x1, v24  }
0x8c: {  	v24 =	vld.idx.msk [tilespmem:v25+s12+$0x0], $0xffff;
	v16 =	vshrl.u32 v32, v16;
	v19 =	vor.u32 v23, v19  }
0x8d: {  	v22 =	vand.u32 $0x1F, v22;
	v7 =	vld.idx.msk [tilespmem:v7+s18+$0x0], $0xffff;
	v16 =	vand.u32 $0x1, v16;
	v23 =	vshll.u32 v8, $0x1  }
0x8e: {  	v25 =	vand.u32 $0x1F, v29;
	v22 =	vshrl.u32 v28, v22;
	v16 =	vor.u32 v16, v23  }
0x8f: {  	v17 =	vld.idx.msk [tilespmem:v17+s18+$0x0], $0xffff;
	v23 =	vshll.u32 v9, $0x1;
	v28 =	vand.u32 $0x1F, v31;
	v22 =	vand.u32 $0x1, v22  }
0x90: {  	v25 =	vshrl.u32 v26, v25;
	v22 =	vor.u32 v22, v23;
	v23 =	vld.idx.msk [tilespmem:v27+s12+$0x0], $0xffff;
	v26 =	vshll.u32 v10, $0x1  }
0x91: {  	v25 =	vand.u32 $0x1, v25;
	v24 =	vshrl.u32 v24, v28;
	v28 =	vshll.u32 v11, $0x1;
	v27 =	vld.idx.msk [tilespmem:v19+s18+$0x0], $0xffff  }
0x92: {  	v29 =	vshra.s32 v7, $0x5;
	v25 =	vor.u32 v25, v26;
	v24 =	vand.u32 $0x1, v24  }
0x93: {  	v29 =	vadd.s32 v13, v29;
	v24 =	vor.u32 v24, v28;
	v28 =	vld.idx.msk [tilespmem:v16+s18+$0x0], $0xffff  }
0x94: {  	v26 =	vshra.s32 v17, $0x5  }
0x95: {  	v30 =	vand.u32 $0x1F, v46;
	v26 =	vadd.s32 v14, v26;
	v31 =	vld.idx.msk [tilespmem:v22+s18+$0x0], $0xffff  }
0x96: {  	v23 =	vshrl.u32 v23, v30;
	v30 =	vshra.s32 v27, $0x5  }
0x97: {  	v21 =	vshll.u32 v21, $0x1;
	v23 =	vand.u32 $0x1, v23;
	v47 =	vld.idx.msk [tilespmem:v25+s18+$0x0], $0xffff;
	v30 =	vadd.s32 v15, v30  }
0x98: {  	v21 =	vor.u32 v23, v21;
	v29 =	vld.idx.msk [tilespmem:v29+s12+$0x0], $0xffff;
	v23 =	vshra.s32 v28, $0x5  }
0x99: {  	v48 =	vld.idx.msk [tilespmem:v24+s18+$0x0], $0xffff;
	v23 =	vadd.s32 v6, v23  }
0x9a: {  	v26 =	vld.idx.msk [tilespmem:v26+s12+$0x0], $0xffff;
	v34 =	vshra.s32 v31, $0x5  }
0x9b: {  	v34 =	vadd.s32 v3, v34  }
0x9c: {  	v18 =	vshll.u32 v18, $0x1;
	v20 =	vshll.u32 v20, $0x1;
	v30 =	vld.idx.msk [tilespmem:v30+s12+$0x0], $0xffff  }
0x9d: {  	v7 =	vand.u32 $0x1F, v7;
	v17 =	vand.u32 $0x1F, v17;
	v35 =	vshra.s32 v47, $0x5;
	v36 =	vld.idx.msk [tilespmem:v21+s18+$0x0], $0xffff  }
0x9e: {  	v27 =	vand.u32 $0x1F, v27;
	v35 =	vadd.s32 v4, v35;
	v37 =	vshra.s32 v48, $0x5;
	v23 =	vld.idx.msk [tilespmem:v23+s12+$0x0], $0xffff  }
0x9f: {  	v7 =	vshrl.u32 v29, v7;
	v17 =	vshrl.u32 v26, v17;
	v37 =	vadd.s32 v5, v37  }
0xa0: {  	v31 =	vand.u32 $0x1F, v31;
	v7 =	vand.u32 $0x1, v7;
	v17 =	vand.u32 $0x1, v17;
	v26 =	vld.idx.msk [tilespmem:v34+s12+$0x0], $0xffff  }
0xa1: {  	v49 =	vor.u32 v7, v20;
	v29 =	vor.u32 v17, v18;
	v7 =	vshrl.u32 v30, v27  }
0xa2: {  	v17 =	vand.u32 $0x1F, v28;
	v18 =	vshll.u32 v19, $0x1;
	v7 =	vand.u32 $0x1, v7  }
0xa3: {  	v20 =	vshra.s32 v36, $0x5;
	v19 =	vld.idx.msk [tilespmem:v35+s12+$0x0], $0xffff;
	v17 =	vshrl.u32 v23, v17;
	v23 =	vor.u32 v7, v18  }
0xa4: {  	v7 =	vld.idx.msk [tilespmem:v37+s12+$0x0], $0xffff;
	v18 =	vadd.s32 v12, v20;
	v17 =	vand.u32 $0x1, v17;
	v20 =	vshll.u32 v16, $0x1  }
0xa5: {  	v26 =	vshrl.u32 v26, v31;
	v27 =	vor.u32 v17, v20  }
0xa6: {  	v28 =	vld.idx.msk [tilespmem:v29+s18+$0x0], $0xffff;
	v17 =	vshll.u32 v22, $0x1;
	v20 =	vand.u32 $0x1, v26  }
0xa7: {  	v30 =	vand.u32 $0x1F, v47;
	v31 =	vld.idx.msk [tilespmem:v49+s18+$0x0], $0xffff;
	v26 =	vmov s17;
	v50 =	vor.u32 v20, v17  }
0xa8: {  	v17 =	vand.u32 $0x1F, v26;
	v20 =	vand.u32 $0x1F, v48;
	v19 =	vshrl.u32 v19, v30;
	v26 =	vld.idx.msk [tilespmem:v23+s18+$0x0], $0xffff  }
0xa9: {  	v30 =	vshll.u32 v25, $0x1;
	v19 =	vand.u32 $0x1, v19;
	v7 =	vshrl.u32 v7, v20;
	v18 =	vld.idx.msk [tilespmem:v18+s12+$0x0], $0xffff  }
0xaa: {  	v20 =	vshll.u32 v24, $0x1;
	v19 =	vor.u32 v19, v30;
	v30 =	vand.u32 $0x1, v7;
	v51 =	vld.idx.msk [tilespmem:v27+s18+$0x0], $0xffff  }
0xab: {  	v7 =	vbroadcast v17, $0x0;
	v17 =	vshra.s32 v28, $0x5;
	v30 =	vor.u32 v30, v20  }
0xac: {  	v8 =	vshll.u32 v8, $0x3;
	v52 =	vadd.s32 v14, v17;
	v17 =	vshra.s32 v31, $0x5;
	v53 =	vld.idx.msk [tilespmem:v50+s18+$0x0], $0xffff  }
0xad: {  	v9 =	vshll.u32 v9, $0x3;
	v20 =	vand.u32 $0x1F, v36;
	v38 =	vadd.s32 v13, v17  }
0xae: {  	v10 =	vshll.u32 v10, $0x3;
	v17 =	vshra.s32 v26, $0x5;
	v18 =	vshrl.u32 v18, v20  }
0xaf: {  	v54 =	vadd.s32 v15, v17;
	v17 =	vshll.u32 v22, $0x3;
	v22 =	vld.idx.msk [tilespmem:v19+s18+$0x0], $0xffff;
	v20 =	vshra.s32 v51, $0x5  }
0xb0: {  	v21 =	vshll.u32 v21, $0x1;
	v18 =	vand.u32 $0x1, v18;
	v39 =	vld.idx.msk [tilespmem:v30+s18+$0x0], $0xffff;
	v40 =	vadd.s32 v6, v20  }
0xb1: {  	v20 =	vshll.u32 v25, $0x3;
	v21 =	vor.u32 v18, v21;
	v25 =	vld.idx.msk [tilespmem:v52+s12+$0x0], $0xffff;
	v55 =	vshra.s32 v53, $0x5  }
0xb2: {  	v18 =	vshll.u32 v24, $0x3;
	v24 =	vshll.u32 v29, $0x1;
	v29 =	vld.idx.msk [tilespmem:v38+s12+$0x0], $0xffff;
	v35 =	vadd.s32 v3, v55  }
0xb3: {  	v11 =	vshll.u32 v11, $0x3;
	v34 =	vshll.u32 v49, $0x1;
	v16 =	vshll.u32 v16, $0x3  }
0xb4: {  	v32 =	vshll.u32 v50, $0x1;
	v23 =	vshll.u32 v23, $0x1;
	v36 =	vld.idx.msk [tilespmem:v54+s12+$0x0], $0xffff;
	v56 =	vshra.s32 v22, $0x5  }
0xb5: {  	v28 =	vand.u32 $0x1F, v28;
	v38 =	vadd.s32 v4, v56;
	v41 =	vshra.s32 v39, $0x5;
	v40 =	vld.idx.msk [tilespmem:v40+s12+$0x0], $0xffff  }
0xb6: {  	v31 =	vand.u32 $0x1F, v31;
	v42 =	vld.idx.msk [tilespmem:v21+s18+$0x0], $0xffff;
	v25 =	vshrl.u32 v25, v28;
	v41 =	vadd.s32 v5, v41  }
0xb7: {  	v27 =	vshll.u32 v27, $0x1;
	v25 =	vand.u32 $0x1, v25;
	v28 =	vshrl.u32 v29, v31;
	v29 =	vld.idx.msk [tilespmem:v35+s12+$0x0], $0xffff  }
0xb8: {  	v26 =	vand.u32 $0x1F, v26;
	v19 =	vshll.u32 v19, $0x1;
	v24 =	vor.u32 v25, v24  }
0xb9: {  	v25 =	vand.u32 $0x1, v28;
	v28 =	vand.u32 $0x1F, v51;
	v26 =	vshrl.u32 v36, v26  }
0xba: {  	v37 =	vand.u32 $0x1F, v53;
	v26 =	vand.u32 $0x1, v26;
	v31 =	vld.idx.msk [tilespmem:v38+s12+$0x0], $0xffff;
	v28 =	vshrl.u32 v40, v28  }
0xbb: {  	v25 =	vor.u32 v25, v34;
	v23 =	vor.u32 v26, v23;
	v26 =	vld.idx.msk [tilespmem:v41+s12+$0x0], $0xffff;
	v28 =	vand.u32 $0x1, v28  }
0xbc: {  	v57 =	vshra.s32 v42, $0x5;
	v29 =	vshrl.u32 v29, v37;
	v28 =	vor.u32 v28, v27  }
0xbd: {  	v33 =	vadd.s32 v12, v57;
	v27 =	vand.u32 $0x1, v29;
	v29 =	vand.u32 $0x7, v28  }
0xbe: {  	v61 =	vld.idx.msk [tilespmem:v1+s18+$0x0], $0xffff;
	v30 =	vshll.u32 v30, $0x1;
	v22 =	vand.u32 $0x1F, v22;
	v8 =	vor.u32 v8, v29  }
0xbf: {  	v58 =	vld.idx.msk [tilespmem:v24+s18+$0x0], $0xffff;
	v27 =	vor.u32 v27, v32;
	v29 =	vand.u32 $0x1F, v39;
	v22 =	vshrl.u32 v31, v22  }
0xc0: {  	v32 =	vand.u32 $0x7, v27;
	v31 =	vld.idx.msk [tilespmem:v23+s18+$0x0], $0xffff;
	v26 =	vshrl.u32 v26, v29;
	v22 =	vand.u32 $0x1, v22  }
0xc1: {  	v9 =	vor.u32 v9, v32;
	v29 =	vld.idx.msk [tilespmem:v25+s18+$0x0], $0xffff;
	v26 =	vand.u32 $0x1, v26;
	v19 =	vor.u32 v22, v19  }
0xc2: {  	v22 =	vshll.u32 v24, $0x1;
	v24 =	vld.idx.msk [tilespmem:v33+s12+$0x0], $0xffff;
	v26 =	vor.u32 v26, v30;
	v30 =	vand.u32 $0x7, v19  }
0xc3: {  	v55 =	vshra.s32 v61, $0x5;
	v21 =	vshll.u32 v21, $0x1;
	v10 =	vor.u32 v10, v30;
	v30 =	vld.idx.msk [tilespmem:v8+s18+$0x0], $0xffff  }
0xc4: {  	v59 =	vand.u32 $0x1F, v42;
	v33 =	vshll.u32 v27, $0x1;
	v60 =	vand.u32 $0x7, v26  }
0xc5: {  	v35 =	vshll.u32 v19, $0x1;
	v8 =	vor.u32 v11, v60;
	v11 =	vshra.s32 v31, $0x5  }
0xc6: {  	v19 =	vshra.s32 v58, $0x5;
	v9 =	vld.idx.msk [tilespmem:v9+s18+$0x0], $0xffff;
	v27 =	vshra.s32 v29, $0x5;
	v11 =	vadd.s32 v15, v11  }
0xc7: {  	v62 =	vadd.s32 v14, v19;
	v19 =	vshrl.u32 v24, v59;
	v24 =	vadd.s32 v13, v27  }
0xc8: {  	v28 =	vshll.u32 v28, $0x1;
	v25 =	vshll.u32 v25, $0x1;
	v63 =	vld.idx.msk [tilespmem:v10+s18+$0x0], $0xffff;
	v10 =	vshra.s32 v30, $0x5  }
0xc9: {  	v23 =	vshll.u32 v23, $0x1;
	v19 =	vand.u32 $0x1, v19;
	v27 =	vadd.s32 v6, v10  }
0xca: {  	s26 =	simm.s32 $0x800;
	v36 =	vshll.u32 v26, $0x1;
	v26 =	vand.u32 $0x1F, v58;
	v21 =	vor.u32 v19, v21;
	v52 =	vld.idx.msk [tilespmem:v8+s18+$0x0], $0xffff  }
0xcb: {  	v8 =	vshra.s32 v9, $0x5;
	v54 =	vand.u32 $0x1F, v9;
	v9 =	vor.u32 s26, v0;
	v53 =	vld.idx.msk [tilespmem:v11+s12+$0x0], $0xffff  }
0xcc: {  	s21 =	simm.s32 $0xB00;
	v29 =	vand.u32 $0x1F, v29;
	v31 =	vand.u32 $0x1F, v31;
	v24 =	vld.idx.msk [tilespmem:v24+s12+$0x0], $0xffff;
	v44 =	vadd.s32 v9, v55  }
0xcd: {  	s28 =	simm.s32 $0x900;
	s22 =	simm.s32 $0xA00;
	v37 =	vld.idx.msk [tilespmem:v62+s12+$0x0], $0xffff;
	v19 =	vshll.u32 v21, $0x1;
	v11 =	vor.u32 s21, v0;
	v56 =	vadd.s32 v3, v8  }
0xce: {  	v10 =	vor.u32 s22, v0;
	v8 =	vor.u32 s28, v0;
	v43 =	vadd.s32 v11, v55;
	v46 =	vld.idx.msk [tilespmem:v27+s12+$0x0], $0xffff  }
0xcf: {  	v41 =	vadd.s32 v10, v55;
	v45 =	vadd.s32 v8, v55;
	v27 =	vshra.s32 v63, $0x5  }
0xd0: {  	v32 =	vand.u32 $0x1F, v63;
	v47 =	vadd.s32 v4, v27;
	v27 =	vld.idx.msk [tilespmem:v21+s18+$0x0], $0xffff;
	v31 =	vshrl.u32 v53, v31  }
0xd1: {  	v48 =	vshra.s32 v52, $0x5;
	v24 =	vshrl.u32 v24, v29;
	v29 =	vld.idx.msk [tilespmem:v44+s12+$0x0], $0xffff;
	v21 =	vand.u32 $0x1, v31  }
0xd2: {  	v57 =	vadd.s32 v5, v48;
	v31 =	vld.idx.msk [tilespmem:v56+s12+$0x0], $0xffff;
	v42 =	vor.u32 v21, v23;
	v21 =	vand.u32 $0x1F, v30  }
0xd3: {  	v26 =	vshrl.u32 v37, v26;
	v38 =	vand.u32 $0x1F, v52;
	v23 =	vld.idx.msk [tilespmem:v43+s12+$0x0], $0xffff;
	v21 =	vshrl.u32 v46, v21  }
0xd4: {  	v26 =	vand.u32 $0x1, v26;
	v24 =	vand.u32 $0x1, v24;
	v30 =	vld.idx.msk [tilespmem:v45+s12+$0x0], $0xffff;
	v58 =	vand.u32 $0x1, v21  }
0xd5: {  	v21 =	vor.u32 v26, v22;
	v37 =	vshra.s32 v27, $0x5;
	v26 =	vor.u32 v24, v25  }
0xd6: {  	v22 =	vld.idx.msk [tilespmem:v41+s12+$0x0], $0xffff;
	v24 =	vand.u32 $0x1F, v61;
	v27 =	vand.u32 $0x1F, v27;
	v28 =	vor.u32 v58, v28  }
0xd7: {  	v39 =	vld.idx.msk [tilespmem:v57+s12+$0x0], $0xffff;
	v37 =	vadd.s32 v12, v37;
	v25 =	vand.u32 $0x7, v28;
	v31 =	vshrl.u32 v31, v54  }
0xd8: {  	v28 =	vshll.u32 v28, $0x1;
	v23 =	vshrl.u32 v23, v24;
	v16 =	vor.u32 v16, v25  }
0xd9: {  	v25 =	vshrl.u32 v29, v24;
	v29 =	vand.u32 $0x1, v31;
	v30 =	vshrl.u32 v30, v24  }
0xda: {  	v34 =	vld.idx.msk [tilespmem:v42+s18+$0x0], $0xffff;
	v23 =	vand.u32 $0x1, v23;
	v59 =	vand.u32 $0x1, v25;
	v29 =	vor.u32 v29, v33  }
0xdb: {  	v31 =	vld.idx.msk [tilespmem:v47+s12+$0x0], $0xffff;
	v25 =	vor.u32 $0x2, v23;
	v40 =	vor.u32 $0x2, v59;
	v23 =	vand.u32 $0x1, v30  }
0xdc: {  	v22 =	vshrl.u32 v22, v24;
	v62 =	vshrl.u32 v39, v38;
	v48 =	vand.u32 $0x7, v29;
	v39 =	vld.idx.msk [tilespmem:v21+s18+$0x0], $0xffff  }
0xdd: {  	v29 =	vshll.u32 v29, $0x1;
	v44 =	vld.idx.msk [tilespmem:v26+s18+$0x0], $0xffff;
	v21 =	vshll.u32 v21, $0x1;
	v26 =	vshll.u32 v26, $0x1  }
0xde: {  	v30 =	vshll.u32 v40, $0x1;
	v60 =	vor.u32 $0x2, v23;
	v22 =	vand.u32 $0x1, v22  }
0xdf: {  	v17 =	vor.u32 v17, v48;
	v43 =	vshll.u32 v60, $0x1;
	v61 =	vor.u32 $0x2, v22  }
0xe0: {  	v37 =	vld.idx.msk [tilespmem:v37+s12+$0x0], $0xffff;
	v22 =	vshll.u32 v40, $0x3;
	v23 =	vshra.s32 v34, $0x5;
	v45 =	vshll.u32 v61, $0x1  }
0xe1: {  	v16 =	vld.idx.msk [tilespmem:v16+s18+$0x0], $0xffff;
	v24 =	vshll.u32 v61, $0x3;
	v31 =	vshrl.u32 v31, v32;
	v15 =	vadd.s32 v15, v23  }
0xe2: {  	v32 =	vand.u32 $0x1, v62;
	v34 =	vand.u32 $0x1F, v34;
	v62 =	vshll.u32 v42, $0x1;
	v46 =	vld.idx.msk [tilespmem:v25+s18+$0x0], $0xffff  }
0xe3: {  	v23 =	vshll.u32 v60, $0x3;
	v31 =	vand.u32 $0x1, v31;
	v32 =	vor.u32 v32, v36;
	v63 =	vld.idx.msk [tilespmem:v40+s18+$0x0], $0xffff  }
0xe4: {  	v31 =	vor.u32 v31, v35;
	v50 =	vand.u32 $0x7, v32;
	v41 =	vshll.u32 v32, $0x1  }
0xe5: {  	v32 =	vand.u32 $0x3FE, v62;
	v49 =	vld.idx.msk [tilespmem:v60+s18+$0x0], $0xffff;
	v56 =	vand.u32 $0x7, v31;
	v18 =	vor.u32 v18, v50  }
0xe6: {  	v31 =	vshll.u32 v31, $0x1;
	v27 =	vshrl.u32 v37, v27;
	v51 =	vshra.s32 v16, $0x5;
	v15 =	vld.idx.msk [tilespmem:v15+s12+$0x0], $0xffff  }
0xe7: {  	v57 =	vld.idx.msk [tilespmem:v61+s18+$0x0], $0xffff;
	v20 =	vor.u32 v20, v56;
	v52 =	vadd.s32 v6, v51;
	v53 =	vshra.s32 v46, $0x5  }
0xe8: {  	v56 =	vshra.s32 v39, $0x5;
	v54 =	vshra.s32 v63, $0x5;
	v55 =	vadd.s32 v11, v53  }
0xe9: {  	v17 =	vld.idx.msk [tilespmem:v17+s18+$0x0], $0xffff;
	v39 =	vand.u32 $0x1F, v39;
	v27 =	vand.u32 $0x1, v27;
	v58 =	vadd.s32 v9, v54  }
0xea: {  	v38 =	vadd.s32 v14, v56;
	v16 =	vand.u32 $0x1F, v16;
	v59 =	vshra.s32 v49, $0x5  }
0xeb: {  	v19 =	vor.u32 v27, v19;
	v60 =	vadd.s32 v8, v59;
	v15 =	vshrl.u32 v15, v34  }
0xec: {  	v47 =	vand.u32 $0x1F, v63;
	v61 =	vshra.s32 v57, $0x5;
	v63 =	vld.idx.msk [tilespmem:v52+s12+$0x0], $0xffff;
	v15 =	vand.u32 $0x1, v15  }
0xed: {  	s19 =	simm.s32 $0x30;
	v35 =	vand.u32 $0x1F, v49;
	v49 =	vadd.s32 v10, v61;
	v32 =	vor.u32 v15, v32;
	v15 =	vld.idx.msk [tilespmem:v55+s12+$0x0], $0xffff  }
0xee: {  	v50 =	vand.u32 $0x1F, v17;
	v40 =	vld.idx.msk [tilespmem:v58+s12+$0x0], $0xffff;
	v58 =	vshra.s32 v17, $0x5;
	v17 =	vmov s19  }
0xef: {  	v20 =	vld.idx.msk [tilespmem:v20+s18+$0x0], $0xffff;
	v36 =	vand.u32 $0x1F, v57;
	v57 =	vshra.s32 v44, $0x5;
	v17 =	vshll.u32 v17, $0x5  }
0xf0: {  	v59 =	vand.u32 $0x1F, v46;
	v42 =	vadd.s32 v13, v57;
	v48 =	vld.idx.msk [tilespmem:v60+s12+$0x0], $0xffff;
	v17 =	vor.u32 v2, v17  }
0xf1: {  	v38 =	vld.idx.msk [tilespmem:v38+s12+$0x0], $0xffff;
	v52 =	vadd.s32 v3, v58;
	v16 =	vshrl.u32 v63, v16;
	v33 =	vor.u32 v7, v17  }
0xf2: {  	v49 =	vld.idx.msk [tilespmem:v49+s12+$0x0], $0xffff;
	v17 =	vshll.u32 v25, $0x1;
	v16 =	vand.u32 $0x1, v16;
	v15 =	vshrl.u32 v15, v59  }
0xf3: {  	v60 =	vld.idx.msk [tilespmem:v18+s18+$0x0], $0xffff;
	v28 =	vor.u32 v16, v28;
	v16 =	vshrl.u32 v40, v47;
	v15 =	vand.u32 $0x1, v15  }
0xf4: {  	v44 =	vand.u32 $0x1F, v44;
	v16 =	vand.u32 $0x1, v16;
	v18 =	vor.u32 v15, v17  }
0xf5: {  	v51 =	vshra.s32 v20, $0x5;
	v42 =	vld.idx.msk [tilespmem:v42+s12+$0x0], $0xffff;
	v35 =	vshrl.u32 v48, v35;
	v30 =	vor.u32 v16, v30  }
0xf6: {  	v20 =	vand.u32 $0x1F, v20;
	v63 =	vadd.s32 v4, v51;
	v61 =	vld.idx.msk [tilespmem:v52+s12+$0x0], $0xffff;
	v15 =	vand.u32 $0x1, v35  }
0xf7: {  	v55 =	vshrl.u32 v38, v39;
	v16 =	vshrl.u32 v49, v36;
	v62 =	vor.u32 v15, v43  }
0xf8: {  	v37 =	vand.u32 $0x1, v55;
	v54 =	vshra.s32 v60, $0x5;
	v15 =	vand.u32 $0x1, v16;
	v46 =	vld.idx.msk [tilespmem:v28+s18+$0x0], $0xffff  }
0xf9: {  	v25 =	vshll.u32 v25, $0x3;
	v49 =	vadd.s32 v5, v54;
	v45 =	vor.u32 v15, v45;
	v51 =	vld.idx.msk [tilespmem:v18+s18+$0x0], $0xffff  }
0xfa: {  	v57 =	vshrl.u32 v42, v44;
	v36 =	vshll.u32 v30, $0x1;
	v16 =	vshll.u32 v30, $0x3;
	v30 =	vld.idx.msk [tilespmem:v30+s18+$0x0], $0xffff  }
0xfb: {  	v21 =	vor.u32 v37, v21;
	v58 =	vld.idx.msk [tilespmem:v63+s12+$0x0], $0xffff;
	v39 =	vand.u32 $0x1, v57;
	v35 =	vshrl.u32 v61, v50  }
0xfc: {  	v34 =	vand.u32 $0x1F, v60;
	v26 =	vor.u32 v39, v26;
	v35 =	vand.u32 $0x1, v35;
	v40 =	vld.idx.msk [tilespmem:v62+s18+$0x0], $0xffff  }
0xfd: {  	v43 =	vshll.u32 v62, $0x1;
	v29 =	vor.u32 v35, v29;
	v56 =	vshra.s32 v46, $0x5  }
0xfe: {  	v47 =	vshll.u32 v45, $0x1;
	v38 =	vld.idx.msk [tilespmem:v45+s18+$0x0], $0xffff;
	v35 =	vadd.s32 v6, v56;
	v59 =	vshra.s32 v51, $0x5  }
0xff: {  	v15 =	vshll.u32 v45, $0x3;
	v60 =	vld.idx.msk [tilespmem:v49+s12+$0x0], $0xffff;
	v61 =	vshra.s32 v30, $0x5;
	v45 =	vadd.s32 v11, v59  }
0x100: {  	v17 =	vshll.u32 v62, $0x3;
	v20 =	vshrl.u32 v58, v20;
	v49 =	vadd.s32 v9, v61  }
0x101: {  	v28 =	vshll.u32 v28, $0x1;
	v20 =	vand.u32 $0x1, v20;
	v37 =	vld.idx.msk [tilespmem:v26+s18+$0x0], $0xffff;
	v62 =	vshra.s32 v40, $0x5  }
0x102: {  	v42 =	vshll.u32 v29, $0x1;
	v20 =	vor.u32 v20, v31;
	v29 =	vld.idx.msk [tilespmem:v29+s18+$0x0], $0xffff;
	v50 =	vadd.s32 v8, v62  }
0x103: {  	v31 =	vshll.u32 v19, $0x1;
	v46 =	vand.u32 $0x1F, v46;
	v63 =	vshra.s32 v38, $0x5;
	v35 =	vld.idx.msk [tilespmem:v35+s12+$0x0], $0xffff  }
0x104: {  	v39 =	vshll.u32 v20, $0x1;
	v27 =	vshrl.u32 v60, v34;
	v52 =	vadd.s32 v10, v63;
	v55 =	vld.idx.msk [tilespmem:v45+s12+$0x0], $0xffff  }
0x105: {  	v30 =	vand.u32 $0x1F, v30;
	v60 =	vand.u32 $0x1F, v51;
	v27 =	vand.u32 $0x1, v27;
	v56 =	vld.idx.msk [tilespmem:v49+s12+$0x0], $0xffff  }
0x106: {  	v19 =	vld.idx.msk [tilespmem:v19+s18+$0x0], $0xffff;
	v40 =	vand.u32 $0x1F, v40;
	v61 =	vshll.u32 v18, $0x1;
	v27 =	vor.u32 v27, v41  }
0x107: {  	v38 =	vand.u32 $0x1F, v38;
	v41 =	vshll.u32 v21, $0x1;
	v58 =	vshra.s32 v29, $0x5;
	v57 =	vld.idx.msk [tilespmem:v50+s12+$0x0], $0xffff  }
0x108: {  	v29 =	vand.u32 $0x1F, v29;
	v49 =	vshll.u32 v27, $0x1;
	v35 =	vshrl.u32 v35, v46  }
0x109: {  	v45 =	vadd.s32 v3, v58;
	v59 =	vld.idx.msk [tilespmem:v52+s12+$0x0], $0xffff;
	v35 =	vand.u32 $0x1, v35;
	v34 =	vshrl.u32 v55, v60  }
0x10a: {  	v20 =	vld.idx.msk [tilespmem:v20+s18+$0x0], $0xffff;
	v35 =	vor.u32 v35, v28;
	v28 =	vshll.u32 v26, $0x1;
	v30 =	vshrl.u32 v56, v30  }
0x10b: {  	v27 =	vld.idx.msk [tilespmem:v27+s18+$0x0], $0xffff;
	v56 =	vshra.s32 v19, $0x5;
	v60 =	vshra.s32 v37, $0x5;
	v34 =	vand.u32 $0x1, v34  }
0x10c: {  	v21 =	vld.idx.msk [tilespmem:v21+s18+$0x0], $0xffff;
	v30 =	vand.u32 $0x1, v30;
	v40 =	vshrl.u32 v57, v40;
	v34 =	vor.u32 v34, v61  }
0x10d: {  	v37 =	vand.u32 $0x1F, v37;
	v26 =	vor.u32 v30, v36;
	v30 =	vand.u32 $0x1, v40  }
0x10e: {  	v62 =	vshrl.u32 v59, v38;
	v61 =	vand.u32 $0x1F, v19;
	v19 =	vadd.s32 v13, v60  }
0x10f: {  	v63 =	vld.idx.msk [tilespmem:v45+s12+$0x0], $0xffff;
	v57 =	vshra.s32 v20, $0x5;
	v30 =	vor.u32 v30, v43;
	v36 =	vand.u32 $0x1, v62  }
0x110: {  	v20 =	vand.u32 $0x1F, v20;
	v58 =	vshra.s32 v27, $0x5;
	v36 =	vor.u32 v36, v47;
	v45 =	vld.idx.msk [tilespmem:v35+s18+$0x0], $0xffff  }
0x111: {  	v27 =	vand.u32 $0x1F, v27;
	v48 =	vadd.s32 v5, v58;
	v59 =	vshra.s32 v21, $0x5;
	v50 =	vld.idx.msk [tilespmem:v34+s18+$0x0], $0xffff  }
0x112: {  	v13 =	vand.u32 $0x3FE, v31;
	v40 =	vshll.u32 v26, $0x1;
	v47 =	vadd.s32 v4, v57;
	v53 =	vld.idx.msk [tilespmem:v26+s18+$0x0], $0xffff  }
0x113: {  	v14 =	vadd.s32 v14, v59;
	v62 =	vand.u32 $0x1F, v21;
	v43 =	vshll.u32 v30, $0x1;
	v60 =	vld.idx.msk [tilespmem:v19+s12+$0x0], $0xffff  }
0x114: {  	s31 =	simm.s32 $0x20;
	v46 =	vshll.u32 v36, $0x1;
	v26 =	vshrl.u32 v63, v29;
	v29 =	vadd.s32 v12, v56;
	v30 =	vld.idx.msk [tilespmem:v30+s18+$0x0], $0xffff  }
0x115: {  	v35 =	vshll.u32 v35, $0x1;
	v19 =	vmov s31;
	v12 =	vand.u32 $0x1, v26;
	v36 =	vld.idx.msk [tilespmem:v36+s18+$0x0], $0xffff  }
0x116: {  	v48 =	vld.idx.msk [tilespmem:v48+s12+$0x0], $0xffff;
	v34 =	vshll.u32 v34, $0x1;
	v42 =	vor.u32 v12, v42;
	v12 =	vshra.s32 v45, $0x5  }
0x117: {  	v21 =	vld.idx.msk [tilespmem:v47+s12+$0x0], $0xffff;
	v26 =	vshll.u32 v42, $0x1;
	v63 =	vadd.s32 v6, v12;
	v55 =	vshra.s32 v50, $0x5  }
0x118: {  	v12 =	vand.u32 $0x3FE, v41;
	v31 =	vshra.s32 v53, $0x5;
	v51 =	vadd.s32 v11, v55  }
0x119: {  	v41 =	vand.u32 $0x1F, v53;
	v29 =	vld.idx.msk [tilespmem:v29+s12+$0x0], $0xffff;
	v31 =	vadd.s32 v9, v31;
	v56 =	vshra.s32 v30, $0x5  }
0x11a: {  	v57 =	vand.u32 $0x1F, v30;
	v30 =	vld.idx.msk [tilespmem:v14+s12+$0x0], $0xffff;
	v52 =	vadd.s32 v8, v56;
	v14 =	vshra.s32 v36, $0x5  }
0x11b: {  	s29 =	simm.s32 $0x0;
	v27 =	vshrl.u32 v48, v27;
	v54 =	vand.u32 $0x1F, v36;
	v58 =	vld.idx.msk [tilespmem:v42+s18+$0x0], $0xffff;
	v59 =	vadd.s32 v10, v14  }
0x11c: {  	s30 =	simm.s32 $0x10;
	v14 =	vshrl.u32 v21, v20;
	v21 =	vmov s29;
	v20 =	vand.u32 $0x3FE, v28;
	v47 =	vld.idx.msk [tilespmem:v63+s12+$0x0], $0xffff  }
0x11d: {  	v28 =	vand.u32 $0x1, v14;
	v14 =	vmov s30;
	v21 =	vshll.u32 v21, $0x5;
	v51 =	vld.idx.msk [tilespmem:v51+s12+$0x0], $0xffff  }
0x11e: {  	v39 =	vor.u32 v28, v39;
	v28 =	vand.u32 $0x1, v27;
	v55 =	vshrl.u32 v29, v61;
	v31 =	vld.idx.msk [tilespmem:v31+s12+$0x0], $0xffff  }
0x11f: {  	v29 =	vand.u32 $0x1F, v45;
	v27 =	vshll.u32 v39, $0x1;
	v44 =	vshrl.u32 v30, v62;
	v62 =	vld.idx.msk [tilespmem:v52+s12+$0x0], $0xffff  }
0x120: {  	v61 =	vor.u32 v28, v49;
	v30 =	vand.u32 $0x1F, v50;
	v28 =	vshra.s32 v58, $0x5;
	v42 =	vld.idx.msk [tilespmem:v59+s12+$0x0], $0xffff  }
0x121: {  	v52 =	vand.u32 $0x1F, v58;
	v63 =	vadd.s32 v3, v28;
	v29 =	vshrl.u32 v47, v29  }
0x122: {  	v28 =	vshll.u32 v61, $0x1;
	v29 =	vand.u32 $0x1, v29;
	v47 =	vshrl.u32 v51, v30  }
0x123: {  	v29 =	vor.u32 v29, v35;
	v30 =	vshrl.u32 v60, v37;
	v31 =	vshrl.u32 v31, v41  }
0x124: {  	v39 =	vld.idx.msk [tilespmem:v39+s18+$0x0], $0xffff;
	v50 =	vand.u32 $0x1, v47;
	v31 =	vand.u32 $0x1, v31;
	v51 =	vshrl.u32 v62, v57  }
0x125: {  	v36 =	vor.u32 v50, v34;
	v53 =	vshrl.u32 v42, v54;
	v37 =	vand.u32 $0x1, v51  }
0x126: {  	v54 =	vld.idx.msk [tilespmem:v61+s18+$0x0], $0xffff;
	v56 =	vor.u32 v31, v40;
	v35 =	vand.u32 $0x7, v36;
	v34 =	vand.u32 $0x1, v53  }
0x127: {  	v45 =	vld.idx.msk [tilespmem:v63+s12+$0x0], $0xffff;
	v37 =	vor.u32 v37, v43;
	v58 =	vand.u32 $0x7, v56;
	v25 =	vor.u32 v25, v35  }
0x128: {  	s20 =	sadd.s32 $0x8000, s18;
	v57 =	vor.u32 v34, v46;
	v59 =	vand.u32 $0x7, v37;
	v62 =	vor.u32 v22, v58;
	v31 =	vld.idx.msk [tilespmem:v29+s18+$0x0], $0xffff  }
0x129: {  	v61 =	vld.idx.msk [tilespmem:v32+s20+$0x0], $0xffff;
	v35 =	vshll.u32 v56, $0x1;
	v34 =	vshll.u32 v37, $0x1;
	v22 =	vand.u32 $0x1F, v39  }
0x12a: {  	v60 =	vand.u32 $0x7, v57;
	v43 =	vor.u32 v23, v59;
	v32 =	vshll.u32 v57, $0x1  }
0x12b: {  	v23 =	vshra.s32 v39, $0x5;
	v41 =	vor.u32 v24, v60;
	v24 =	vshra.s32 v54, $0x5  }
0x12c: {  	v38 =	vadd.s32 v4, v23;
	v23 =	vand.u32 $0x1F, v54;
	v37 =	vadd.s32 v5, v24;
	v40 =	vld.idx.msk [tilespmem:v25+s18+$0x0], $0xffff  }
0x12d: {  	v24 =	vshrl.u32 v45, v52;
	v25 =	vand.u32 $0x1, v55;
	v63 =	vshra.s32 v31, $0x5  }
0x12e: {  	s22 =	simm.s32 $0x8;
	[tilespmem:v33+s13+$0x0] =	vst.idx.msk $0xffff, v61;
	v42 =	vld.idx.msk [tilespmem:v62+s18+$0x0], $0xffff;
	v39 =	vand.u32 $0x1, v24;
	v24 =	vand.u32 $0x1, v44;
	v33 =	vadd.s32 v6, v63  }
.LBB2_3:
0x12f: {  	v44 =	vld.idx.msk [tilespmem:v1+s18+$0x0], $0xffff;
	s22 =	sadd.s32 $0x4, s22;
	v39 =	vor.u32 v39, v26;
	v25 =	vor.u32 v25, v13;
	v13 =	vand.u32 $0x1, v30  }
0x130: {  	v24 =	vor.u32 v24, v12;
	p0 =	slt.u32 s22, $0x3C;
	v30 =	vld.idx.msk [tilespmem:v43+s18+$0x0], $0xffff;
	v26 =	vshll.u32 v39, $0x1;
	v20 =	vor.u32 v13, v20  }
0x131: {  	v12 =	vshra.s32 v40, $0x5;
	v13 =	vshll.u32 v14, $0x5;
	v14 =	vshll.u32 v19, $0x5;
	v41 =	vld.idx.msk [tilespmem:v41+s18+$0x0], $0xffff  }
0x132: {  	v43 =	vadd.s32 v11, v12;
	v12 =	vor.u32 v2, v21;
	v13 =	vor.u32 v2, v13;
	v38 =	vld.idx.msk [tilespmem:v38+s12+$0x0], $0xffff  }
0x133: {  	v45 =	vor.u32 v7, v13;
	v21 =	vld.idx.msk [tilespmem:v33+s12+$0x0], $0xffff;
	v33 =	vor.u32 v7, v12;
	v12 =	vor.u32 v2, v14  }
0x134: {  	s21 =	sadd.s32 $0x400, s21;
	v13 =	vshra.s32 v42, $0x5;
	v42 =	vand.u32 $0x1F, v42;
	v37 =	vld.idx.msk [tilespmem:v37+s12+$0x0], $0xffff;
	v46 =	vor.u32 v7, v12  }
0x135: {  	s23 =	sadd.s32 $0xFFFFFD00, s21;
	s24 =	sadd.s32 $0xFFFFFE00, s21;
	s25 =	sadd.s32 $0xFFFFFF00, s21;
	v48 =	vor.u32 s21, v0;
	v47 =	vshra.s32 v44, $0x5;
	v49 =	vadd.s32 v9, v13;
	v19 =	vld.idx.msk [tilespmem:v39+s18+$0x0], $0xffff  }
0x136: {  	v14 =	vor.u32 s23, v0;
	v13 =	vor.u32 s24, v0;
	v39 =	vadd.s32 v48, v47;
	v25 =	vld.idx.msk [tilespmem:v25+s20+$0x0], $0xffff  }
0x137: {  	v12 =	vor.u32 s25, v0;
	v50 =	vadd.s32 v14, v47;
	v51 =	vadd.s32 v13, v47;
	v43 =	vld.idx.msk [tilespmem:v43+s12+$0x0], $0xffff  }
0x138: {  	v31 =	vand.u32 $0x1F, v31;
	v47 =	vadd.s32 v12, v47;
	v52 =	vshra.s32 v30, $0x5;
	v24 =	vld.idx.msk [tilespmem:v24+s20+$0x0], $0xffff  }
0x139: {  	v52 =	vadd.s32 v8, v52;
	v53 =	vshra.s32 v41, $0x5;
	v21 =	vshrl.u32 v21, v31;
	v54 =	vld.idx.msk [tilespmem:v20+s20+$0x0], $0xffff  }
0x13a: {  	v53 =	vadd.s32 v10, v53;
	v20 =	vand.u32 $0x1, v21;
	v21 =	vshll.u32 v29, $0x1;
	v49 =	vld.idx.msk [tilespmem:v49+s12+$0x0], $0xffff  }
0x13b: {  	v41 =	vand.u32 $0x1F, v41;
	v55 =	vor.u32 v20, v21;
	v29 =	vld.idx.msk [tilespmem:v39+s12+$0x0], $0xffff;
	v39 =	vand.u32 $0x1F, v30  }
0x13c: {  	v20 =	vand.u32 $0x1F, v40;
	v21 =	vshrl.u32 v38, v22;
	v22 =	vshrl.u32 v37, v23;
	v30 =	vld.idx.msk [tilespmem:v50+s12+$0x0], $0xffff  }
0x13d: {  	v21 =	vand.u32 $0x1, v21;
	v22 =	vand.u32 $0x1, v22;
	v20 =	vshrl.u32 v43, v20;
	v23 =	vld.idx.msk [tilespmem:v51+s12+$0x0], $0xffff;
	[tilespmem:v33+s13+$0x0] =	vst.idx.msk $0xffff, v25  }
0x13e: {  	v31 =	vand.u32 $0x1, v20;
	v33 =	vshll.u32 v36, $0x1;
	v20 =	vor.u32 v21, v27;
	v25 =	vld.idx.msk [tilespmem:v47+s12+$0x0], $0xffff;
	[tilespmem:v45+s13+$0x0] =	vst.idx.msk $0xffff, v24  }
0x13f: {  	v21 =	vor.u32 v22, v28;
	v31 =	vor.u32 v31, v33;
	v33 =	vshra.s32 v19, $0x5;
	v27 =	vld.idx.msk [tilespmem:v52+s12+$0x0], $0xffff  }
0x140: {  	v18 =	vshll.u32 v18, $0x3;
	v24 =	vand.u32 $0x1F, v44;
	v22 =	vand.u32 $0x7, v31;
	v36 =	vld.idx.msk [tilespmem:v55+s18+$0x0], $0xffff;
	[tilespmem:v46+s13+$0x0] =	vst.idx.msk $0xffff, v54  }
0x141: {  	v28 =	vshrl.u32 v29, v24;
	v29 =	vshrl.u32 v49, v42;
	v18 =	vor.u32 v18, v22;
	v37 =	vld.idx.msk [tilespmem:v53+s12+$0x0], $0xffff  }
0x142: {  	v22 =	vshrl.u32 v30, v24;
	v28 =	vand.u32 $0x1, v28;
	v29 =	vand.u32 $0x1, v29  }
0x143: {  	v30 =	vand.u32 $0x1, v22;
	v23 =	vshrl.u32 v23, v24;
	v22 =	vor.u32 $0x2, v28;
	v28 =	vld.idx.msk [tilespmem:v20+s18+$0x0], $0xffff  }
0x144: {  	v38 =	vor.u32 $0x2, v30;
	v23 =	vand.u32 $0x1, v23;
	v24 =	vshrl.u32 v25, v24;
	v30 =	vld.idx.msk [tilespmem:v21+s18+$0x0], $0xffff  }
0x145: {  	v40 =	vshll.u32 v38, $0x1;
	v42 =	vor.u32 $0x2, v23;
	v23 =	vand.u32 $0x1, v24  }
0x146: {  	v43 =	vshll.u32 v42, $0x1;
	v44 =	vor.u32 $0x2, v23;
	v24 =	vshra.s32 v36, $0x5;
	v18 =	vld.idx.msk [tilespmem:v18+s18+$0x0], $0xffff  }
0x147: {  	v23 =	vshll.u32 v38, $0x3;
	v45 =	vshll.u32 v44, $0x1;
	v46 =	vadd.s32 v6, v24;
	v6 =	vmovc v11;
	v11 =	vmovc v48  }
0x148: {  	v27 =	vshrl.u32 v27, v39;
	v24 =	vshll.u32 v42, $0x3;
	v25 =	vshll.u32 v44, $0x3;
	v47 =	vld.idx.msk [tilespmem:v22+s18+$0x0], $0xffff  }
0x149: {  	v29 =	vor.u32 v29, v35;
	v27 =	vand.u32 $0x1, v27;
	v35 =	vshrl.u32 v37, v41;
	v38 =	vld.idx.msk [tilespmem:v38+s18+$0x0], $0xffff  }
0x14a: {  	v39 =	vand.u32 $0x7, v29;
	v27 =	vor.u32 v27, v34;
	v34 =	vand.u32 $0x1, v35;
	v37 =	vld.idx.msk [tilespmem:v42+s18+$0x0], $0xffff  }
0x14b: {  	v16 =	vor.u32 v16, v39;
	v39 =	vand.u32 $0x7, v27;
	v32 =	vor.u32 v34, v32;
	v35 =	vld.idx.msk [tilespmem:v44+s18+$0x0], $0xffff  }
0x14c: {  	v17 =	vor.u32 v17, v39;
	v34 =	vand.u32 $0x7, v32;
	v39 =	vshra.s32 v18, $0x5;
	v41 =	vld.idx.msk [tilespmem:v46+s12+$0x0], $0xffff  }
0x14d: {  	v42 =	vshll.u32 v29, $0x1;
	v15 =	vor.u32 v15, v34;
	v34 =	vadd.s32 v6, v39  }
0x14e: {  	v29 =	vshll.u32 v27, $0x1;
	v27 =	vshll.u32 v32, $0x1;
	v39 =	vshra.s32 v47, $0x5  }
0x14f: {  	v32 =	vshra.s32 v38, $0x5;
	v38 =	vand.u32 $0x1F, v38;
	v39 =	vadd.s32 v11, v39  }
0x150: {  	v32 =	vadd.s32 v14, v32;
	v44 =	vshra.s32 v37, $0x5;
	v37 =	vand.u32 $0x1F, v37;
	v16 =	vld.idx.msk [tilespmem:v16+s18+$0x0], $0xffff  }
0x151: {  	v44 =	vadd.s32 v13, v44;
	v46 =	vshra.s32 v35, $0x5;
	v48 =	vld.idx.msk [tilespmem:v17+s18+$0x0], $0xffff;
	v17 =	vand.u32 $0x1F, v36  }
0x152: {  	v36 =	vadd.s32 v12, v46;
	v34 =	vld.idx.msk [tilespmem:v34+s12+$0x0], $0xffff;
	v17 =	vshrl.u32 v41, v17;
	v41 =	vshll.u32 v55, $0x1  }
0x153: {  	v35 =	vand.u32 $0x1F, v35;
	v46 =	vld.idx.msk [tilespmem:v15+s18+$0x0], $0xffff;
	v15 =	vand.u32 $0x1, v17;
	v17 =	vand.u32 $0x3FE, v41  }
0x154: {  	v49 =	vshra.s32 v30, $0x5;
	v41 =	vshra.s32 v28, $0x5;
	v39 =	vld.idx.msk [tilespmem:v39+s12+$0x0], $0xffff;
	v15 =	vor.u32 v15, v17  }
0x155: {  	s19 =	sadd.s32 $0x40, s19;
	v17 =	vld.idx.msk [tilespmem:v32+s12+$0x0], $0xffff;
	v32 =	vadd.s32 v3, v33;
	v33 =	vadd.s32 v4, v41;
	v41 =	vadd.s32 v5, v49  }
0x156: {  	s23 =	sadd.s32 $0xFFFFFFF0, s19;
	s25 =	sadd.s32 $0xFFFFFFD0, s19;
	s24 =	sadd.s32 $0xFFFFFFE0, s19;
	v49 =	vshra.s32 v16, $0x5;
	v50 =	vand.u32 $0x1F, v16;
	v16 =	vmov s19;
	v44 =	vld.idx.msk [tilespmem:v44+s12+$0x0], $0xffff  }
0x157: {  	v18 =	vand.u32 $0x1F, v18;
	v51 =	vshra.s32 v48, $0x5;
	v16 =	vshll.u32 v16, $0x5;
	v36 =	vld.idx.msk [tilespmem:v36+s12+$0x0], $0xffff  }
0x158: {  	v49 =	vadd.s32 v9, v49;
	v18 =	vshrl.u32 v34, v18;
	v16 =	vor.u32 v2, v16  }
0x159: {  	v31 =	vshll.u32 v31, $0x1;
	v34 =	vand.u32 $0x1F, v47;
	v18 =	vand.u32 $0x1, v18;
	v15 =	vld.idx.msk [tilespmem:v15+s20+$0x0], $0xffff  }
0x15a: {  	v34 =	vshrl.u32 v39, v34;
	v31 =	vor.u32 v18, v31;
	v39 =	vor.u32 v7, v16;
	v32 =	vld.idx.msk [tilespmem:v32+s12+$0x0], $0xffff  }
0x15b: {  	v18 =	vshll.u32 v22, $0x1;
	v16 =	vshrl.u32 v17, v38;
	v17 =	vand.u32 $0x1, v34;
	v33 =	vld.idx.msk [tilespmem:v33+s12+$0x0], $0xffff  }
0x15c: {  	v16 =	vand.u32 $0x1, v16;
	v34 =	vshrl.u32 v44, v37;
	v18 =	vor.u32 v17, v18;
	v37 =	vld.idx.msk [tilespmem:v41+s12+$0x0], $0xffff  }
0x15d: {  	v38 =	vor.u32 v16, v40;
	v16 =	vand.u32 $0x1, v34;
	v17 =	vshrl.u32 v36, v35;
	v34 =	vld.idx.msk [tilespmem:v49+s12+$0x0], $0xffff  }
0x15e: {  	v35 =	vshll.u32 v38, $0x1;
	v36 =	vor.u32 v16, v43;
	v17 =	vand.u32 $0x1, v17  }
0x15f: {  	v16 =	vshll.u32 v38, $0x3;
	v40 =	vshll.u32 v36, $0x1;
	v41 =	vor.u32 v17, v45;
	v43 =	vld.idx.msk [tilespmem:v31+s18+$0x0], $0xffff;
	[tilespmem:v39+s13+$0x0] =	vst.idx.msk $0xffff, v15  }
0x160: {  	v17 =	vshll.u32 v36, $0x3;
	v39 =	vshll.u32 v41, $0x1;
	v15 =	vshll.u32 v41, $0x3  }
0x161: {  	v47 =	vand.u32 $0x1F, v48;
	v48 =	vshra.s32 v46, $0x5;
	v45 =	vadd.s32 v8, v51;
	v44 =	vld.idx.msk [tilespmem:v18+s18+$0x0], $0xffff  }
0x162: {  	v19 =	vand.u32 $0x1F, v19;
	v46 =	vand.u32 $0x1F, v46;
	v48 =	vadd.s32 v10, v48;
	v38 =	vld.idx.msk [tilespmem:v38+s18+$0x0], $0xffff  }
0x163: {  	v30 =	vand.u32 $0x1F, v30;
	v28 =	vand.u32 $0x1F, v28;
	v34 =	vshrl.u32 v34, v50;
	v36 =	vld.idx.msk [tilespmem:v36+s18+$0x0], $0xffff  }
0x164: {  	v19 =	vshrl.u32 v32, v19;
	v28 =	vshrl.u32 v33, v28;
	v34 =	vand.u32 $0x1, v34;
	v41 =	vld.idx.msk [tilespmem:v41+s18+$0x0], $0xffff  }
0x165: {  	v30 =	vshrl.u32 v37, v30;
	v32 =	vor.u32 v34, v42;
	v33 =	vshra.s32 v43, $0x5  }
0x166: {  	v19 =	vand.u32 $0x1, v19;
	v34 =	vshll.u32 v32, $0x1;
	v33 =	vadd.s32 v6, v33;
	v37 =	vld.idx.msk [tilespmem:v45+s12+$0x0], $0xffff  }
0x167: {  	v28 =	vand.u32 $0x1, v28;
	v30 =	vand.u32 $0x1, v30;
	v42 =	vshra.s32 v44, $0x5;
	v45 =	vld.idx.msk [tilespmem:v48+s12+$0x0], $0xffff  }
0x168: {  	v48 =	vshra.s32 v38, $0x5;
	v38 =	vand.u32 $0x1F, v38;
	v42 =	vadd.s32 v11, v42  }
0x169: {  	v48 =	vadd.s32 v14, v48;
	v49 =	vshra.s32 v36, $0x5;
	v36 =	vand.u32 $0x1F, v36  }
0x16a: {  	v49 =	vadd.s32 v13, v49;
	v50 =	vshra.s32 v41, $0x5;
	v41 =	vand.u32 $0x1F, v41;
	v32 =	vld.idx.msk [tilespmem:v32+s18+$0x0], $0xffff  }
0x16b: {  	v20 =	vshll.u32 v20, $0x1;
	v21 =	vshll.u32 v21, $0x1;
	v50 =	vadd.s32 v12, v50;
	v33 =	vld.idx.msk [tilespmem:v33+s12+$0x0], $0xffff  }
0x16c: {  	v19 =	vor.u32 v19, v26;
	v20 =	vor.u32 v28, v20;
	v37 =	vshrl.u32 v37, v47  }
0x16d: {  	v21 =	vor.u32 v30, v21;
	v28 =	vand.u32 $0x1, v37;
	v37 =	vshrl.u32 v45, v46;
	v26 =	vld.idx.msk [tilespmem:v42+s12+$0x0], $0xffff  }
0x16e: {  	v28 =	vor.u32 v28, v29;
	v29 =	vand.u32 $0x1, v37;
	v37 =	vshll.u32 v19, $0x1;
	v30 =	vld.idx.msk [tilespmem:v48+s12+$0x0], $0xffff  }
0x16f: {  	v45 =	vshll.u32 v28, $0x1;
	v27 =	vor.u32 v29, v27;
	v29 =	vshll.u32 v20, $0x1;
	v42 =	vld.idx.msk [tilespmem:v49+s12+$0x0], $0xffff  }
0x170: {  	v43 =	vand.u32 $0x1F, v43;
	v47 =	vshra.s32 v32, $0x5;
	v32 =	vand.u32 $0x1F, v32;
	v46 =	vld.idx.msk [tilespmem:v50+s12+$0x0], $0xffff  }
0x171: {  	v48 =	vshll.u32 v27, $0x1;
	v47 =	vadd.s32 v9, v47;
	v33 =	vshrl.u32 v33, v43;
	v19 =	vld.idx.msk [tilespmem:v19+s18+$0x0], $0xffff  }
0x172: {  	v31 =	vshll.u32 v31, $0x1;
	v43 =	vand.u32 $0x1F, v44;
	v33 =	vand.u32 $0x1, v33;
	v20 =	vld.idx.msk [tilespmem:v20+s18+$0x0], $0xffff  }
0x173: {  	v26 =	vshrl.u32 v26, v43;
	v33 =	vor.u32 v33, v31;
	v43 =	vshll.u32 v21, $0x1;
	v28 =	vld.idx.msk [tilespmem:v28+s18+$0x0], $0xffff  }
0x174: {  	v31 =	vshll.u32 v18, $0x1;
	v30 =	vshrl.u32 v30, v38;
	v26 =	vand.u32 $0x1, v26;
	v27 =	vld.idx.msk [tilespmem:v27+s18+$0x0], $0xffff  }
0x175: {  	v30 =	vand.u32 $0x1, v30;
	v36 =	vshrl.u32 v42, v36;
	v38 =	vor.u32 v26, v31;
	v21 =	vld.idx.msk [tilespmem:v21+s18+$0x0], $0xffff  }
0x176: {  	v26 =	vor.u32 v30, v35;
	v30 =	vand.u32 $0x1, v36;
	v35 =	vshrl.u32 v46, v41;
	v36 =	vld.idx.msk [tilespmem:v47+s12+$0x0], $0xffff  }
0x177: {  	v31 =	vshll.u32 v26, $0x1;
	v30 =	vor.u32 v30, v40;
	v35 =	vand.u32 $0x1, v35  }
0x178: {  	v41 =	vshra.s32 v19, $0x5;
	v40 =	vshll.u32 v30, $0x1;
	v35 =	vor.u32 v35, v39;
	v39 =	vld.idx.msk [tilespmem:v33+s18+$0x0], $0xffff  }
0x179: {  	v42 =	vshll.u32 v35, $0x1;
	v44 =	vshra.s32 v28, $0x5;
	v28 =	vand.u32 $0x1F, v28  }
0x17a: {  	v44 =	vadd.s32 v8, v44;
	v47 =	vshra.s32 v27, $0x5;
	v27 =	vand.u32 $0x1F, v27;
	v46 =	vld.idx.msk [tilespmem:v38+s18+$0x0], $0xffff  }
0x17b: {  	v47 =	vadd.s32 v10, v47;
	v50 =	vshra.s32 v21, $0x5;
	v49 =	vld.idx.msk [tilespmem:v26+s18+$0x0], $0xffff;
	v26 =	vshra.s32 v20, $0x5  }
0x17c: {  	v32 =	vshrl.u32 v36, v32;
	v36 =	vadd.s32 v3, v41;
	v30 =	vld.idx.msk [tilespmem:v30+s18+$0x0], $0xffff;
	v41 =	vadd.s32 v4, v26  }
0x17d: {  	v3 =	vmovc v9;
	v9 =	vmovc v14;
	v26 =	vand.u32 $0x1, v32;
	v32 =	vand.u32 $0x1F, v19;
	v19 =	vadd.s32 v5, v50;
	v35 =	vld.idx.msk [tilespmem:v35+s18+$0x0], $0xffff  }
0x17e: {  	v4 =	vmovc v8;
	v8 =	vmovc v13;
	v14 =	vor.u32 v26, v34;
	v51 =	vshra.s32 v39, $0x5;
	v34 =	vand.u32 $0x1F, v20  }
0x17f: {  	v50 =	vand.u32 $0x1F, v21;
	v5 =	vmovc v10;
	v10 =	vmovc v12;
	v26 =	vshll.u32 v14, $0x1;
	v20 =	vadd.s32 v6, v51;
	v44 =	vld.idx.msk [tilespmem:v44+s12+$0x0], $0xffff  }
0x180: {  	v13 =	vand.u32 $0x3FE, v37;
	v12 =	vand.u32 $0x3FE, v29;
	v21 =	vshra.s32 v46, $0x5;
	v47 =	vld.idx.msk [tilespmem:v47+s12+$0x0], $0xffff  }
0x181: {  	v29 =	vshra.s32 v49, $0x5;
	v37 =	vand.u32 $0x1F, v49;
	v21 =	vadd.s32 v11, v21;
	v36 =	vld.idx.msk [tilespmem:v36+s12+$0x0], $0xffff  }
0x182: {  	v29 =	vadd.s32 v9, v29;
	v49 =	vshra.s32 v30, $0x5;
	v51 =	vand.u32 $0x1F, v30;
	v30 =	vld.idx.msk [tilespmem:v41+s12+$0x0], $0xffff  }
0x183: {  	v41 =	vadd.s32 v8, v49;
	v49 =	vshra.s32 v35, $0x5;
	v35 =	vand.u32 $0x1F, v35;
	v52 =	vld.idx.msk [tilespmem:v14+s18+$0x0], $0xffff  }
0x184: {  	v54 =	vmov s25;
	v49 =	vadd.s32 v10, v49;
	v53 =	vld.idx.msk [tilespmem:v20+s12+$0x0], $0xffff;
	v20 =	vand.u32 $0x3FE, v43  }
0x185: {  	v14 =	vmov s24;
	v28 =	vshrl.u32 v44, v28;
	v43 =	vld.idx.msk [tilespmem:v19+s12+$0x0], $0xffff;
	v19 =	vmov s23  }
0x186: {  	v28 =	vand.u32 $0x1, v28;
	v27 =	vshrl.u32 v47, v27;
	v44 =	vld.idx.msk [tilespmem:v21+s12+$0x0], $0xffff;
	v21 =	vshll.u32 v54, $0x5  }
0x187: {  	v47 =	vld.idx.msk [tilespmem:v29+s12+$0x0], $0xffff;
	v29 =	vor.u32 v28, v45;
	v28 =	vand.u32 $0x1, v27;
	v45 =	vshrl.u32 v36, v32  }
0x188: {  	v32 =	vld.idx.msk [tilespmem:v41+s12+$0x0], $0xffff;
	v27 =	vshll.u32 v29, $0x1;
	v36 =	vor.u32 v28, v48;
	v48 =	vshrl.u32 v30, v34  }
0x189: {  	v28 =	vshra.s32 v52, $0x5;
	v30 =	vand.u32 $0x1F, v39;
	v34 =	vld.idx.msk [tilespmem:v49+s12+$0x0], $0xffff;
	v49 =	vand.u32 $0x1F, v52  }
0x18a: {  	v39 =	vadd.s32 v3, v28;
	v28 =	vshll.u32 v36, $0x1;
	v30 =	vshrl.u32 v53, v30  }
0x18b: {  	v33 =	vshll.u32 v33, $0x1;
	v41 =	vand.u32 $0x1F, v46;
	v30 =	vand.u32 $0x1, v30  }
0x18c: {  	v41 =	vshrl.u32 v44, v41;
	v44 =	vld.idx.msk [tilespmem:v29+s18+$0x0], $0xffff;
	v29 =	vor.u32 v30, v33;
	v30 =	vshrl.u32 v43, v50  }
0x18d: {  	v38 =	vshll.u32 v38, $0x1;
	v33 =	vshrl.u32 v47, v37;
	v37 =	vand.u32 $0x1, v41;
	v46 =	vld.idx.msk [tilespmem:v36+s18+$0x0], $0xffff  }
0x18e: {  	v33 =	vand.u32 $0x1, v33;
	v32 =	vshrl.u32 v32, v51;
	v36 =	vor.u32 v37, v38  }
0x18f: {  	v22 =	vshll.u32 v22, $0x3;
	v34 =	vshrl.u32 v34, v35;
	v35 =	vand.u32 $0x7, v36;
	v39 =	vld.idx.msk [tilespmem:v39+s12+$0x0], $0xffff  }
0x190: {  	v32 =	vand.u32 $0x1, v32;
	v34 =	vand.u32 $0x1, v34;
	v22 =	vor.u32 v22, v35  }
0x191: {  	v33 =	vor.u32 v33, v31;
	v32 =	vor.u32 v32, v40;
	v37 =	vor.u32 v34, v42;
	v31 =	vld.idx.msk [tilespmem:v29+s18+$0x0], $0xffff  }
0x192: {  	v34 =	vand.u32 $0x7, v33;
	v35 =	vand.u32 $0x7, v32;
	v38 =	vand.u32 $0x7, v37  }
0x193: {  	v42 =	vor.u32 v23, v34;
	v43 =	vor.u32 v24, v35;
	v41 =	vor.u32 v25, v38  }
.Ltmp0:
0x194: {  	v35 =	vshll.u32 v33, $0x1;
	v34 =	vshll.u32 v32, $0x1;
	v32 =	vshll.u32 v37, $0x1;
	(pc) =	sbr.rel @p0 .LBB2_3-.Ltmp0, $4  }
0x195: {  	v23 =	vshra.s32 v44, $0x5;
	v24 =	vshra.s32 v46, $0x5;
	v40 =	vld.idx.msk [tilespmem:v22+s18+$0x0], $0xffff;
	v22 =	vand.u32 $0x1F, v44  }
0x196: {  	v38 =	vadd.s32 v4, v23;
	v23 =	vand.u32 $0x1F, v46;
	v37 =	vadd.s32 v5, v24  }
0x197: {  	v25 =	vand.u32 $0x1, v45;
	v24 =	vshrl.u32 v39, v49;
	v33 =	vshra.s32 v31, $0x5  }
0x198: {  	v39 =	vand.u32 $0x1, v24;
	v24 =	vand.u32 $0x1, v48;
	v33 =	vadd.s32 v6, v33;
	v42 =	vld.idx.msk [tilespmem:v42+s18+$0x0], $0xffff  }
0x199: {  	_ =	sdelay $0x3  }
0x19a: {  	v43 =	vld.idx.msk [tilespmem:v43+s18+$0x0], $0xffff  }
0x19b: {  	v41 =	vld.idx.msk [tilespmem:v41+s18+$0x0], $0xffff;
	v44 =	vshra.s32 v40, $0x5  }
0x19c: {  	v44 =	vadd.s32 v11, v44;
	_ =	sdelay $0x1  }
0x19d: {  	v45 =	vshra.s32 v42, $0x5  }
0x19e: {  	v45 =	vadd.s32 v9, v45;
	v46 =	vshra.s32 v43, $0x5  }
0x19f: {  	v47 =	vshra.s32 v41, $0x5;
	v46 =	vadd.s32 v8, v46  }
0x1a0: {  	v47 =	vadd.s32 v10, v47;
	v44 =	vld.idx.msk [tilespmem:v44+s12+$0x0], $0xffff;
	_ =	sdelay $0x2  }
0x1a1: {  	v45 =	vld.idx.msk [tilespmem:v45+s12+$0x0], $0xffff  }
0x1a2: {  	v56 =	vand.u32 $0x1F, v40;
	v57 =	vld.idx.msk [tilespmem:v46+s12+$0x0], $0xffff  }
0x1a3: {  	v58 =	vld.idx.msk [tilespmem:v47+s12+$0x0], $0xffff;
	v40 =	vshrl.u32 v44, v56  }
0x1a4: {  	v36 =	vshll.u32 v36, $0x1;
	v18 =	vshll.u32 v18, $0x3;
	v40 =	vand.u32 $0x1, v40  }
0x1a5: {  	v59 =	vand.u32 $0x1F, v42;
	v61 =	vand.u32 $0x1F, v43;
	v36 =	vor.u32 v40, v36  }
0x1a6: {  	v41 =	vand.u32 $0x1F, v41;
	v60 =	vand.u32 $0x7, v36;
	v40 =	vshrl.u32 v45, v59  }
0x1a7: {  	v18 =	vor.u32 v18, v60;
	v40 =	vand.u32 $0x1, v40;
	v42 =	vshrl.u32 v57, v61  }
0x1a8: {  	v41 =	vshrl.u32 v58, v41;
	v35 =	vor.u32 v40, v35;
	v62 =	vand.u32 $0x1, v42  }
0x1a9: {  	v44 =	vand.u32 $0x1, v41;
	v63 =	vand.u32 $0x7, v35;
	v34 =	vor.u32 v62, v34  }
0x1aa: {  	v32 =	vor.u32 v44, v32;
	v16 =	vor.u32 v16, v63;
	v45 =	vand.u32 $0x7, v34  }
0x1ab: {  	v40 =	vand.u32 $0x7, v32;
	v17 =	vor.u32 v17, v45  }
0x1ac: {  	v15 =	vor.u32 v15, v40  }
0x1ad: {  	v18 =	vld.idx.msk [tilespmem:v18+s18+$0x0], $0xffff;
	_ =	sdelay $0x1  }
0x1ae: {  	v16 =	vld.idx.msk [tilespmem:v16+s18+$0x0], $0xffff  }
0x1af: {  	v17 =	vld.idx.msk [tilespmem:v17+s18+$0x0], $0xffff  }
0x1b0: {  	v15 =	vld.idx.msk [tilespmem:v15+s18+$0x0], $0xffff  }
0x1b1: {  	v46 =	vshra.s32 v18, $0x5  }
0x1b2: {  	v40 =	vadd.s32 v11, v46  }
0x1b3: {  	v47 =	vshra.s32 v16, $0x5  }
0x1b4: {  	v48 =	vshra.s32 v17, $0x5;
	v41 =	vadd.s32 v9, v47  }
0x1b5: {  	v49 =	vshra.s32 v15, $0x5;
	v42 =	vadd.s32 v8, v48  }
0x1b6: {  	v43 =	vadd.s32 v10, v49  }
0x1b7: {  	v40 =	vld.idx.msk [tilespmem:v40+s12+$0x0], $0xffff;
	_ =	sdelay $0x1  }
0x1b8: {  	v41 =	vld.idx.msk [tilespmem:v41+s12+$0x0], $0xffff  }
0x1b9: {  	v50 =	vld.idx.msk [tilespmem:v42+s12+$0x0], $0xffff  }
0x1ba: {  	v18 =	vand.u32 $0x1F, v18;
	v51 =	vld.idx.msk [tilespmem:v43+s12+$0x0], $0xffff  }
0x1bb: {  	v36 =	vshll.u32 v36, $0x1;
	v35 =	vshll.u32 v35, $0x1;
	v18 =	vshrl.u32 v40, v18  }
0x1bc: {  	v34 =	vshll.u32 v34, $0x1;
	v16 =	vand.u32 $0x1F, v16;
	v18 =	vand.u32 $0x1, v18  }
0x1bd: {  	v17 =	vand.u32 $0x1F, v17;
	v18 =	vor.u32 v18, v36;
	v16 =	vshrl.u32 v41, v16  }
0x1be: {  	v15 =	vand.u32 $0x1F, v15;
	v16 =	vand.u32 $0x1, v16;
	v17 =	vshrl.u32 v50, v17  }
0x1bf: {  	v15 =	vshrl.u32 v51, v15;
	v16 =	vor.u32 v16, v35;
	v17 =	vand.u32 $0x1, v17  }
0x1c0: {  	v32 =	vshll.u32 v32, $0x1;
	v15 =	vand.u32 $0x1, v15;
	v17 =	vor.u32 v17, v34  }
0x1c1: {  	v15 =	vor.u32 v15, v32  }
0x1c2: {  	v52 =	vld.idx.msk [tilespmem:v18+s18+$0x0], $0xffff;
	_ =	sdelay $0x1  }
0x1c3: {  	v53 =	vld.idx.msk [tilespmem:v16+s18+$0x0], $0xffff  }
0x1c4: {  	v55 =	vld.idx.msk [tilespmem:v17+s18+$0x0], $0xffff  }
0x1c5: {  	v56 =	vld.idx.msk [tilespmem:v15+s18+$0x0], $0xffff  }
0x1c6: {  	v54 =	vshra.s32 v52, $0x5  }
0x1c7: {  	v34 =	vadd.s32 v11, v54  }
0x1c8: {  	v57 =	vshra.s32 v53, $0x5  }
0x1c9: {  	v41 =	vadd.s32 v9, v57;
	v58 =	vshra.s32 v55, $0x5  }
0x1ca: {  	v59 =	vshra.s32 v56, $0x5;
	v42 =	vadd.s32 v8, v58  }
0x1cb: {  	v43 =	vadd.s32 v10, v59  }
0x1cc: {  	v34 =	vld.idx.msk [tilespmem:v34+s12+$0x0], $0xffff;
	_ =	sdelay $0x1  }
0x1cd: {  	v41 =	vld.idx.msk [tilespmem:v41+s12+$0x0], $0xffff  }
0x1ce: {  	v60 =	vld.idx.msk [tilespmem:v42+s12+$0x0], $0xffff  }
0x1cf: {  	v35 =	vand.u32 $0x1F, v52;
	v61 =	vld.idx.msk [tilespmem:v43+s12+$0x0], $0xffff  }
0x1d0: {  	v18 =	vshll.u32 v18, $0x1;
	v16 =	vshll.u32 v16, $0x1;
	v34 =	vshrl.u32 v34, v35  }
0x1d1: {  	v17 =	vshll.u32 v17, $0x1;
	v32 =	vand.u32 $0x1F, v53;
	v34 =	vand.u32 $0x1, v34  }
0x1d2: {  	v62 =	vand.u32 $0x1F, v55;
	v18 =	vor.u32 v34, v18;
	v32 =	vshrl.u32 v41, v32  }
0x1d3: {  	v41 =	vand.u32 $0x1F, v56;
	v32 =	vand.u32 $0x1, v32;
	v34 =	vshrl.u32 v60, v62  }
0x1d4: {  	v63 =	vld.idx.msk [tilespmem:v38+s12+$0x0], $0xffff;
	v44 =	vshrl.u32 v61, v41;
	v16 =	vor.u32 v32, v16;
	v43 =	vand.u32 $0x1, v34  }
0x1d5: {  	v15 =	vshll.u32 v15, $0x1;
	v46 =	vand.u32 $0x1, v44;
	v17 =	vor.u32 v43, v17  }
0x1d6: {  	v15 =	vor.u32 v46, v15;
	_ =	sdelay $0x1  }
0x1d7: {  	v45 =	vld.idx.msk [tilespmem:v18+s18+$0x0], $0xffff  }
0x1d8: {  	v22 =	vshrl.u32 v63, v22;
	v48 =	vld.idx.msk [tilespmem:v16+s18+$0x0], $0xffff  }
0x1d9: {  	v26 =	vor.u32 v39, v26;
	v22 =	vand.u32 $0x1, v22;
	v50 =	vld.idx.msk [tilespmem:v17+s18+$0x0], $0xffff  }
0x1da: {  	v22 =	vor.u32 v22, v27;
	v51 =	vld.idx.msk [tilespmem:v15+s18+$0x0], $0xffff  }
0x1db: {  	v47 =	vld.idx.msk [tilespmem:v37+s12+$0x0], $0xffff  }
0x1dc: {  	v33 =	vld.idx.msk [tilespmem:v33+s12+$0x0], $0xffff;
	v49 =	vshra.s32 v45, $0x5  }
0x1dd: {  	v27 =	vadd.s32 v11, v49;
	v53 =	vshra.s32 v48, $0x5  }
0x1de: {  	v52 =	vld.idx.msk [tilespmem:v26+s18+$0x0], $0xffff;
	v37 =	vadd.s32 v9, v53;
	v55 =	vshra.s32 v50, $0x5  }
0x1df: {  	v54 =	vld.idx.msk [tilespmem:v22+s18+$0x0], $0xffff;
	v56 =	vshra.s32 v51, $0x5;
	v39 =	vadd.s32 v8, v55  }
0x1e0: {  	v31 =	vand.u32 $0x1F, v31;
	v23 =	vshrl.u32 v47, v23;
	v40 =	vadd.s32 v10, v56  }
0x1e1: {  	v31 =	vshrl.u32 v33, v31;
	v23 =	vand.u32 $0x1, v23  }
0x1e2: {  	v29 =	vshll.u32 v29, $0x1;
	v31 =	vand.u32 $0x1, v31;
	v23 =	vor.u32 v23, v28;
	v27 =	vld.idx.msk [tilespmem:v27+s12+$0x0], $0xffff  }
0x1e3: {  	v29 =	vor.u32 v31, v29;
	v58 =	vshra.s32 v52, $0x5;
	v37 =	vld.idx.msk [tilespmem:v37+s12+$0x0], $0xffff  }
0x1e4: {  	v13 =	vor.u32 v25, v13;
	v59 =	vshra.s32 v54, $0x5;
	v31 =	vadd.s32 v3, v58;
	v60 =	vld.idx.msk [tilespmem:v39+s12+$0x0], $0xffff  }
0x1e5: {  	v19 =	vshll.u32 v19, $0x5;
	v61 =	vadd.s32 v4, v59;
	v18 =	vshll.u32 v18, $0x1;
	v40 =	vld.idx.msk [tilespmem:v40+s12+$0x0], $0xffff  }
0x1e6: {  	v16 =	vshll.u32 v16, $0x1;
	v17 =	vshll.u32 v17, $0x1;
	v35 =	vand.u32 $0x1F, v45  }
0x1e7: {  	v57 =	vld.idx.msk [tilespmem:v23+s18+$0x0], $0xffff;
	v32 =	vand.u32 $0x1F, v48;
	v36 =	vand.u32 $0x1F, v50;
	v27 =	vshrl.u32 v27, v35  }
0x1e8: {  	v41 =	vld.idx.msk [tilespmem:v29+s18+$0x0], $0xffff;
	v34 =	vand.u32 $0x1F, v51;
	v27 =	vand.u32 $0x1, v27;
	v32 =	vshrl.u32 v37, v32  }
0x1e9: {  	v31 =	vld.idx.msk [tilespmem:v31+s12+$0x0], $0xffff;
	v18 =	vor.u32 v27, v18;
	v32 =	vand.u32 $0x1, v32;
	v35 =	vshrl.u32 v60, v36  }
0x1ea: {  	v44 =	vld.idx.msk [tilespmem:v61+s12+$0x0], $0xffff;
	v45 =	vshrl.u32 v40, v34;
	v16 =	vor.u32 v32, v16;
	v46 =	vand.u32 $0x1, v35  }
0x1eb: {  	v15 =	vshll.u32 v15, $0x1;
	v32 =	vand.u32 $0x1, v45;
	v17 =	vor.u32 v46, v17  }
0x1ec: {  	v19 =	vor.u32 v2, v19;
	v62 =	vshra.s32 v57, $0x5;
	v15 =	vor.u32 v32, v15  }
0x1ed: {  	v49 =	vshll.u32 v26, $0x1;
	v48 =	vshra.s32 v41, $0x5;
	v50 =	vand.u32 $0x1F, v52  }
0x1ee: {  	v6 =	vadd.s32 v6, v48;
	v51 =	vand.u32 $0x1F, v54;
	v26 =	vshrl.u32 v31, v50;
	v47 =	vld.idx.msk [tilespmem:v18+s18+$0x0], $0xffff  }
0x1ef: {  	v63 =	vadd.s32 v5, v62;
	v28 =	vshrl.u32 v44, v51;
	v26 =	vand.u32 $0x1, v26;
	v53 =	vld.idx.msk [tilespmem:v16+s18+$0x0], $0xffff  }
0x1f0: {  	s19 =	sadd.s32 $0x40, s19;
	v22 =	vshll.u32 v22, $0x1;
	v28 =	vand.u32 $0x1, v28;
	v25 =	vor.u32 v26, v49;
	v34 =	vld.idx.msk [tilespmem:v17+s18+$0x0], $0xffff  }
0x1f1: {  	v12 =	vor.u32 v24, v12;
	s21 =	sadd.s32 $0xFFFFFFD0, s19;
	v19 =	vor.u32 v7, v19;
	v22 =	vor.u32 v28, v22;
	v55 =	vld.idx.msk [tilespmem:v15+s18+$0x0], $0xffff  }
0x1f2: {  	v38 =	vmov s21;
	v23 =	vshll.u32 v23, $0x1;
	v29 =	vshll.u32 v29, $0x1  }
0x1f3: {  	v52 =	vand.u32 $0x1F, v57;
	v57 =	vand.u32 $0x1, v30;
	v59 =	vld.idx.msk [tilespmem:v6+s12+$0x0], $0xffff;
	v54 =	vshra.s32 v47, $0x5  }
0x1f4: {  	v20 =	vor.u32 v57, v20;
	v27 =	vld.idx.msk [tilespmem:v63+s12+$0x0], $0xffff;
	v31 =	vadd.s32 v11, v54;
	v58 =	vshra.s32 v53, $0x5  }
0x1f5: {  	v44 =	vand.u32 $0x1F, v41;
	v42 =	vld.idx.msk [tilespmem:v25+s18+$0x0], $0xffff;
	v60 =	vshra.s32 v34, $0x5;
	v26 =	vadd.s32 v9, v58  }
0x1f6: {  	s23 =	sadd.s32 $0xFFFFFFF0, s19;
	v39 =	vshll.u32 v14, $0x5;
	v43 =	vld.idx.msk [tilespmem:v22+s18+$0x0], $0xffff;
	v62 =	vshra.s32 v55, $0x5;
	v63 =	vadd.s32 v8, v60  }
0x1f7: {  	v41 =	vmov s23;
	v6 =	vor.u32 v2, v39;
	v28 =	vadd.s32 v10, v62  }
0x1f8: {  	v6 =	vor.u32 v7, v6;
	v25 =	vshll.u32 v25, $0x1;
	v22 =	vshll.u32 v22, $0x1  }
0x1f9: {  	v25 =	vand.u32 $0x3FE, v25;
	v22 =	vand.u32 $0x3FE, v22;
	v27 =	vshrl.u32 v27, v52;
	v61 =	vld.idx.msk [tilespmem:v31+s12+$0x0], $0xffff  }
0x1fa: {  	v24 =	vshrl.u32 v59, v44;
	v40 =	vor.u32 v2, v21;
	v56 =	vand.u32 $0x1, v27;
	v26 =	vld.idx.msk [tilespmem:v26+s12+$0x0], $0xffff  }
0x1fb: {  	v48 =	vshra.s32 v42, $0x5;
	v49 =	vshra.s32 v43, $0x5;
	v23 =	vor.u32 v56, v23;
	v30 =	vld.idx.msk [tilespmem:v63+s12+$0x0], $0xffff  }
0x1fc: {  	v18 =	vshll.u32 v18, $0x1;
	v3 =	vadd.s32 v3, v48;
	v51 =	vadd.s32 v4, v49;
	v28 =	vld.idx.msk [tilespmem:v28+s12+$0x0], $0xffff  }
0x1fd: {  	v16 =	vshll.u32 v16, $0x1;
	v17 =	vshll.u32 v17, $0x1;
	v35 =	vand.u32 $0x1F, v47  }
0x1fe: {  	v53 =	vand.u32 $0x1F, v53;
	v54 =	vand.u32 $0x1F, v34;
	v27 =	vshrl.u32 v61, v35  }
0x1ff: {  	v32 =	vand.u32 $0x1F, v55;
	v27 =	vand.u32 $0x1, v27;
	v26 =	vshrl.u32 v26, v53  }
0x200: {  	v45 =	vld.idx.msk [tilespmem:v23+s18+$0x0], $0xffff;
	v18 =	vor.u32 v27, v18;
	v55 =	vshrl.u32 v30, v54;
	v26 =	vand.u32 $0x1, v26  }
0x201: {  	v28 =	vshrl.u32 v28, v32;
	v27 =	vand.u32 $0x1, v55;
	v16 =	vor.u32 v26, v16  }
0x202: {  	v12 =	vld.idx.msk [tilespmem:v12+s20+$0x0], $0xffff;
	v15 =	vshll.u32 v15, $0x1;
	v57 =	vand.u32 $0x1, v28;
	v17 =	vor.u32 v27, v17  }
0x203: {  	s22 =	sadd.s32 $0xFFFFFFE0, s19;
	v24 =	vand.u32 $0x1, v24;
	v14 =	vor.u32 v7, v40;
	v3 =	vld.idx.msk [tilespmem:v3+s12+$0x0], $0xffff;
	v15 =	vor.u32 v57, v15  }
0x204: {  	v40 =	vmov s22;
	v46 =	vmov s19;
	v21 =	vand.u32 $0x1F, v42;
	v4 =	vld.idx.msk [tilespmem:v51+s12+$0x0], $0xffff  }
0x205: {  	v48 =	vshll.u32 v40, $0x5;
	v49 =	vshll.u32 v41, $0x5;
	v50 =	vshra.s32 v45, $0x5;
	v56 =	vld.idx.msk [tilespmem:v18+s18+$0x0], $0xffff  }
0x206: {  	v47 =	vshll.u32 v46, $0x5;
	v23 =	vshll.u32 v23, $0x1;
	v52 =	vadd.s32 v5, v50;
	v62 =	vld.idx.msk [tilespmem:v16+s18+$0x0], $0xffff  }
0x207: {  	s30 =	sadd.s32 $0x40, s19;
	v59 =	vor.u32 v2, v47;
	v23 =	vand.u32 $0x3FE, v23;
	v58 =	vand.u32 $0x3FE, v29;
	v37 =	vld.idx.msk [tilespmem:v17+s18+$0x0], $0xffff  }
0x208: {  	s19 =	sadd.s32 $0xFFFFFFD0, s30;
	v24 =	vor.u32 v24, v58;
	v60 =	vand.u32 $0x1F, v43;
	v3 =	vshrl.u32 v3, v21;
	v39 =	vld.idx.msk [tilespmem:v15+s18+$0x0], $0xffff  }
0x209: {  	v21 =	vor.u32 v2, v48;
	v58 =	vmov s19;
	v4 =	vshrl.u32 v4, v60  }
0x20a: {  	v3 =	vand.u32 $0x1, v3;
	v21 =	vor.u32 v7, v21;
	v61 =	vshra.s32 v56, $0x5  }
0x20b: {  	[tilespmem:v6+s13+$0x0] =	vst.idx.msk $0xffff, v12;
	v12 =	vshll.u32 v58, $0x5;
	v5 =	vld.idx.msk [tilespmem:v52+s12+$0x0], $0xffff;
	v36 =	vadd.s32 v11, v61;
	v42 =	vshra.s32 v62, $0x5  }
0x20c: {  	v4 =	vand.u32 $0x1, v4;
	v43 =	vshra.s32 v37, $0x5;
	v44 =	vadd.s32 v9, v42  }
0x20d: {  	v63 =	vand.u32 $0x1F, v45;
	v45 =	vshra.s32 v39, $0x5;
	v46 =	vadd.s32 v8, v43  }
0x20e: {  	v3 =	vor.u32 v3, v25;
	v12 =	vor.u32 v2, v12;
	v47 =	vadd.s32 v10, v45  }
0x20f: {  	v4 =	vor.u32 v4, v22;
	v22 =	vor.u32 v2, v49;
	v12 =	vor.u32 v7, v12  }
0x210: {  	v52 =	vmov s30;
	v32 =	vshll.u32 v38, $0x5;
	v5 =	vshrl.u32 v5, v63;
	v11 =	vld.idx.msk [tilespmem:v36+s12+$0x0], $0xffff  }
0x211: {  	v50 =	vor.u32 v2, v32;
	v18 =	vshll.u32 v18, $0x1;
	v5 =	vand.u32 $0x1, v5;
	v9 =	vld.idx.msk [tilespmem:v44+s12+$0x0], $0xffff  }
0x212: {  	v18 =	vand.u32 $0x3FE, v18;
	v5 =	vor.u32 v5, v23;
	v23 =	vor.u32 v7, v50;
	v8 =	vld.idx.msk [tilespmem:v46+s12+$0x0], $0xffff  }
0x213: {  	v16 =	vshll.u32 v16, $0x1;
	v17 =	vshll.u32 v17, $0x1;
	v15 =	vshll.u32 v15, $0x1;
	v10 =	vld.idx.msk [tilespmem:v47+s12+$0x0], $0xffff  }
0x214: {  	v16 =	vand.u32 $0x3FE, v16;
	v51 =	vand.u32 $0x1F, v56;
	v17 =	vand.u32 $0x3FE, v17  }
0x215: {  	v53 =	vand.u32 $0x1F, v62;
	v54 =	vand.u32 $0x1F, v37;
	v11 =	vshrl.u32 v11, v51  }
0x216: {  	v20 =	vld.idx.msk [tilespmem:v20+s20+$0x0], $0xffff;
	v55 =	vand.u32 $0x1F, v39;
	v11 =	vand.u32 $0x1, v11;
	v9 =	vshrl.u32 v9, v53  }
0x217: {  	v13 =	vld.idx.msk [tilespmem:v13+s20+$0x0], $0xffff;
	v11 =	vor.u32 v11, v18;
	v8 =	vshrl.u32 v8, v54;
	v9 =	vand.u32 $0x1, v9  }
0x218: {  	v4 =	vld.idx.msk [tilespmem:v4+s20+$0x0], $0xffff;
	v10 =	vshrl.u32 v10, v55;
	v8 =	vand.u32 $0x1, v8;
	v9 =	vor.u32 v9, v16  }
0x219: {  	v3 =	vld.idx.msk [tilespmem:v3+s20+$0x0], $0xffff;
	v56 =	vand.u32 $0x3FE, v15;
	v10 =	vand.u32 $0x1, v10;
	v8 =	vor.u32 v8, v17  }
0x21a: {  	s31 =	sadd.s32 $0xFFFFFFE0, s30;
	v24 =	vld.idx.msk [tilespmem:v24+s20+$0x0], $0xffff;
	v26 =	vor.u32 v7, v59;
	v18 =	vshll.u32 v52, $0x5;
	v10 =	vor.u32 v10, v56  }
0x21b: {  	[tilespmem:v19+s13+$0x0] =	vst.idx.msk $0xffff, v20;
	v22 =	vor.u32 v7, v22;
	v59 =	vmov s31;
	s18 =	sadd.s32 $0xFFFFFFF0, s30;
	v5 =	vld.idx.msk [tilespmem:v5+s20+$0x0], $0xffff;
	v57 =	vor.u32 v2, v18  }
0x21c: {  	[tilespmem:v14+s13+$0x0] =	vst.idx.msk $0xffff, v13;
	v13 =	vshll.u32 v59, $0x5;
	v60 =	vmov s18;
	v6 =	vor.u32 v7, v57;
	v11 =	vld.idx.msk [tilespmem:v11+s20+$0x0], $0xffff  }
0x21d: {  	v13 =	vor.u32 v2, v13;
	[tilespmem:v21+s13+$0x0] =	vst.idx.msk $0xffff, v4;
	v14 =	vshll.u32 v60, $0x5;
	v9 =	vld.idx.msk [tilespmem:v9+s20+$0x0], $0xffff  }
0x21e: {  	s17 =	sadd.s32 $0x1, s17;
	[tilespmem:v23+s13+$0x0] =	vst.idx.msk $0xffff, v3;
	v3 =	vor.u32 v7, v13;
	v61 =	vor.u32 v2, v14;
	v8 =	vld.idx.msk [tilespmem:v8+s20+$0x0], $0xffff  }
0x21f: {  	p0 =	sne.s32 s17, $0x20;
	[tilespmem:v26+s13+$0x0] =	vst.idx.msk $0xffff, v24;
	v62 =	vor.u32 v7, v61;
	v63 =	vld.idx.msk [tilespmem:v10+s20+$0x0], $0xffff  }
.Ltmp1:
0x220: {  	[tilespmem:v22+s13+$0x0] =	vst.idx.msk $0xffff, v5;
	(pc) =	sbr.rel @p0 .LBB2_2-.Ltmp1, $4  }
0x221: {  	[tilespmem:v6+s13+$0x0] =	vst.idx.msk $0xffff, v11  }
0x222: {  	[tilespmem:v12+s13+$0x0] =	vst.idx.msk $0xffff, v9  }
0x223: {  	[tilespmem:v3+s13+$0x0] =	vst.idx.msk $0xffff, v8  }
0x224: {  	[tilespmem:v62+s13+$0x0] =	vst.idx.msk $0xffff, v63  }
0x225: {  	[hbm4b:s6+s14] =	stream.strided.scatter [tilespmem:s13], [sflag:$0x1], $0x8000, s15, s14, $0x38;
	[tilespmem:$0x1C000] =	vst v63  }
0x226: {  	_ =	swait.ge [sflag:s10], $0x8000  }
0x227: {  	[sflag:s10] =	ssyncset.done $0x0  }
0x228: {  	s17 =	simm.s32 $0x0;
	[sflag:s10] =	ssyncadd.s32 $0xFFFF8000  }
0x229: {  	[tilespmem:s12], [sflag:$0x1] =	stream.linear.gather [hbm4b:s7+s17], $0x4000, $0x38;
	[tilespmem:$0x1C000] =	vst v63  }
0x22a: {  	_ =	swait.ge [sflag:s10], $0x4000  }
0x22b: {  	[sflag:s10] =	ssyncset.done $0x0  }
0x22c: {  	[sflag:s10] =	ssyncadd.s32 $0xFFFFC000  }
.LBB2_6:
0x22d: {  	_ =	sdelay $0x2  }
0x22e: {  	s18 =	sshll.u32 s17, $0xA  }
0x22f: {  	v3 =	vld.idx.msk [tilespmem:v1+s18+$0x0], $0xffff;
	_ =	sdelay $0x3  }
0x230: {  	s19 =	simm.s32 $0x300  }
0x231: {  	v15 =	vor.u32 s19, v0;
	v4 =	vshra.s32 v3, $0x5  }
0x232: {  	v5 =	vadd.s32 v15, v4;
	_ =	sdelay $0x4  }
0x233: {  	v5 =	vld.idx.msk [tilespmem:v5+s12+$0x0], $0xffff;
	_ =	sdelay $0x2  }
0x234: {  	s20 =	simm.s32 $0x0  }
0x235: {  	v12 =	vor.u32 s20, v0;
	v3 =	vand.u32 $0x1F, v3  }
0x236: {  	v6 =	vadd.s32 v12, v4;
	v5 =	vshrl.u32 v5, v3  }
0x237: {  	v5 =	vand.u32 $0x1, v5  }
0x238: {  	v5 =	vor.u32 $0x2, v5;
	_ =	sdelay $0x1  }
0x239: {  	s21 =	simm.s32 $0x100  }
0x23a: {  	s20 =	simm.s32 $0x200;
	v14 =	vor.u32 s21, v0;
	v6 =	vld.idx.msk [tilespmem:v6+s12+$0x0], $0xffff  }
0x23b: {  	v13 =	vor.u32 s20, v0;
	v7 =	vadd.s32 v14, v4  }
0x23c: {  	v4 =	vadd.s32 v13, v4;
	v8 =	vld.idx.msk [tilespmem:v5+s18+$0x0], $0xffff;
	_ =	sdelay $0x2  }
0x23d: {  	v6 =	vshrl.u32 v6, v3  }
0x23e: {  	v7 =	vld.idx.msk [tilespmem:v7+s12+$0x0], $0xffff;
	v6 =	vand.u32 $0x1, v6  }
0x23f: {  	v4 =	vld.idx.msk [tilespmem:v4+s12+$0x0], $0xffff;
	v6 =	vor.u32 $0x2, v6;
	v9 =	vshra.s32 v8, $0x5  }
0x240: {  	v9 =	vadd.s32 v15, v9;
	_ =	sdelay $0x2  }
0x241: {  	v7 =	vshrl.u32 v7, v3  }
0x242: {  	v3 =	vshrl.u32 v4, v3;
	v7 =	vand.u32 $0x1, v7;
	v4 =	vld.idx.msk [tilespmem:v6+s18+$0x0], $0xffff  }
0x243: {  	v3 =	vand.u32 $0x1, v3;
	v10 =	vor.u32 $0x2, v7;
	v7 =	vld.idx.msk [tilespmem:v9+s12+$0x0], $0xffff  }
0x244: {  	v9 =	vor.u32 $0x2, v3;
	_ =	sdelay $0x2  }
0x245: {  	v8 =	vand.u32 $0x1F, v8;
	v3 =	vshra.s32 v4, $0x5  }
0x246: {  	v11 =	vld.idx.msk [tilespmem:v10+s18+$0x0], $0xffff;
	v3 =	vadd.s32 v12, v3;
	v7 =	vshrl.u32 v7, v8  }
0x247: {  	v17 =	vld.idx.msk [tilespmem:v9+s18+$0x0], $0xffff;
	v8 =	vshll.u32 v5, $0x1;
	v7 =	vand.u32 $0x1, v7  }
0x248: {  	v8 =	vor.u32 v7, v8;
	_ =	sdelay $0x2  }
0x249: {  	v3 =	vld.idx.msk [tilespmem:v3+s12+$0x0], $0xffff;
	v7 =	vshra.s32 v11, $0x5  }
0x24a: {  	v7 =	vadd.s32 v14, v7;
	v16 =	vshra.s32 v17, $0x5  }
0x24b: {  	v16 =	vadd.s32 v13, v16;
	v18 =	vld.idx.msk [tilespmem:v8+s18+$0x0], $0xffff;
	_ =	sdelay $0x1  }
0x24c: {  	v4 =	vand.u32 $0x1F, v4  }
0x24d: {  	v3 =	vshrl.u32 v3, v4  }
0x24e: {  	v4 =	vshll.u32 v6, $0x1;
	v3 =	vand.u32 $0x1, v3;
	v7 =	vld.idx.msk [tilespmem:v7+s12+$0x0], $0xffff  }
0x24f: {  	v19 =	vld.idx.msk [tilespmem:v16+s12+$0x0], $0xffff;
	v16 =	vor.u32 v3, v4;
	v3 =	vshra.s32 v18, $0x5  }
0x250: {  	v3 =	vadd.s32 v15, v3;
	_ =	sdelay $0x1  }
0x251: {  	v4 =	vand.u32 $0x1F, v11  }
0x252: {  	v11 =	vand.u32 $0x1F, v17;
	v4 =	vshrl.u32 v7, v4  }
0x253: {  	v7 =	vshll.u32 v10, $0x1;
	v4 =	vand.u32 $0x1, v4;
	v11 =	vshrl.u32 v19, v11;
	v19 =	vld.idx.msk [tilespmem:v16+s18+$0x0], $0xffff  }
0x254: {  	v20 =	vshll.u32 v9, $0x1;
	v17 =	vor.u32 v4, v7;
	v4 =	vand.u32 $0x1, v11;
	v3 =	vld.idx.msk [tilespmem:v3+s12+$0x0], $0xffff  }
0x255: {  	v7 =	vor.u32 v4, v20;
	_ =	sdelay $0x2  }
0x256: {  	v11 =	vand.u32 $0x1F, v18;
	v4 =	vshra.s32 v19, $0x5  }
0x257: {  	v18 =	vld.idx.msk [tilespmem:v17+s18+$0x0], $0xffff;
	v4 =	vadd.s32 v12, v4;
	v3 =	vshrl.u32 v3, v11  }
0x258: {  	v20 =	vshll.u32 v8, $0x1;
	v11 =	vld.idx.msk [tilespmem:v7+s18+$0x0], $0xffff;
	v3 =	vand.u32 $0x1, v3  }
0x259: {  	v3 =	vor.u32 v3, v20;
	_ =	sdelay $0x2  }
0x25a: {  	v20 =	vshra.s32 v18, $0x5;
	v4 =	vld.idx.msk [tilespmem:v4+s12+$0x0], $0xffff  }
0x25b: {  	v20 =	vadd.s32 v14, v20;
	v21 =	vshra.s32 v11, $0x5  }
0x25c: {  	v21 =	vadd.s32 v13, v21;
	v22 =	vld.idx.msk [tilespmem:v3+s18+$0x0], $0xffff;
	_ =	sdelay $0x1  }
0x25d: {  	v19 =	vand.u32 $0x1F, v19  }
0x25e: {  	v4 =	vshrl.u32 v4, v19  }
0x25f: {  	v20 =	vld.idx.msk [tilespmem:v20+s12+$0x0], $0xffff;
	v19 =	vshll.u32 v16, $0x1;
	v4 =	vand.u32 $0x1, v4  }
0x260: {  	v21 =	vld.idx.msk [tilespmem:v21+s12+$0x0], $0xffff;
	v4 =	vor.u32 v4, v19;
	v19 =	vshra.s32 v22, $0x5  }
0x261: {  	v19 =	vadd.s32 v15, v19;
	_ =	sdelay $0x1  }
0x262: {  	v18 =	vand.u32 $0x1F, v18  }
0x263: {  	v11 =	vand.u32 $0x1F, v11;
	v18 =	vshrl.u32 v20, v18  }
0x264: {  	v20 =	vshll.u32 v17, $0x1;
	v18 =	vand.u32 $0x1, v18;
	v11 =	vshrl.u32 v21, v11;
	v21 =	vld.idx.msk [tilespmem:v4+s18+$0x0], $0xffff  }
0x265: {  	v23 =	vshll.u32 v7, $0x1;
	v18 =	vor.u32 v18, v20;
	v11 =	vand.u32 $0x1, v11;
	v19 =	vld.idx.msk [tilespmem:v19+s12+$0x0], $0xffff  }
0x266: {  	v11 =	vor.u32 v11, v23;
	_ =	sdelay $0x2  }
0x267: {  	v22 =	vand.u32 $0x1F, v22;
	v20 =	vshra.s32 v21, $0x5  }
0x268: {  	v23 =	vld.idx.msk [tilespmem:v18+s18+$0x0], $0xffff;
	v20 =	vadd.s32 v12, v20;
	v19 =	vshrl.u32 v19, v22  }
0x269: {  	v3 =	vshll.u32 v3, $0x1;
	v22 =	vld.idx.msk [tilespmem:v11+s18+$0x0], $0xffff;
	v19 =	vand.u32 $0x1, v19  }
0x26a: {  	v19 =	vor.u32 v19, v3  }
0x26b: {  	v5 =	vshll.u32 v5, $0x3;
	v3 =	vand.u32 $0x7, v19  }
0x26c: {  	v3 =	vor.u32 v5, v3  }
0x26d: {  	v5 =	vshra.s32 v23, $0x5;
	v20 =	vld.idx.msk [tilespmem:v20+s12+$0x0], $0xffff  }
0x26e: {  	v5 =	vadd.s32 v14, v5;
	v24 =	vshra.s32 v22, $0x5  }
0x26f: {  	v24 =	vadd.s32 v13, v24;
	_ =	sdelay $0x1  }
0x270: {  	v21 =	vand.u32 $0x1F, v21;
	v25 =	vld.idx.msk [tilespmem:v3+s18+$0x0], $0xffff  }
0x271: {  	v3 =	vshrl.u32 v20, v21  }
0x272: {  	v4 =	vshll.u32 v4, $0x1;
	v5 =	vld.idx.msk [tilespmem:v5+s12+$0x0], $0xffff;
	v3 =	vand.u32 $0x1, v3  }
0x273: {  	v20 =	vld.idx.msk [tilespmem:v24+s12+$0x0], $0xffff;
	v21 =	vor.u32 v3, v4  }
0x274: {  	v3 =	vshll.u32 v6, $0x3;
	v24 =	vld.idx.msk [tilespmem:v1+s18+$0x0], $0xffff;
	v4 =	vand.u32 $0x7, v21  }
0x275: {  	v3 =	vor.u32 v3, v4;
	v4 =	vshra.s32 v25, $0x5  }
0x276: {  	v10 =	vshll.u32 v10, $0x3;
	v6 =	vand.u32 $0x1F, v23;
	v4 =	vadd.s32 v15, v4  }
0x277: {  	s22 =	simm.s32 $0x700;
	v18 =	vshll.u32 v18, $0x1;
	v11 =	vshll.u32 v11, $0x1;
	v5 =	vshrl.u32 v5, v6  }
0x278: {  	v22 =	vand.u32 $0x1F, v22;
	v6 =	vor.u32 s22, v0;
	v5 =	vand.u32 $0x1, v5  }
0x279: {  	v20 =	vshrl.u32 v20, v22;
	v22 =	vshra.s32 v24, $0x5;
	v18 =	vor.u32 v5, v18  }
0x27a: {  	s23 =	simm.s32 $0x400;
	v5 =	vand.u32 $0x1, v20;
	v26 =	vadd.s32 v6, v22;
	v20 =	vand.u32 $0x7, v18;
	v23 =	vld.idx.msk [tilespmem:v3+s18+$0x0], $0xffff  }
0x27b: {  	v27 =	vor.u32 v5, v11;
	v3 =	vor.u32 s23, v0;
	v10 =	vor.u32 v10, v20;
	v11 =	vld.idx.msk [tilespmem:v4+s12+$0x0], $0xffff  }
0x27c: {  	s24 =	simm.s32 $0x500;
	v5 =	vand.u32 $0x7, v27;
	v4 =	vshll.u32 v9, $0x3;
	v9 =	vadd.s32 v3, v22  }
0x27d: {  	s25 =	simm.s32 $0x600;
	v20 =	vor.u32 v4, v5;
	v4 =	vor.u32 s24, v0  }
0x27e: {  	v5 =	vor.u32 s25, v0;
	v28 =	vadd.s32 v4, v22  }
0x27f: {  	v25 =	vand.u32 $0x1F, v25;
	v22 =	vadd.s32 v5, v22;
	v26 =	vld.idx.msk [tilespmem:v26+s12+$0x0], $0xffff;
	v29 =	vshra.s32 v23, $0x5  }
0x280: {  	v30 =	vld.idx.msk [tilespmem:v10+s18+$0x0], $0xffff;
	v10 =	vadd.s32 v12, v29;
	v11 =	vshrl.u32 v11, v25  }
0x281: {  	v19 =	vshll.u32 v19, $0x1;
	v9 =	vld.idx.msk [tilespmem:v9+s12+$0x0], $0xffff;
	v11 =	vand.u32 $0x1, v11  }
0x282: {  	v20 =	vld.idx.msk [tilespmem:v20+s18+$0x0], $0xffff;
	v19 =	vor.u32 v11, v19  }
0x283: {  	v8 =	vshll.u32 v8, $0x3;
	v24 =	vand.u32 $0x1F, v24;
	v11 =	vld.idx.msk [tilespmem:v28+s12+$0x0], $0xffff;
	v25 =	vand.u32 $0x7, v19  }
0x284: {  	v22 =	vld.idx.msk [tilespmem:v22+s12+$0x0], $0xffff;
	v26 =	vshrl.u32 v26, v24;
	v25 =	vor.u32 v8, v25  }
0x285: {  	v10 =	vld.idx.msk [tilespmem:v10+s12+$0x0], $0xffff;
	v8 =	vand.u32 $0x1, v26  }
0x286: {  	v26 =	vshra.s32 v30, $0x5;
	v9 =	vshrl.u32 v9, v24;
	v8 =	vor.u32 $0x2, v8  }
0x287: {  	v23 =	vand.u32 $0x1F, v23;
	v26 =	vadd.s32 v14, v26;
	v9 =	vand.u32 $0x1, v9  }
0x288: {  	v28 =	vshra.s32 v20, $0x5;
	v11 =	vshrl.u32 v11, v24;
	v9 =	vor.u32 $0x2, v9  }
0x289: {  	v28 =	vadd.s32 v13, v28;
	v22 =	vshrl.u32 v22, v24;
	v11 =	vand.u32 $0x1, v11;
	v24 =	vld.idx.msk [tilespmem:v25+s18+$0x0], $0xffff  }
0x28a: {  	v23 =	vshrl.u32 v10, v23;
	v10 =	vor.u32 $0x2, v11;
	v11 =	vand.u32 $0x1, v22  }
0x28b: {  	v21 =	vshll.u32 v21, $0x1;
	v22 =	vand.u32 $0x1, v23;
	v11 =	vor.u32 $0x2, v11;
	v23 =	vld.idx.msk [tilespmem:v8+s18+$0x0], $0xffff  }
0x28c: {  	v25 =	vld.idx.msk [tilespmem:v26+s12+$0x0], $0xffff;
	v21 =	vor.u32 v22, v21  }
0x28d: {  	v16 =	vshll.u32 v16, $0x3;
	v22 =	vld.idx.msk [tilespmem:v9+s18+$0x0], $0xffff;
	v26 =	vand.u32 $0x7, v21  }
0x28e: {  	v28 =	vld.idx.msk [tilespmem:v28+s12+$0x0], $0xffff;
	v16 =	vor.u32 v16, v26;
	v26 =	vshra.s32 v24, $0x5  }
0x28f: {  	v29 =	vld.idx.msk [tilespmem:v10+s18+$0x0], $0xffff;
	v26 =	vadd.s32 v15, v26  }
0x290: {  	v18 =	vshll.u32 v18, $0x1;
	v31 =	vld.idx.msk [tilespmem:v11+s18+$0x0], $0xffff;
	v32 =	vshra.s32 v23, $0x5  }
0x291: {  	v27 =	vshll.u32 v27, $0x1;
	v30 =	vand.u32 $0x1F, v30;
	v32 =	vadd.s32 v6, v32  }
0x292: {  	v20 =	vand.u32 $0x1F, v20;
	v25 =	vshrl.u32 v25, v30;
	v33 =	vshra.s32 v22, $0x5  }
0x293: {  	v20 =	vshrl.u32 v28, v20;
	v30 =	vadd.s32 v3, v33;
	v46 =	vld.idx.msk [tilespmem:v16+s18+$0x0], $0xffff;
	v16 =	vand.u32 $0x1, v25  }
0x294: {  	v20 =	vand.u32 $0x1, v20;
	v25 =	vshra.s32 v29, $0x5;
	v18 =	vor.u32 v16, v18;
	v26 =	vld.idx.msk [tilespmem:v26+s12+$0x0], $0xffff  }
0x295: {  	v20 =	vor.u32 v20, v27;
	v16 =	vadd.s32 v4, v25;
	v25 =	vshra.s32 v31, $0x5  }
0x296: {  	v7 =	vshll.u32 v7, $0x3;
	v27 =	vand.u32 $0x7, v20;
	v25 =	vadd.s32 v5, v25;
	v32 =	vld.idx.msk [tilespmem:v32+s12+$0x0], $0xffff  }
0x297: {  	v17 =	vshll.u32 v17, $0x3;
	v28 =	vand.u32 $0x7, v18;
	v7 =	vor.u32 v7, v27  }
0x298: {  	v24 =	vand.u32 $0x1F, v24;
	v17 =	vor.u32 v17, v28;
	v28 =	vld.idx.msk [tilespmem:v30+s12+$0x0], $0xffff  }
0x299: {  	v19 =	vshll.u32 v19, $0x1;
	v30 =	vshra.s32 v46, $0x5;
	v24 =	vshrl.u32 v26, v24  }
0x29a: {  	v27 =	vadd.s32 v12, v30;
	v26 =	vld.idx.msk [tilespmem:v16+s12+$0x0], $0xffff;
	v16 =	vand.u32 $0x1F, v23;
	v23 =	vand.u32 $0x1, v24  }
0x29b: {  	v24 =	vld.idx.msk [tilespmem:v25+s12+$0x0], $0xffff;
	v16 =	vshrl.u32 v32, v16;
	v19 =	vor.u32 v23, v19  }
0x29c: {  	v22 =	vand.u32 $0x1F, v22;
	v7 =	vld.idx.msk [tilespmem:v7+s18+$0x0], $0xffff;
	v16 =	vand.u32 $0x1, v16;
	v23 =	vshll.u32 v8, $0x1  }
0x29d: {  	v25 =	vand.u32 $0x1F, v29;
	v22 =	vshrl.u32 v28, v22;
	v16 =	vor.u32 v16, v23  }
0x29e: {  	v17 =	vld.idx.msk [tilespmem:v17+s18+$0x0], $0xffff;
	v23 =	vshll.u32 v9, $0x1;
	v28 =	vand.u32 $0x1F, v31;
	v22 =	vand.u32 $0x1, v22  }
0x29f: {  	v25 =	vshrl.u32 v26, v25;
	v22 =	vor.u32 v22, v23;
	v23 =	vld.idx.msk [tilespmem:v27+s12+$0x0], $0xffff;
	v26 =	vshll.u32 v10, $0x1  }
0x2a0: {  	v25 =	vand.u32 $0x1, v25;
	v24 =	vshrl.u32 v24, v28;
	v28 =	vshll.u32 v11, $0x1;
	v27 =	vld.idx.msk [tilespmem:v19+s18+$0x0], $0xffff  }
0x2a1: {  	v29 =	vshra.s32 v7, $0x5;
	v25 =	vor.u32 v25, v26;
	v24 =	vand.u32 $0x1, v24  }
0x2a2: {  	v29 =	vadd.s32 v13, v29;
	v24 =	vor.u32 v24, v28;
	v28 =	vld.idx.msk [tilespmem:v16+s18+$0x0], $0xffff  }
0x2a3: {  	v26 =	vshra.s32 v17, $0x5  }
0x2a4: {  	v30 =	vand.u32 $0x1F, v46;
	v26 =	vadd.s32 v14, v26;
	v31 =	vld.idx.msk [tilespmem:v22+s18+$0x0], $0xffff  }
0x2a5: {  	v23 =	vshrl.u32 v23, v30;
	v30 =	vshra.s32 v27, $0x5  }
0x2a6: {  	v21 =	vshll.u32 v21, $0x1;
	v23 =	vand.u32 $0x1, v23;
	v47 =	vld.idx.msk [tilespmem:v25+s18+$0x0], $0xffff;
	v30 =	vadd.s32 v15, v30  }
0x2a7: {  	v21 =	vor.u32 v23, v21;
	v29 =	vld.idx.msk [tilespmem:v29+s12+$0x0], $0xffff;
	v23 =	vshra.s32 v28, $0x5  }
0x2a8: {  	v48 =	vld.idx.msk [tilespmem:v24+s18+$0x0], $0xffff;
	v23 =	vadd.s32 v6, v23  }
0x2a9: {  	v26 =	vld.idx.msk [tilespmem:v26+s12+$0x0], $0xffff;
	v34 =	vshra.s32 v31, $0x5  }
0x2aa: {  	v34 =	vadd.s32 v3, v34  }
0x2ab: {  	v18 =	vshll.u32 v18, $0x1;
	v20 =	vshll.u32 v20, $0x1;
	v30 =	vld.idx.msk [tilespmem:v30+s12+$0x0], $0xffff  }
0x2ac: {  	v7 =	vand.u32 $0x1F, v7;
	v17 =	vand.u32 $0x1F, v17;
	v35 =	vshra.s32 v47, $0x5;
	v36 =	vld.idx.msk [tilespmem:v21+s18+$0x0], $0xffff  }
0x2ad: {  	v27 =	vand.u32 $0x1F, v27;
	v35 =	vadd.s32 v4, v35;
	v37 =	vshra.s32 v48, $0x5;
	v23 =	vld.idx.msk [tilespmem:v23+s12+$0x0], $0xffff  }
0x2ae: {  	v7 =	vshrl.u32 v29, v7;
	v17 =	vshrl.u32 v26, v17;
	v37 =	vadd.s32 v5, v37  }
0x2af: {  	v31 =	vand.u32 $0x1F, v31;
	v7 =	vand.u32 $0x1, v7;
	v17 =	vand.u32 $0x1, v17;
	v26 =	vld.idx.msk [tilespmem:v34+s12+$0x0], $0xffff  }
0x2b0: {  	v49 =	vor.u32 v7, v20;
	v29 =	vor.u32 v17, v18;
	v7 =	vshrl.u32 v30, v27  }
0x2b1: {  	v17 =	vand.u32 $0x1F, v28;
	v18 =	vshll.u32 v19, $0x1;
	v7 =	vand.u32 $0x1, v7  }
0x2b2: {  	v20 =	vshra.s32 v36, $0x5;
	v19 =	vld.idx.msk [tilespmem:v35+s12+$0x0], $0xffff;
	v17 =	vshrl.u32 v23, v17;
	v23 =	vor.u32 v7, v18  }
0x2b3: {  	v7 =	vld.idx.msk [tilespmem:v37+s12+$0x0], $0xffff;
	v18 =	vadd.s32 v12, v20;
	v17 =	vand.u32 $0x1, v17;
	v20 =	vshll.u32 v16, $0x1  }
0x2b4: {  	v26 =	vshrl.u32 v26, v31;
	v27 =	vor.u32 v17, v20  }
0x2b5: {  	v28 =	vld.idx.msk [tilespmem:v29+s18+$0x0], $0xffff;
	v17 =	vshll.u32 v22, $0x1;
	v20 =	vand.u32 $0x1, v26  }
0x2b6: {  	v30 =	vand.u32 $0x1F, v47;
	v31 =	vld.idx.msk [tilespmem:v49+s18+$0x0], $0xffff;
	v26 =	vmov s17;
	v50 =	vor.u32 v20, v17  }
0x2b7: {  	v17 =	vand.u32 $0x1F, v26;
	v20 =	vand.u32 $0x1F, v48;
	v19 =	vshrl.u32 v19, v30;
	v26 =	vld.idx.msk [tilespmem:v23+s18+$0x0], $0xffff  }
0x2b8: {  	v30 =	vshll.u32 v25, $0x1;
	v19 =	vand.u32 $0x1, v19;
	v7 =	vshrl.u32 v7, v20;
	v18 =	vld.idx.msk [tilespmem:v18+s12+$0x0], $0xffff  }
0x2b9: {  	v20 =	vshll.u32 v24, $0x1;
	v19 =	vor.u32 v19, v30;
	v30 =	vand.u32 $0x1, v7;
	v51 =	vld.idx.msk [tilespmem:v27+s18+$0x0], $0xffff  }
0x2ba: {  	v7 =	vbroadcast v17, $0x0;
	v17 =	vshra.s32 v28, $0x5;
	v30 =	vor.u32 v30, v20  }
0x2bb: {  	v8 =	vshll.u32 v8, $0x3;
	v52 =	vadd.s32 v14, v17;
	v17 =	vshra.s32 v31, $0x5;
	v53 =	vld.idx.msk [tilespmem:v50+s18+$0x0], $0xffff  }
0x2bc: {  	v9 =	vshll.u32 v9, $0x3;
	v20 =	vand.u32 $0x1F, v36;
	v38 =	vadd.s32 v13, v17  }
0x2bd: {  	v10 =	vshll.u32 v10, $0x3;
	v17 =	vshra.s32 v26, $0x5;
	v18 =	vshrl.u32 v18, v20  }
0x2be: {  	v54 =	vadd.s32 v15, v17;
	v17 =	vshll.u32 v22, $0x3;
	v22 =	vld.idx.msk [tilespmem:v19+s18+$0x0], $0xffff;
	v20 =	vshra.s32 v51, $0x5  }
0x2bf: {  	v21 =	vshll.u32 v21, $0x1;
	v18 =	vand.u32 $0x1, v18;
	v39 =	vld.idx.msk [tilespmem:v30+s18+$0x0], $0xffff;
	v40 =	vadd.s32 v6, v20  }
0x2c0: {  	v20 =	vshll.u32 v25, $0x3;
	v21 =	vor.u32 v18, v21;
	v25 =	vld.idx.msk [tilespmem:v52+s12+$0x0], $0xffff;
	v55 =	vshra.s32 v53, $0x5  }
0x2c1: {  	v18 =	vshll.u32 v24, $0x3;
	v24 =	vshll.u32 v29, $0x1;
	v29 =	vld.idx.msk [tilespmem:v38+s12+$0x0], $0xffff;
	v35 =	vadd.s32 v3, v55  }
0x2c2: {  	v11 =	vshll.u32 v11, $0x3;
	v34 =	vshll.u32 v49, $0x1;
	v16 =	vshll.u32 v16, $0x3  }
0x2c3: {  	v32 =	vshll.u32 v50, $0x1;
	v23 =	vshll.u32 v23, $0x1;
	v36 =	vld.idx.msk [tilespmem:v54+s12+$0x0], $0xffff;
	v56 =	vshra.s32 v22, $0x5  }
0x2c4: {  	v28 =	vand.u32 $0x1F, v28;
	v38 =	vadd.s32 v4, v56;
	v41 =	vshra.s32 v39, $0x5;
	v40 =	vld.idx.msk [tilespmem:v40+s12+$0x0], $0xffff  }
0x2c5: {  	v31 =	vand.u32 $0x1F, v31;
	v42 =	vld.idx.msk [tilespmem:v21+s18+$0x0], $0xffff;
	v25 =	vshrl.u32 v25, v28;
	v41 =	vadd.s32 v5, v41  }
0x2c6: {  	v27 =	vshll.u32 v27, $0x1;
	v25 =	vand.u32 $0x1, v25;
	v28 =	vshrl.u32 v29, v31;
	v29 =	vld.idx.msk [tilespmem:v35+s12+$0x0], $0xffff  }
0x2c7: {  	v26 =	vand.u32 $0x1F, v26;
	v19 =	vshll.u32 v19, $0x1;
	v24 =	vor.u32 v25, v24  }
0x2c8: {  	v25 =	vand.u32 $0x1, v28;
	v28 =	vand.u32 $0x1F, v51;
	v26 =	vshrl.u32 v36, v26  }
0x2c9: {  	v37 =	vand.u32 $0x1F, v53;
	v26 =	vand.u32 $0x1, v26;
	v31 =	vld.idx.msk [tilespmem:v38+s12+$0x0], $0xffff;
	v28 =	vshrl.u32 v40, v28  }
0x2ca: {  	v25 =	vor.u32 v25, v34;
	v23 =	vor.u32 v26, v23;
	v26 =	vld.idx.msk [tilespmem:v41+s12+$0x0], $0xffff;
	v28 =	vand.u32 $0x1, v28  }
0x2cb: {  	v57 =	vshra.s32 v42, $0x5;
	v29 =	vshrl.u32 v29, v37;
	v28 =	vor.u32 v28, v27  }
0x2cc: {  	v33 =	vadd.s32 v12, v57;
	v27 =	vand.u32 $0x1, v29;
	v29 =	vand.u32 $0x7, v28  }
0x2cd: {  	v61 =	vld.idx.msk [tilespmem:v1+s18+$0x0], $0xffff;
	v30 =	vshll.u32 v30, $0x1;
	v22 =	vand.u32 $0x1F, v22;
	v8 =	vor.u32 v8, v29  }
0x2ce: {  	v58 =	vld.idx.msk [tilespmem:v24+s18+$0x0], $0xffff;
	v27 =	vor.u32 v27, v32;
	v29 =	vand.u32 $0x1F, v39;
	v22 =	vshrl.u32 v31, v22  }
0x2cf: {  	v32 =	vand.u32 $0x7, v27;
	v31 =	vld.idx.msk [tilespmem:v23+s18+$0x0], $0xffff;
	v26 =	vshrl.u32 v26, v29;
	v22 =	vand.u32 $0x1, v22  }
0x2d0: {  	v9 =	vor.u32 v9, v32;
	v29 =	vld.idx.msk [tilespmem:v25+s18+$0x0], $0xffff;
	v26 =	vand.u32 $0x1, v26;
	v19 =	vor.u32 v22, v19  }
0x2d1: {  	v22 =	vshll.u32 v24, $0x1;
	v24 =	vld.idx.msk [tilespmem:v33+s12+$0x0], $0xffff;
	v26 =	vor.u32 v26, v30;
	v30 =	vand.u32 $0x7, v19  }
0x2d2: {  	v55 =	vshra.s32 v61, $0x5;
	v21 =	vshll.u32 v21, $0x1;
	v10 =	vor.u32 v10, v30;
	v30 =	vld.idx.msk [tilespmem:v8+s18+$0x0], $0xffff  }
0x2d3: {  	v59 =	vand.u32 $0x1F, v42;
	v33 =	vshll.u32 v27, $0x1;
	v60 =	vand.u32 $0x7, v26  }
0x2d4: {  	v35 =	vshll.u32 v19, $0x1;
	v8 =	vor.u32 v11, v60;
	v11 =	vshra.s32 v31, $0x5  }
0x2d5: {  	v19 =	vshra.s32 v58, $0x5;
	v9 =	vld.idx.msk [tilespmem:v9+s18+$0x0], $0xffff;
	v27 =	vshra.s32 v29, $0x5;
	v11 =	vadd.s32 v15, v11  }
0x2d6: {  	v62 =	vadd.s32 v14, v19;
	v19 =	vshrl.u32 v24, v59;
	v24 =	vadd.s32 v13, v27  }
0x2d7: {  	v28 =	vshll.u32 v28, $0x1;
	v25 =	vshll.u32 v25, $0x1;
	v63 =	vld.idx.msk [tilespmem:v10+s18+$0x0], $0xffff;
	v10 =	vshra.s32 v30, $0x5  }
0x2d8: {  	v23 =	vshll.u32 v23, $0x1;
	v19 =	vand.u32 $0x1, v19;
	v27 =	vadd.s32 v6, v10  }
0x2d9: {  	s26 =	simm.s32 $0x800;
	v36 =	vshll.u32 v26, $0x1;
	v26 =	vand.u32 $0x1F, v58;
	v21 =	vor.u32 v19, v21;
	v52 =	vld.idx.msk [tilespmem:v8+s18+$0x0], $0xffff  }
0x2da: {  	v8 =	vshra.s32 v9, $0x5;
	v54 =	vand.u32 $0x1F, v9;
	v9 =	vor.u32 s26, v0;
	v53 =	vld.idx.msk [tilespmem:v11+s12+$0x0], $0xffff  }
0x2db: {  	s21 =	simm.s32 $0xB00;
	v29 =	vand.u32 $0x1F, v29;
	v31 =	vand.u32 $0x1F, v31;
	v24 =	vld.idx.msk [tilespmem:v24+s12+$0x0], $0xffff;
	v44 =	vadd.s32 v9, v55  }
0x2dc: {  	s28 =	simm.s32 $0x900;
	s22 =	simm.s32 $0xA00;
	v37 =	vld.idx.msk [tilespmem:v62+s12+$0x0], $0xffff;
	v19 =	vshll.u32 v21, $0x1;
	v11 =	vor.u32 s21, v0;
	v56 =	vadd.s32 v3, v8  }
0x2dd: {  	v10 =	vor.u32 s22, v0;
	v8 =	vor.u32 s28, v0;
	v43 =	vadd.s32 v11, v55;
	v46 =	vld.idx.msk [tilespmem:v27+s12+$0x0], $0xffff  }
0x2de: {  	v41 =	vadd.s32 v10, v55;
	v45 =	vadd.s32 v8, v55;
	v27 =	vshra.s32 v63, $0x5  }
0x2df: {  	v32 =	vand.u32 $0x1F, v63;
	v47 =	vadd.s32 v4, v27;
	v27 =	vld.idx.msk [tilespmem:v21+s18+$0x0], $0xffff;
	v31 =	vshrl.u32 v53, v31  }
0x2e0: {  	v48 =	vshra.s32 v52, $0x5;
	v24 =	vshrl.u32 v24, v29;
	v29 =	vld.idx.msk [tilespmem:v44+s12+$0x0], $0xffff;
	v21 =	vand.u32 $0x1, v31  }
0x2e1: {  	v57 =	vadd.s32 v5, v48;
	v31 =	vld.idx.msk [tilespmem:v56+s12+$0x0], $0xffff;
	v42 =	vor.u32 v21, v23;
	v21 =	vand.u32 $0x1F, v30  }
0x2e2: {  	v26 =	vshrl.u32 v37, v26;
	v38 =	vand.u32 $0x1F, v52;
	v23 =	vld.idx.msk [tilespmem:v43+s12+$0x0], $0xffff;
	v21 =	vshrl.u32 v46, v21  }
0x2e3: {  	v26 =	vand.u32 $0x1, v26;
	v24 =	vand.u32 $0x1, v24;
	v30 =	vld.idx.msk [tilespmem:v45+s12+$0x0], $0xffff;
	v58 =	vand.u32 $0x1, v21  }
0x2e4: {  	v21 =	vor.u32 v26, v22;
	v37 =	vshra.s32 v27, $0x5;
	v26 =	vor.u32 v24, v25  }
0x2e5: {  	v22 =	vld.idx.msk [tilespmem:v41+s12+$0x0], $0xffff;
	v24 =	vand.u32 $0x1F, v61;
	v27 =	vand.u32 $0x1F, v27;
	v28 =	vor.u32 v58, v28  }
0x2e6: {  	v39 =	vld.idx.msk [tilespmem:v57+s12+$0x0], $0xffff;
	v37 =	vadd.s32 v12, v37;
	v25 =	vand.u32 $0x7, v28;
	v31 =	vshrl.u32 v31, v54  }
0x2e7: {  	v28 =	vshll.u32 v28, $0x1;
	v23 =	vshrl.u32 v23, v24;
	v16 =	vor.u32 v16, v25  }
0x2e8: {  	v25 =	vshrl.u32 v29, v24;
	v29 =	vand.u32 $0x1, v31;
	v30 =	vshrl.u32 v30, v24  }
0x2e9: {  	v34 =	vld.idx.msk [tilespmem:v42+s18+$0x0], $0xffff;
	v23 =	vand.u32 $0x1, v23;
	v59 =	vand.u32 $0x1, v25;
	v29 =	vor.u32 v29, v33  }
0x2ea: {  	v31 =	vld.idx.msk [tilespmem:v47+s12+$0x0], $0xffff;
	v25 =	vor.u32 $0x2, v23;
	v40 =	vor.u32 $0x2, v59;
	v23 =	vand.u32 $0x1, v30  }
0x2eb: {  	v22 =	vshrl.u32 v22, v24;
	v62 =	vshrl.u32 v39, v38;
	v48 =	vand.u32 $0x7, v29;
	v39 =	vld.idx.msk [tilespmem:v21+s18+$0x0], $0xffff  }
0x2ec: {  	v29 =	vshll.u32 v29, $0x1;
	v44 =	vld.idx.msk [tilespmem:v26+s18+$0x0], $0xffff;
	v21 =	vshll.u32 v21, $0x1;
	v26 =	vshll.u32 v26, $0x1  }
0x2ed: {  	v30 =	vshll.u32 v40, $0x1;
	v60 =	vor.u32 $0x2, v23;
	v22 =	vand.u32 $0x1, v22  }
0x2ee: {  	v17 =	vor.u32 v17, v48;
	v43 =	vshll.u32 v60, $0x1;
	v61 =	vor.u32 $0x2, v22  }
0x2ef: {  	v37 =	vld.idx.msk [tilespmem:v37+s12+$0x0], $0xffff;
	v22 =	vshll.u32 v40, $0x3;
	v23 =	vshra.s32 v34, $0x5;
	v45 =	vshll.u32 v61, $0x1  }
0x2f0: {  	v16 =	vld.idx.msk [tilespmem:v16+s18+$0x0], $0xffff;
	v24 =	vshll.u32 v61, $0x3;
	v31 =	vshrl.u32 v31, v32;
	v15 =	vadd.s32 v15, v23  }
0x2f1: {  	v32 =	vand.u32 $0x1, v62;
	v34 =	vand.u32 $0x1F, v34;
	v62 =	vshll.u32 v42, $0x1;
	v46 =	vld.idx.msk [tilespmem:v25+s18+$0x0], $0xffff  }
0x2f2: {  	v23 =	vshll.u32 v60, $0x3;
	v31 =	vand.u32 $0x1, v31;
	v32 =	vor.u32 v32, v36;
	v63 =	vld.idx.msk [tilespmem:v40+s18+$0x0], $0xffff  }
0x2f3: {  	v31 =	vor.u32 v31, v35;
	v50 =	vand.u32 $0x7, v32;
	v41 =	vshll.u32 v32, $0x1  }
0x2f4: {  	v32 =	vand.u32 $0x3FE, v62;
	v49 =	vld.idx.msk [tilespmem:v60+s18+$0x0], $0xffff;
	v56 =	vand.u32 $0x7, v31;
	v18 =	vor.u32 v18, v50  }
0x2f5: {  	v31 =	vshll.u32 v31, $0x1;
	v27 =	vshrl.u32 v37, v27;
	v51 =	vshra.s32 v16, $0x5;
	v15 =	vld.idx.msk [tilespmem:v15+s12+$0x0], $0xffff  }
0x2f6: {  	v57 =	vld.idx.msk [tilespmem:v61+s18+$0x0], $0xffff;
	v20 =	vor.u32 v20, v56;
	v52 =	vadd.s32 v6, v51;
	v53 =	vshra.s32 v46, $0x5  }
0x2f7: {  	v56 =	vshra.s32 v39, $0x5;
	v54 =	vshra.s32 v63, $0x5;
	v55 =	vadd.s32 v11, v53  }
0x2f8: {  	v17 =	vld.idx.msk [tilespmem:v17+s18+$0x0], $0xffff;
	v39 =	vand.u32 $0x1F, v39;
	v27 =	vand.u32 $0x1, v27;
	v58 =	vadd.s32 v9, v54  }
0x2f9: {  	v38 =	vadd.s32 v14, v56;
	v16 =	vand.u32 $0x1F, v16;
	v59 =	vshra.s32 v49, $0x5  }
0x2fa: {  	v19 =	vor.u32 v27, v19;
	v60 =	vadd.s32 v8, v59;
	v15 =	vshrl.u32 v15, v34  }
0x2fb: {  	v47 =	vand.u32 $0x1F, v63;
	v61 =	vshra.s32 v57, $0x5;
	v63 =	vld.idx.msk [tilespmem:v52+s12+$0x0], $0xffff;
	v15 =	vand.u32 $0x1, v15  }
0x2fc: {  	s19 =	simm.s32 $0x30;
	v35 =	vand.u32 $0x1F, v49;
	v49 =	vadd.s32 v10, v61;
	v32 =	vor.u32 v15, v32;
	v15 =	vld.idx.msk [tilespmem:v55+s12+$0x0], $0xffff  }
0x2fd: {  	v50 =	vand.u32 $0x1F, v17;
	v40 =	vld.idx.msk [tilespmem:v58+s12+$0x0], $0xffff;
	v58 =	vshra.s32 v17, $0x5;
	v17 =	vmov s19  }
0x2fe: {  	v20 =	vld.idx.msk [tilespmem:v20+s18+$0x0], $0xffff;
	v36 =	vand.u32 $0x1F, v57;
	v57 =	vshra.s32 v44, $0x5;
	v17 =	vshll.u32 v17, $0x5  }
0x2ff: {  	v59 =	vand.u32 $0x1F, v46;
	v42 =	vadd.s32 v13, v57;
	v48 =	vld.idx.msk [tilespmem:v60+s12+$0x0], $0xffff;
	v17 =	vor.u32 v2, v17  }
0x300: {  	v38 =	vld.idx.msk [tilespmem:v38+s12+$0x0], $0xffff;
	v52 =	vadd.s32 v3, v58;
	v16 =	vshrl.u32 v63, v16;
	v33 =	vor.u32 v7, v17  }
0x301: {  	v49 =	vld.idx.msk [tilespmem:v49+s12+$0x0], $0xffff;
	v17 =	vshll.u32 v25, $0x1;
	v16 =	vand.u32 $0x1, v16;
	v15 =	vshrl.u32 v15, v59  }
0x302: {  	v60 =	vld.idx.msk [tilespmem:v18+s18+$0x0], $0xffff;
	v28 =	vor.u32 v16, v28;
	v16 =	vshrl.u32 v40, v47;
	v15 =	vand.u32 $0x1, v15  }
0x303: {  	v44 =	vand.u32 $0x1F, v44;
	v16 =	vand.u32 $0x1, v16;
	v18 =	vor.u32 v15, v17  }
0x304: {  	v51 =	vshra.s32 v20, $0x5;
	v42 =	vld.idx.msk [tilespmem:v42+s12+$0x0], $0xffff;
	v35 =	vshrl.u32 v48, v35;
	v30 =	vor.u32 v16, v30  }
0x305: {  	v20 =	vand.u32 $0x1F, v20;
	v63 =	vadd.s32 v4, v51;
	v61 =	vld.idx.msk [tilespmem:v52+s12+$0x0], $0xffff;
	v15 =	vand.u32 $0x1, v35  }
0x306: {  	v55 =	vshrl.u32 v38, v39;
	v16 =	vshrl.u32 v49, v36;
	v62 =	vor.u32 v15, v43  }
0x307: {  	v37 =	vand.u32 $0x1, v55;
	v54 =	vshra.s32 v60, $0x5;
	v15 =	vand.u32 $0x1, v16;
	v46 =	vld.idx.msk [tilespmem:v28+s18+$0x0], $0xffff  }
0x308: {  	v25 =	vshll.u32 v25, $0x3;
	v49 =	vadd.s32 v5, v54;
	v45 =	vor.u32 v15, v45;
	v51 =	vld.idx.msk [tilespmem:v18+s18+$0x0], $0xffff  }
0x309: {  	v57 =	vshrl.u32 v42, v44;
	v36 =	vshll.u32 v30, $0x1;
	v16 =	vshll.u32 v30, $0x3;
	v30 =	vld.idx.msk [tilespmem:v30+s18+$0x0], $0xffff  }
0x30a: {  	v21 =	vor.u32 v37, v21;
	v58 =	vld.idx.msk [tilespmem:v63+s12+$0x0], $0xffff;
	v39 =	vand.u32 $0x1, v57;
	v35 =	vshrl.u32 v61, v50  }
0x30b: {  	v34 =	vand.u32 $0x1F, v60;
	v26 =	vor.u32 v39, v26;
	v35 =	vand.u32 $0x1, v35;
	v40 =	vld.idx.msk [tilespmem:v62+s18+$0x0], $0xffff  }
0x30c: {  	v43 =	vshll.u32 v62, $0x1;
	v29 =	vor.u32 v35, v29;
	v56 =	vshra.s32 v46, $0x5  }
0x30d: {  	v47 =	vshll.u32 v45, $0x1;
	v38 =	vld.idx.msk [tilespmem:v45+s18+$0x0], $0xffff;
	v35 =	vadd.s32 v6, v56;
	v59 =	vshra.s32 v51, $0x5  }
0x30e: {  	v15 =	vshll.u32 v45, $0x3;
	v60 =	vld.idx.msk [tilespmem:v49+s12+$0x0], $0xffff;
	v61 =	vshra.s32 v30, $0x5;
	v45 =	vadd.s32 v11, v59  }
0x30f: {  	v17 =	vshll.u32 v62, $0x3;
	v20 =	vshrl.u32 v58, v20;
	v49 =	vadd.s32 v9, v61  }
0x310: {  	v28 =	vshll.u32 v28, $0x1;
	v20 =	vand.u32 $0x1, v20;
	v37 =	vld.idx.msk [tilespmem:v26+s18+$0x0], $0xffff;
	v62 =	vshra.s32 v40, $0x5  }
0x311: {  	v42 =	vshll.u32 v29, $0x1;
	v20 =	vor.u32 v20, v31;
	v29 =	vld.idx.msk [tilespmem:v29+s18+$0x0], $0xffff;
	v50 =	vadd.s32 v8, v62  }
0x312: {  	v31 =	vshll.u32 v19, $0x1;
	v46 =	vand.u32 $0x1F, v46;
	v63 =	vshra.s32 v38, $0x5;
	v35 =	vld.idx.msk [tilespmem:v35+s12+$0x0], $0xffff  }
0x313: {  	v39 =	vshll.u32 v20, $0x1;
	v27 =	vshrl.u32 v60, v34;
	v52 =	vadd.s32 v10, v63;
	v55 =	vld.idx.msk [tilespmem:v45+s12+$0x0], $0xffff  }
0x314: {  	v30 =	vand.u32 $0x1F, v30;
	v60 =	vand.u32 $0x1F, v51;
	v27 =	vand.u32 $0x1, v27;
	v56 =	vld.idx.msk [tilespmem:v49+s12+$0x0], $0xffff  }
0x315: {  	v19 =	vld.idx.msk [tilespmem:v19+s18+$0x0], $0xffff;
	v40 =	vand.u32 $0x1F, v40;
	v61 =	vshll.u32 v18, $0x1;
	v27 =	vor.u32 v27, v41  }
0x316: {  	v38 =	vand.u32 $0x1F, v38;
	v41 =	vshll.u32 v21, $0x1;
	v58 =	vshra.s32 v29, $0x5;
	v57 =	vld.idx.msk [tilespmem:v50+s12+$0x0], $0xffff  }
0x317: {  	v29 =	vand.u32 $0x1F, v29;
	v49 =	vshll.u32 v27, $0x1;
	v35 =	vshrl.u32 v35, v46  }
0x318: {  	v45 =	vadd.s32 v3, v58;
	v59 =	vld.idx.msk [tilespmem:v52+s12+$0x0], $0xffff;
	v35 =	vand.u32 $0x1, v35;
	v34 =	vshrl.u32 v55, v60  }
0x319: {  	v20 =	vld.idx.msk [tilespmem:v20+s18+$0x0], $0xffff;
	v35 =	vor.u32 v35, v28;
	v28 =	vshll.u32 v26, $0x1;
	v30 =	vshrl.u32 v56, v30  }
0x31a: {  	v27 =	vld.idx.msk [tilespmem:v27+s18+$0x0], $0xffff;
	v56 =	vshra.s32 v19, $0x5;
	v60 =	vshra.s32 v37, $0x5;
	v34 =	vand.u32 $0x1, v34  }
0x31b: {  	v21 =	vld.idx.msk [tilespmem:v21+s18+$0x0], $0xffff;
	v30 =	vand.u32 $0x1, v30;
	v40 =	vshrl.u32 v57, v40;
	v34 =	vor.u32 v34, v61  }
0x31c: {  	v37 =	vand.u32 $0x1F, v37;
	v26 =	vor.u32 v30, v36;
	v30 =	vand.u32 $0x1, v40  }
0x31d: {  	v62 =	vshrl.u32 v59, v38;
	v61 =	vand.u32 $0x1F, v19;
	v19 =	vadd.s32 v13, v60  }
0x31e: {  	v63 =	vld.idx.msk [tilespmem:v45+s12+$0x0], $0xffff;
	v57 =	vshra.s32 v20, $0x5;
	v30 =	vor.u32 v30, v43;
	v36 =	vand.u32 $0x1, v62  }
0x31f: {  	v20 =	vand.u32 $0x1F, v20;
	v58 =	vshra.s32 v27, $0x5;
	v36 =	vor.u32 v36, v47;
	v45 =	vld.idx.msk [tilespmem:v35+s18+$0x0], $0xffff  }
0x320: {  	v27 =	vand.u32 $0x1F, v27;
	v48 =	vadd.s32 v5, v58;
	v59 =	vshra.s32 v21, $0x5;
	v50 =	vld.idx.msk [tilespmem:v34+s18+$0x0], $0xffff  }
0x321: {  	v13 =	vand.u32 $0x3FE, v31;
	v40 =	vshll.u32 v26, $0x1;
	v47 =	vadd.s32 v4, v57;
	v53 =	vld.idx.msk [tilespmem:v26+s18+$0x0], $0xffff  }
0x322: {  	v14 =	vadd.s32 v14, v59;
	v62 =	vand.u32 $0x1F, v21;
	v43 =	vshll.u32 v30, $0x1;
	v60 =	vld.idx.msk [tilespmem:v19+s12+$0x0], $0xffff  }
0x323: {  	s31 =	simm.s32 $0x20;
	v46 =	vshll.u32 v36, $0x1;
	v26 =	vshrl.u32 v63, v29;
	v29 =	vadd.s32 v12, v56;
	v30 =	vld.idx.msk [tilespmem:v30+s18+$0x0], $0xffff  }
0x324: {  	v35 =	vshll.u32 v35, $0x1;
	v19 =	vmov s31;
	v12 =	vand.u32 $0x1, v26;
	v36 =	vld.idx.msk [tilespmem:v36+s18+$0x0], $0xffff  }
0x325: {  	v48 =	vld.idx.msk [tilespmem:v48+s12+$0x0], $0xffff;
	v34 =	vshll.u32 v34, $0x1;
	v42 =	vor.u32 v12, v42;
	v12 =	vshra.s32 v45, $0x5  }
0x326: {  	v21 =	vld.idx.msk [tilespmem:v47+s12+$0x0], $0xffff;
	v26 =	vshll.u32 v42, $0x1;
	v63 =	vadd.s32 v6, v12;
	v55 =	vshra.s32 v50, $0x5  }
0x327: {  	v12 =	vand.u32 $0x3FE, v41;
	v31 =	vshra.s32 v53, $0x5;
	v51 =	vadd.s32 v11, v55  }
0x328: {  	v41 =	vand.u32 $0x1F, v53;
	v29 =	vld.idx.msk [tilespmem:v29+s12+$0x0], $0xffff;
	v31 =	vadd.s32 v9, v31;
	v56 =	vshra.s32 v30, $0x5  }
0x329: {  	v57 =	vand.u32 $0x1F, v30;
	v30 =	vld.idx.msk [tilespmem:v14+s12+$0x0], $0xffff;
	v52 =	vadd.s32 v8, v56;
	v14 =	vshra.s32 v36, $0x5  }
0x32a: {  	s29 =	simm.s32 $0x0;
	v27 =	vshrl.u32 v48, v27;
	v54 =	vand.u32 $0x1F, v36;
	v58 =	vld.idx.msk [tilespmem:v42+s18+$0x0], $0xffff;
	v59 =	vadd.s32 v10, v14  }
0x32b: {  	s30 =	simm.s32 $0x10;
	v14 =	vshrl.u32 v21, v20;
	v21 =	vmov s29;
	v20 =	vand.u32 $0x3FE, v28;
	v47 =	vld.idx.msk [tilespmem:v63+s12+$0x0], $0xffff  }
0x32c: {  	v28 =	vand.u32 $0x1, v14;
	v14 =	vmov s30;
	v21 =	vshll.u32 v21, $0x5;
	v51 =	vld.idx.msk [tilespmem:v51+s12+$0x0], $0xffff  }
0x32d: {  	v39 =	vor.u32 v28, v39;
	v28 =	vand.u32 $0x1, v27;
	v55 =	vshrl.u32 v29, v61;
	v31 =	vld.idx.msk [tilespmem:v31+s12+$0x0], $0xffff  }
0x32e: {  	v29 =	vand.u32 $0x1F, v45;
	v27 =	vshll.u32 v39, $0x1;
	v44 =	vshrl.u32 v30, v62;
	v62 =	vld.idx.msk [tilespmem:v52+s12+$0x0], $0xffff  }
0x32f: {  	v61 =	vor.u32 v28, v49;
	v30 =	vand.u32 $0x1F, v50;
	v28 =	vshra.s32 v58, $0x5;
	v42 =	vld.idx.msk [tilespmem:v59+s12+$0x0], $0xffff  }
0x330: {  	v52 =	vand.u32 $0x1F, v58;
	v63 =	vadd.s32 v3, v28;
	v29 =	vshrl.u32 v47, v29  }
0x331: {  	v28 =	vshll.u32 v61, $0x1;
	v29 =	vand.u32 $0x1, v29;
	v47 =	vshrl.u32 v51, v30  }
0x332: {  	v29 =	vor.u32 v29, v35;
	v30 =	vshrl.u32 v60, v37;
	v31 =	vshrl.u32 v31, v41  }
0x333: {  	v39 =	vld.idx.msk [tilespmem:v39+s18+$0x0], $0xffff;
	v50 =	vand.u32 $0x1, v47;
	v31 =	vand.u32 $0x1, v31;
	v51 =	vshrl.u32 v62, v57  }
0x334: {  	v36 =	vor.u32 v50, v34;
	v53 =	vshrl.u32 v42, v54;
	v37 =	vand.u32 $0x1, v51  }
0x335: {  	v54 =	vld.idx.msk [tilespmem:v61+s18+$0x0], $0xffff;
	v56 =	vor.u32 v31, v40;
	v35 =	vand.u32 $0x7, v36;
	v34 =	vand.u32 $0x1, v53  }
0x336: {  	v45 =	vld.idx.msk [tilespmem:v63+s12+$0x0], $0xffff;
	v37 =	vor.u32 v37, v43;
	v58 =	vand.u32 $0x7, v56;
	v25 =	vor.u32 v25, v35  }
0x337: {  	s20 =	sadd.s32 $0x8000, s18;
	v57 =	vor.u32 v34, v46;
	v59 =	vand.u32 $0x7, v37;
	v62 =	vor.u32 v22, v58;
	v31 =	vld.idx.msk [tilespmem:v29+s18+$0x0], $0xffff  }
0x338: {  	v61 =	vld.idx.msk [tilespmem:v32+s20+$0x0], $0xffff;
	v35 =	vshll.u32 v56, $0x1;
	v34 =	vshll.u32 v37, $0x1;
	v22 =	vand.u32 $0x1F, v39  }
0x339: {  	v60 =	vand.u32 $0x7, v57;
	v43 =	vor.u32 v23, v59;
	v32 =	vshll.u32 v57, $0x1  }
0x33a: {  	v23 =	vshra.s32 v39, $0x5;
	v41 =	vor.u32 v24, v60;
	v24 =	vshra.s32 v54, $0x5  }
0x33b: {  	v38 =	vadd.s32 v4, v23;
	v23 =	vand.u32 $0x1F, v54;
	v37 =	vadd.s32 v5, v24;
	v40 =	vld.idx.msk [tilespmem:v25+s18+$0x0], $0xffff  }
0x33c: {  	v24 =	vshrl.u32 v45, v52;
	v25 =	vand.u32 $0x1, v55;
	v63 =	vshra.s32 v31, $0x5  }
0x33d: {  	s22 =	simm.s32 $0x8;
	[tilespmem:v33+s13+$0x0] =	vst.idx.msk $0xffff, v61;
	v42 =	vld.idx.msk [tilespmem:v62+s18+$0x0], $0xffff;
	v39 =	vand.u32 $0x1, v24;
	v24 =	vand.u32 $0x1, v44;
	v33 =	vadd.s32 v6, v63  }
.LBB2_7:
0x33e: {  	v44 =	vld.idx.msk [tilespmem:v1+s18+$0x0], $0xffff;
	s22 =	sadd.s32 $0x4, s22;
	v39 =	vor.u32 v39, v26;
	v25 =	vor.u32 v25, v13;
	v13 =	vand.u32 $0x1, v30  }
0x33f: {  	v24 =	vor.u32 v24, v12;
	p0 =	slt.u32 s22, $0x3C;
	v30 =	vld.idx.msk [tilespmem:v43+s18+$0x0], $0xffff;
	v26 =	vshll.u32 v39, $0x1;
	v20 =	vor.u32 v13, v20  }
0x340: {  	v12 =	vshra.s32 v40, $0x5;
	v13 =	vshll.u32 v14, $0x5;
	v14 =	vshll.u32 v19, $0x5;
	v41 =	vld.idx.msk [tilespmem:v41+s18+$0x0], $0xffff  }
0x341: {  	v43 =	vadd.s32 v11, v12;
	v12 =	vor.u32 v2, v21;
	v13 =	vor.u32 v2, v13;
	v38 =	vld.idx.msk [tilespmem:v38+s12+$0x0], $0xffff  }
0x342: {  	v45 =	vor.u32 v7, v13;
	v21 =	vld.idx.msk [tilespmem:v33+s12+$0x0], $0xffff;
	v33 =	vor.u32 v7, v12;
	v12 =	vor.u32 v2, v14  }
0x343: {  	s21 =	sadd.s32 $0x400, s21;
	v13 =	vshra.s32 v42, $0x5;
	v42 =	vand.u32 $0x1F, v42;
	v37 =	vld.idx.msk [tilespmem:v37+s12+$0x0], $0xffff;
	v46 =	vor.u32 v7, v12  }
0x344: {  	s23 =	sadd.s32 $0xFFFFFD00, s21;
	s24 =	sadd.s32 $0xFFFFFE00, s21;
	s25 =	sadd.s32 $0xFFFFFF00, s21;
	v48 =	vor.u32 s21, v0;
	v47 =	vshra.s32 v44, $0x5;
	v49 =	vadd.s32 v9, v13;
	v19 =	vld.idx.msk [tilespmem:v39+s18+$0x0], $0xffff  }
0x345: {  	v14 =	vor.u32 s23, v0;
	v13 =	vor.u32 s24, v0;
	v39 =	vadd.s32 v48, v47;
	v25 =	vld.idx.msk [tilespmem:v25+s20+$0x0], $0xffff  }
0x346: {  	v12 =	vor.u32 s25, v0;
	v50 =	vadd.s32 v14, v47;
	v51 =	vadd.s32 v13, v47;
	v43 =	vld.idx.msk [tilespmem:v43+s12+$0x0], $0xffff  }
0x347: {  	v31 =	vand.u32 $0x1F, v31;
	v47 =	vadd.s32 v12, v47;
	v52 =	vshra.s32 v30, $0x5;
	v24 =	vld.idx.msk [tilespmem:v24+s20+$0x0], $0xffff  }
0x348: {  	v52 =	vadd.s32 v8, v52;
	v53 =	vshra.s32 v41, $0x5;
	v21 =	vshrl.u32 v21, v31;
	v54 =	vld.idx.msk [tilespmem:v20+s20+$0x0], $0xffff  }
0x349: {  	v53 =	vadd.s32 v10, v53;
	v20 =	vand.u32 $0x1, v21;
	v21 =	vshll.u32 v29, $0x1;
	v49 =	vld.idx.msk [tilespmem:v49+s12+$0x0], $0xffff  }
0x34a: {  	v41 =	vand.u32 $0x1F, v41;
	v55 =	vor.u32 v20, v21;
	v29 =	vld.idx.msk [tilespmem:v39+s12+$0x0], $0xffff;
	v39 =	vand.u32 $0x1F, v30  }
0x34b: {  	v20 =	vand.u32 $0x1F, v40;
	v21 =	vshrl.u32 v38, v22;
	v22 =	vshrl.u32 v37, v23;
	v30 =	vld.idx.msk [tilespmem:v50+s12+$0x0], $0xffff  }
0x34c: {  	v21 =	vand.u32 $0x1, v21;
	v22 =	vand.u32 $0x1, v22;
	v20 =	vshrl.u32 v43, v20;
	v23 =	vld.idx.msk [tilespmem:v51+s12+$0x0], $0xffff;
	[tilespmem:v33+s13+$0x0] =	vst.idx.msk $0xffff, v25  }
0x34d: {  	v31 =	vand.u32 $0x1, v20;
	v33 =	vshll.u32 v36, $0x1;
	v20 =	vor.u32 v21, v27;
	v25 =	vld.idx.msk [tilespmem:v47+s12+$0x0], $0xffff;
	[tilespmem:v45+s13+$0x0] =	vst.idx.msk $0xffff, v24  }
0x34e: {  	v21 =	vor.u32 v22, v28;
	v31 =	vor.u32 v31, v33;
	v33 =	vshra.s32 v19, $0x5;
	v27 =	vld.idx.msk [tilespmem:v52+s12+$0x0], $0xffff  }
0x34f: {  	v18 =	vshll.u32 v18, $0x3;
	v24 =	vand.u32 $0x1F, v44;
	v22 =	vand.u32 $0x7, v31;
	v36 =	vld.idx.msk [tilespmem:v55+s18+$0x0], $0xffff;
	[tilespmem:v46+s13+$0x0] =	vst.idx.msk $0xffff, v54  }
0x350: {  	v28 =	vshrl.u32 v29, v24;
	v29 =	vshrl.u32 v49, v42;
	v18 =	vor.u32 v18, v22;
	v37 =	vld.idx.msk [tilespmem:v53+s12+$0x0], $0xffff  }
0x351: {  	v22 =	vshrl.u32 v30, v24;
	v28 =	vand.u32 $0x1, v28;
	v29 =	vand.u32 $0x1, v29  }
0x352: {  	v30 =	vand.u32 $0x1, v22;
	v23 =	vshrl.u32 v23, v24;
	v22 =	vor.u32 $0x2, v28;
	v28 =	vld.idx.msk [tilespmem:v20+s18+$0x0], $0xffff  }
0x353: {  	v38 =	vor.u32 $0x2, v30;
	v23 =	vand.u32 $0x1, v23;
	v24 =	vshrl.u32 v25, v24;
	v30 =	vld.idx.msk [tilespmem:v21+s18+$0x0], $0xffff  }
0x354: {  	v40 =	vshll.u32 v38, $0x1;
	v42 =	vor.u32 $0x2, v23;
	v23 =	vand.u32 $0x1, v24  }
0x355: {  	v43 =	vshll.u32 v42, $0x1;
	v44 =	vor.u32 $0x2, v23;
	v24 =	vshra.s32 v36, $0x5;
	v18 =	vld.idx.msk [tilespmem:v18+s18+$0x0], $0xffff  }
0x356: {  	v23 =	vshll.u32 v38, $0x3;
	v45 =	vshll.u32 v44, $0x1;
	v46 =	vadd.s32 v6, v24;
	v6 =	vmovc v11;
	v11 =	vmovc v48  }
0x357: {  	v27 =	vshrl.u32 v27, v39;
	v24 =	vshll.u32 v42, $0x3;
	v25 =	vshll.u32 v44, $0x3;
	v47 =	vld.idx.msk [tilespmem:v22+s18+$0x0], $0xffff  }
0x358: {  	v29 =	vor.u32 v29, v35;
	v27 =	vand.u32 $0x1, v27;
	v35 =	vshrl.u32 v37, v41;
	v38 =	vld.idx.msk [tilespmem:v38+s18+$0x0], $0xffff  }
0x359: {  	v39 =	vand.u32 $0x7, v29;
	v27 =	vor.u32 v27, v34;
	v34 =	vand.u32 $0x1, v35;
	v37 =	vld.idx.msk [tilespmem:v42+s18+$0x0], $0xffff  }
0x35a: {  	v16 =	vor.u32 v16, v39;
	v39 =	vand.u32 $0x7, v27;
	v32 =	vor.u32 v34, v32;
	v35 =	vld.idx.msk [tilespmem:v44+s18+$0x0], $0xffff  }
0x35b: {  	v17 =	vor.u32 v17, v39;
	v34 =	vand.u32 $0x7, v32;
	v39 =	vshra.s32 v18, $0x5;
	v41 =	vld.idx.msk [tilespmem:v46+s12+$0x0], $0xffff  }
0x35c: {  	v42 =	vshll.u32 v29, $0x1;
	v15 =	vor.u32 v15, v34;
	v34 =	vadd.s32 v6, v39  }
0x35d: {  	v29 =	vshll.u32 v27, $0x1;
	v27 =	vshll.u32 v32, $0x1;
	v39 =	vshra.s32 v47, $0x5  }
0x35e: {  	v32 =	vshra.s32 v38, $0x5;
	v38 =	vand.u32 $0x1F, v38;
	v39 =	vadd.s32 v11, v39  }
0x35f: {  	v32 =	vadd.s32 v14, v32;
	v44 =	vshra.s32 v37, $0x5;
	v37 =	vand.u32 $0x1F, v37;
	v16 =	vld.idx.msk [tilespmem:v16+s18+$0x0], $0xffff  }
0x360: {  	v44 =	vadd.s32 v13, v44;
	v46 =	vshra.s32 v35, $0x5;
	v48 =	vld.idx.msk [tilespmem:v17+s18+$0x0], $0xffff;
	v17 =	vand.u32 $0x1F, v36  }
0x361: {  	v36 =	vadd.s32 v12, v46;
	v34 =	vld.idx.msk [tilespmem:v34+s12+$0x0], $0xffff;
	v17 =	vshrl.u32 v41, v17;
	v41 =	vshll.u32 v55, $0x1  }
0x362: {  	v35 =	vand.u32 $0x1F, v35;
	v46 =	vld.idx.msk [tilespmem:v15+s18+$0x0], $0xffff;
	v15 =	vand.u32 $0x1, v17;
	v17 =	vand.u32 $0x3FE, v41  }
0x363: {  	v49 =	vshra.s32 v30, $0x5;
	v41 =	vshra.s32 v28, $0x5;
	v39 =	vld.idx.msk [tilespmem:v39+s12+$0x0], $0xffff;
	v15 =	vor.u32 v15, v17  }
0x364: {  	s19 =	sadd.s32 $0x40, s19;
	v17 =	vld.idx.msk [tilespmem:v32+s12+$0x0], $0xffff;
	v32 =	vadd.s32 v3, v33;
	v33 =	vadd.s32 v4, v41;
	v41 =	vadd.s32 v5, v49  }
0x365: {  	s23 =	sadd.s32 $0xFFFFFFF0, s19;
	s25 =	sadd.s32 $0xFFFFFFD0, s19;
	s24 =	sadd.s32 $0xFFFFFFE0, s19;
	v49 =	vshra.s32 v16, $0x5;
	v50 =	vand.u32 $0x1F, v16;
	v16 =	vmov s19;
	v44 =	vld.idx.msk [tilespmem:v44+s12+$0x0], $0xffff  }
0x366: {  	v18 =	vand.u32 $0x1F, v18;
	v51 =	vshra.s32 v48, $0x5;
	v16 =	vshll.u32 v16, $0x5;
	v36 =	vld.idx.msk [tilespmem:v36+s12+$0x0], $0xffff  }
0x367: {  	v49 =	vadd.s32 v9, v49;
	v18 =	vshrl.u32 v34, v18;
	v16 =	vor.u32 v2, v16  }
0x368: {  	v31 =	vshll.u32 v31, $0x1;
	v34 =	vand.u32 $0x1F, v47;
	v18 =	vand.u32 $0x1, v18;
	v15 =	vld.idx.msk [tilespmem:v15+s20+$0x0], $0xffff  }
0x369: {  	v34 =	vshrl.u32 v39, v34;
	v31 =	vor.u32 v18, v31;
	v39 =	vor.u32 v7, v16;
	v32 =	vld.idx.msk [tilespmem:v32+s12+$0x0], $0xffff  }
0x36a: {  	v18 =	vshll.u32 v22, $0x1;
	v16 =	vshrl.u32 v17, v38;
	v17 =	vand.u32 $0x1, v34;
	v33 =	vld.idx.msk [tilespmem:v33+s12+$0x0], $0xffff  }
0x36b: {  	v16 =	vand.u32 $0x1, v16;
	v34 =	vshrl.u32 v44, v37;
	v18 =	vor.u32 v17, v18;
	v37 =	vld.idx.msk [tilespmem:v41+s12+$0x0], $0xffff  }
0x36c: {  	v38 =	vor.u32 v16, v40;
	v16 =	vand.u32 $0x1, v34;
	v17 =	vshrl.u32 v36, v35;
	v34 =	vld.idx.msk [tilespmem:v49+s12+$0x0], $0xffff  }
0x36d: {  	v35 =	vshll.u32 v38, $0x1;
	v36 =	vor.u32 v16, v43;
	v17 =	vand.u32 $0x1, v17  }
0x36e: {  	v16 =	vshll.u32 v38, $0x3;
	v40 =	vshll.u32 v36, $0x1;
	v41 =	vor.u32 v17, v45;
	v43 =	vld.idx.msk [tilespmem:v31+s18+$0x0], $0xffff;
	[tilespmem:v39+s13+$0x0] =	vst.idx.msk $0xffff, v15  }
0x36f: {  	v17 =	vshll.u32 v36, $0x3;
	v39 =	vshll.u32 v41, $0x1;
	v15 =	vshll.u32 v41, $0x3  }
0x370: {  	v47 =	vand.u32 $0x1F, v48;
	v48 =	vshra.s32 v46, $0x5;
	v45 =	vadd.s32 v8, v51;
	v44 =	vld.idx.msk [tilespmem:v18+s18+$0x0], $0xffff  }
0x371: {  	v19 =	vand.u32 $0x1F, v19;
	v46 =	vand.u32 $0x1F, v46;
	v48 =	vadd.s32 v10, v48;
	v38 =	vld.idx.msk [tilespmem:v38+s18+$0x0], $0xffff  }
0x372: {  	v30 =	vand.u32 $0x1F, v30;
	v28 =	vand.u32 $0x1F, v28;
	v34 =	vshrl.u32 v34, v50;
	v36 =	vld.idx.msk [tilespmem:v36+s18+$0x0], $0xffff  }
0x373: {  	v19 =	vshrl.u32 v32, v19;
	v28 =	vshrl.u32 v33, v28;
	v34 =	vand.u32 $0x1, v34;
	v41 =	vld.idx.msk [tilespmem:v41+s18+$0x0], $0xffff  }
0x374: {  	v30 =	vshrl.u32 v37, v30;
	v32 =	vor.u32 v34, v42;
	v33 =	vshra.s32 v43, $0x5  }
0x375: {  	v19 =	vand.u32 $0x1, v19;
	v34 =	vshll.u32 v32, $0x1;
	v33 =	vadd.s32 v6, v33;
	v37 =	vld.idx.msk [tilespmem:v45+s12+$0x0], $0xffff  }
0x376: {  	v28 =	vand.u32 $0x1, v28;
	v30 =	vand.u32 $0x1, v30;
	v42 =	vshra.s32 v44, $0x5;
	v45 =	vld.idx.msk [tilespmem:v48+s12+$0x0], $0xffff  }
0x377: {  	v48 =	vshra.s32 v38, $0x5;
	v38 =	vand.u32 $0x1F, v38;
	v42 =	vadd.s32 v11, v42  }
0x378: {  	v48 =	vadd.s32 v14, v48;
	v49 =	vshra.s32 v36, $0x5;
	v36 =	vand.u32 $0x1F, v36  }
0x379: {  	v49 =	vadd.s32 v13, v49;
	v50 =	vshra.s32 v41, $0x5;
	v41 =	vand.u32 $0x1F, v41;
	v32 =	vld.idx.msk [tilespmem:v32+s18+$0x0], $0xffff  }
0x37a: {  	v20 =	vshll.u32 v20, $0x1;
	v21 =	vshll.u32 v21, $0x1;
	v50 =	vadd.s32 v12, v50;
	v33 =	vld.idx.msk [tilespmem:v33+s12+$0x0], $0xffff  }
0x37b: {  	v19 =	vor.u32 v19, v26;
	v20 =	vor.u32 v28, v20;
	v37 =	vshrl.u32 v37, v47  }
0x37c: {  	v21 =	vor.u32 v30, v21;
	v28 =	vand.u32 $0x1, v37;
	v37 =	vshrl.u32 v45, v46;
	v26 =	vld.idx.msk [tilespmem:v42+s12+$0x0], $0xffff  }
0x37d: {  	v28 =	vor.u32 v28, v29;
	v29 =	vand.u32 $0x1, v37;
	v37 =	vshll.u32 v19, $0x1;
	v30 =	vld.idx.msk [tilespmem:v48+s12+$0x0], $0xffff  }
0x37e: {  	v45 =	vshll.u32 v28, $0x1;
	v27 =	vor.u32 v29, v27;
	v29 =	vshll.u32 v20, $0x1;
	v42 =	vld.idx.msk [tilespmem:v49+s12+$0x0], $0xffff  }
0x37f: {  	v43 =	vand.u32 $0x1F, v43;
	v47 =	vshra.s32 v32, $0x5;
	v32 =	vand.u32 $0x1F, v32;
	v46 =	vld.idx.msk [tilespmem:v50+s12+$0x0], $0xffff  }
0x380: {  	v48 =	vshll.u32 v27, $0x1;
	v47 =	vadd.s32 v9, v47;
	v33 =	vshrl.u32 v33, v43;
	v19 =	vld.idx.msk [tilespmem:v19+s18+$0x0], $0xffff  }
0x381: {  	v31 =	vshll.u32 v31, $0x1;
	v43 =	vand.u32 $0x1F, v44;
	v33 =	vand.u32 $0x1, v33;
	v20 =	vld.idx.msk [tilespmem:v20+s18+$0x0], $0xffff  }
0x382: {  	v26 =	vshrl.u32 v26, v43;
	v33 =	vor.u32 v33, v31;
	v43 =	vshll.u32 v21, $0x1;
	v28 =	vld.idx.msk [tilespmem:v28+s18+$0x0], $0xffff  }
0x383: {  	v31 =	vshll.u32 v18, $0x1;
	v30 =	vshrl.u32 v30, v38;
	v26 =	vand.u32 $0x1, v26;
	v27 =	vld.idx.msk [tilespmem:v27+s18+$0x0], $0xffff  }
0x384: {  	v30 =	vand.u32 $0x1, v30;
	v36 =	vshrl.u32 v42, v36;
	v38 =	vor.u32 v26, v31;
	v21 =	vld.idx.msk [tilespmem:v21+s18+$0x0], $0xffff  }
0x385: {  	v26 =	vor.u32 v30, v35;
	v30 =	vand.u32 $0x1, v36;
	v35 =	vshrl.u32 v46, v41;
	v36 =	vld.idx.msk [tilespmem:v47+s12+$0x0], $0xffff  }
0x386: {  	v31 =	vshll.u32 v26, $0x1;
	v30 =	vor.u32 v30, v40;
	v35 =	vand.u32 $0x1, v35  }
0x387: {  	v41 =	vshra.s32 v19, $0x5;
	v40 =	vshll.u32 v30, $0x1;
	v35 =	vor.u32 v35, v39;
	v39 =	vld.idx.msk [tilespmem:v33+s18+$0x0], $0xffff  }
0x388: {  	v42 =	vshll.u32 v35, $0x1;
	v44 =	vshra.s32 v28, $0x5;
	v28 =	vand.u32 $0x1F, v28  }
0x389: {  	v44 =	vadd.s32 v8, v44;
	v47 =	vshra.s32 v27, $0x5;
	v27 =	vand.u32 $0x1F, v27;
	v46 =	vld.idx.msk [tilespmem:v38+s18+$0x0], $0xffff  }
0x38a: {  	v47 =	vadd.s32 v10, v47;
	v50 =	vshra.s32 v21, $0x5;
	v49 =	vld.idx.msk [tilespmem:v26+s18+$0x0], $0xffff;
	v26 =	vshra.s32 v20, $0x5  }
0x38b: {  	v32 =	vshrl.u32 v36, v32;
	v36 =	vadd.s32 v3, v41;
	v30 =	vld.idx.msk [tilespmem:v30+s18+$0x0], $0xffff;
	v41 =	vadd.s32 v4, v26  }
0x38c: {  	v3 =	vmovc v9;
	v9 =	vmovc v14;
	v26 =	vand.u32 $0x1, v32;
	v32 =	vand.u32 $0x1F, v19;
	v19 =	vadd.s32 v5, v50;
	v35 =	vld.idx.msk [tilespmem:v35+s18+$0x0], $0xffff  }
0x38d: {  	v4 =	vmovc v8;
	v8 =	vmovc v13;
	v14 =	vor.u32 v26, v34;
	v51 =	vshra.s32 v39, $0x5;
	v34 =	vand.u32 $0x1F, v20  }
0x38e: {  	v50 =	vand.u32 $0x1F, v21;
	v5 =	vmovc v10;
	v10 =	vmovc v12;
	v26 =	vshll.u32 v14, $0x1;
	v20 =	vadd.s32 v6, v51;
	v44 =	vld.idx.msk [tilespmem:v44+s12+$0x0], $0xffff  }
0x38f: {  	v13 =	vand.u32 $0x3FE, v37;
	v12 =	vand.u32 $0x3FE, v29;
	v21 =	vshra.s32 v46, $0x5;
	v47 =	vld.idx.msk [tilespmem:v47+s12+$0x0], $0xffff  }
0x390: {  	v29 =	vshra.s32 v49, $0x5;
	v37 =	vand.u32 $0x1F, v49;
	v21 =	vadd.s32 v11, v21;
	v36 =	vld.idx.msk [tilespmem:v36+s12+$0x0], $0xffff  }
0x391: {  	v29 =	vadd.s32 v9, v29;
	v49 =	vshra.s32 v30, $0x5;
	v51 =	vand.u32 $0x1F, v30;
	v30 =	vld.idx.msk [tilespmem:v41+s12+$0x0], $0xffff  }
0x392: {  	v41 =	vadd.s32 v8, v49;
	v49 =	vshra.s32 v35, $0x5;
	v35 =	vand.u32 $0x1F, v35;
	v52 =	vld.idx.msk [tilespmem:v14+s18+$0x0], $0xffff  }
0x393: {  	v54 =	vmov s25;
	v49 =	vadd.s32 v10, v49;
	v53 =	vld.idx.msk [tilespmem:v20+s12+$0x0], $0xffff;
	v20 =	vand.u32 $0x3FE, v43  }
0x394: {  	v14 =	vmov s24;
	v28 =	vshrl.u32 v44, v28;
	v43 =	vld.idx.msk [tilespmem:v19+s12+$0x0], $0xffff;
	v19 =	vmov s23  }
0x395: {  	v28 =	vand.u32 $0x1, v28;
	v27 =	vshrl.u32 v47, v27;
	v44 =	vld.idx.msk [tilespmem:v21+s12+$0x0], $0xffff;
	v21 =	vshll.u32 v54, $0x5  }
0x396: {  	v47 =	vld.idx.msk [tilespmem:v29+s12+$0x0], $0xffff;
	v29 =	vor.u32 v28, v45;
	v28 =	vand.u32 $0x1, v27;
	v45 =	vshrl.u32 v36, v32  }
0x397: {  	v32 =	vld.idx.msk [tilespmem:v41+s12+$0x0], $0xffff;
	v27 =	vshll.u32 v29, $0x1;
	v36 =	vor.u32 v28, v48;
	v48 =	vshrl.u32 v30, v34  }
0x398: {  	v28 =	vshra.s32 v52, $0x5;
	v30 =	vand.u32 $0x1F, v39;
	v34 =	vld.idx.msk [tilespmem:v49+s12+$0x0], $0xffff;
	v49 =	vand.u32 $0x1F, v52  }
0x399: {  	v39 =	vadd.s32 v3, v28;
	v28 =	vshll.u32 v36, $0x1;
	v30 =	vshrl.u32 v53, v30  }
0x39a: {  	v33 =	vshll.u32 v33, $0x1;
	v41 =	vand.u32 $0x1F, v46;
	v30 =	vand.u32 $0x1, v30  }
0x39b: {  	v41 =	vshrl.u32 v44, v41;
	v44 =	vld.idx.msk [tilespmem:v29+s18+$0x0], $0xffff;
	v29 =	vor.u32 v30, v33;
	v30 =	vshrl.u32 v43, v50  }
0x39c: {  	v38 =	vshll.u32 v38, $0x1;
	v33 =	vshrl.u32 v47, v37;
	v37 =	vand.u32 $0x1, v41;
	v46 =	vld.idx.msk [tilespmem:v36+s18+$0x0], $0xffff  }
0x39d: {  	v33 =	vand.u32 $0x1, v33;
	v32 =	vshrl.u32 v32, v51;
	v36 =	vor.u32 v37, v38  }
0x39e: {  	v22 =	vshll.u32 v22, $0x3;
	v34 =	vshrl.u32 v34, v35;
	v35 =	vand.u32 $0x7, v36;
	v39 =	vld.idx.msk [tilespmem:v39+s12+$0x0], $0xffff  }
0x39f: {  	v32 =	vand.u32 $0x1, v32;
	v34 =	vand.u32 $0x1, v34;
	v22 =	vor.u32 v22, v35  }
0x3a0: {  	v33 =	vor.u32 v33, v31;
	v32 =	vor.u32 v32, v40;
	v37 =	vor.u32 v34, v42;
	v31 =	vld.idx.msk [tilespmem:v29+s18+$0x0], $0xffff  }
0x3a1: {  	v34 =	vand.u32 $0x7, v33;
	v35 =	vand.u32 $0x7, v32;
	v38 =	vand.u32 $0x7, v37  }
0x3a2: {  	v42 =	vor.u32 v23, v34;
	v43 =	vor.u32 v24, v35;
	v41 =	vor.u32 v25, v38  }
.Ltmp2:
0x3a3: {  	v35 =	vshll.u32 v33, $0x1;
	v34 =	vshll.u32 v32, $0x1;
	v32 =	vshll.u32 v37, $0x1;
	(pc) =	sbr.rel @p0 .LBB2_7-.Ltmp2, $4  }
0x3a4: {  	v23 =	vshra.s32 v44, $0x5;
	v24 =	vshra.s32 v46, $0x5;
	v40 =	vld.idx.msk [tilespmem:v22+s18+$0x0], $0xffff;
	v22 =	vand.u32 $0x1F, v44  }
0x3a5: {  	v38 =	vadd.s32 v4, v23;
	v23 =	vand.u32 $0x1F, v46;
	v37 =	vadd.s32 v5, v24  }
0x3a6: {  	v25 =	vand.u32 $0x1, v45;
	v24 =	vshrl.u32 v39, v49;
	v33 =	vshra.s32 v31, $0x5  }
0x3a7: {  	v39 =	vand.u32 $0x1, v24;
	v24 =	vand.u32 $0x1, v48;
	v33 =	vadd.s32 v6, v33;
	v42 =	vld.idx.msk [tilespmem:v42+s18+$0x0], $0xffff  }
0x3a8: {  	_ =	sdelay $0x3  }
0x3a9: {  	v43 =	vld.idx.msk [tilespmem:v43+s18+$0x0], $0xffff  }
0x3aa: {  	v41 =	vld.idx.msk [tilespmem:v41+s18+$0x0], $0xffff;
	v44 =	vshra.s32 v40, $0x5  }
0x3ab: {  	v44 =	vadd.s32 v11, v44;
	_ =	sdelay $0x1  }
0x3ac: {  	v45 =	vshra.s32 v42, $0x5  }
0x3ad: {  	v45 =	vadd.s32 v9, v45;
	v46 =	vshra.s32 v43, $0x5  }
0x3ae: {  	v47 =	vshra.s32 v41, $0x5;
	v46 =	vadd.s32 v8, v46  }
0x3af: {  	v47 =	vadd.s32 v10, v47;
	v44 =	vld.idx.msk [tilespmem:v44+s12+$0x0], $0xffff;
	_ =	sdelay $0x2  }
0x3b0: {  	v45 =	vld.idx.msk [tilespmem:v45+s12+$0x0], $0xffff  }
0x3b1: {  	v56 =	vand.u32 $0x1F, v40;
	v57 =	vld.idx.msk [tilespmem:v46+s12+$0x0], $0xffff  }
0x3b2: {  	v58 =	vld.idx.msk [tilespmem:v47+s12+$0x0], $0xffff;
	v40 =	vshrl.u32 v44, v56  }
0x3b3: {  	v36 =	vshll.u32 v36, $0x1;
	v18 =	vshll.u32 v18, $0x3;
	v40 =	vand.u32 $0x1, v40  }
0x3b4: {  	v59 =	vand.u32 $0x1F, v42;
	v61 =	vand.u32 $0x1F, v43;
	v36 =	vor.u32 v40, v36  }
0x3b5: {  	v41 =	vand.u32 $0x1F, v41;
	v60 =	vand.u32 $0x7, v36;
	v40 =	vshrl.u32 v45, v59  }
0x3b6: {  	v18 =	vor.u32 v18, v60;
	v40 =	vand.u32 $0x1, v40;
	v42 =	vshrl.u32 v57, v61  }
0x3b7: {  	v41 =	vshrl.u32 v58, v41;
	v35 =	vor.u32 v40, v35;
	v62 =	vand.u32 $0x1, v42  }
0x3b8: {  	v44 =	vand.u32 $0x1, v41;
	v63 =	vand.u32 $0x7, v35;
	v34 =	vor.u32 v62, v34  }
0x3b9: {  	v32 =	vor.u32 v44, v32;
	v16 =	vor.u32 v16, v63;
	v45 =	vand.u32 $0x7, v34  }
0x3ba: {  	v40 =	vand.u32 $0x7, v32;
	v17 =	vor.u32 v17, v45  }
0x3bb: {  	v15 =	vor.u32 v15, v40  }
0x3bc: {  	v18 =	vld.idx.msk [tilespmem:v18+s18+$0x0], $0xffff;
	_ =	sdelay $0x1  }
0x3bd: {  	v16 =	vld.idx.msk [tilespmem:v16+s18+$0x0], $0xffff  }
0x3be: {  	v17 =	vld.idx.msk [tilespmem:v17+s18+$0x0], $0xffff  }
0x3bf: {  	v15 =	vld.idx.msk [tilespmem:v15+s18+$0x0], $0xffff  }
0x3c0: {  	v46 =	vshra.s32 v18, $0x5  }
0x3c1: {  	v40 =	vadd.s32 v11, v46  }
0x3c2: {  	v47 =	vshra.s32 v16, $0x5  }
0x3c3: {  	v48 =	vshra.s32 v17, $0x5;
	v41 =	vadd.s32 v9, v47  }
0x3c4: {  	v49 =	vshra.s32 v15, $0x5;
	v42 =	vadd.s32 v8, v48  }
0x3c5: {  	v43 =	vadd.s32 v10, v49  }
0x3c6: {  	v40 =	vld.idx.msk [tilespmem:v40+s12+$0x0], $0xffff;
	_ =	sdelay $0x1  }
0x3c7: {  	v41 =	vld.idx.msk [tilespmem:v41+s12+$0x0], $0xffff  }
0x3c8: {  	v50 =	vld.idx.msk [tilespmem:v42+s12+$0x0], $0xffff  }
0x3c9: {  	v18 =	vand.u32 $0x1F, v18;
	v51 =	vld.idx.msk [tilespmem:v43+s12+$0x0], $0xffff  }
0x3ca: {  	v36 =	vshll.u32 v36, $0x1;
	v35 =	vshll.u32 v35, $0x1;
	v18 =	vshrl.u32 v40, v18  }
0x3cb: {  	v34 =	vshll.u32 v34, $0x1;
	v16 =	vand.u32 $0x1F, v16;
	v18 =	vand.u32 $0x1, v18  }
0x3cc: {  	v17 =	vand.u32 $0x1F, v17;
	v18 =	vor.u32 v18, v36;
	v16 =	vshrl.u32 v41, v16  }
0x3cd: {  	v15 =	vand.u32 $0x1F, v15;
	v16 =	vand.u32 $0x1, v16;
	v17 =	vshrl.u32 v50, v17  }
0x3ce: {  	v15 =	vshrl.u32 v51, v15;
	v16 =	vor.u32 v16, v35;
	v17 =	vand.u32 $0x1, v17  }
0x3cf: {  	v32 =	vshll.u32 v32, $0x1;
	v15 =	vand.u32 $0x1, v15;
	v17 =	vor.u32 v17, v34  }
0x3d0: {  	v15 =	vor.u32 v15, v32  }
0x3d1: {  	v52 =	vld.idx.msk [tilespmem:v18+s18+$0x0], $0xffff;
	_ =	sdelay $0x1  }
0x3d2: {  	v53 =	vld.idx.msk [tilespmem:v16+s18+$0x0], $0xffff  }
0x3d3: {  	v55 =	vld.idx.msk [tilespmem:v17+s18+$0x0], $0xffff  }
0x3d4: {  	v56 =	vld.idx.msk [tilespmem:v15+s18+$0x0], $0xffff  }
0x3d5: {  	v54 =	vshra.s32 v52, $0x5  }
0x3d6: {  	v34 =	vadd.s32 v11, v54  }
0x3d7: {  	v57 =	vshra.s32 v53, $0x5  }
0x3d8: {  	v41 =	vadd.s32 v9, v57;
	v58 =	vshra.s32 v55, $0x5  }
0x3d9: {  	v59 =	vshra.s32 v56, $0x5;
	v42 =	vadd.s32 v8, v58  }
0x3da: {  	v43 =	vadd.s32 v10, v59  }
0x3db: {  	v34 =	vld.idx.msk [tilespmem:v34+s12+$0x0], $0xffff;
	_ =	sdelay $0x1  }
0x3dc: {  	v41 =	vld.idx.msk [tilespmem:v41+s12+$0x0], $0xffff  }
0x3dd: {  	v60 =	vld.idx.msk [tilespmem:v42+s12+$0x0], $0xffff  }
0x3de: {  	v35 =	vand.u32 $0x1F, v52;
	v61 =	vld.idx.msk [tilespmem:v43+s12+$0x0], $0xffff  }
0x3df: {  	v18 =	vshll.u32 v18, $0x1;
	v16 =	vshll.u32 v16, $0x1;
	v34 =	vshrl.u32 v34, v35  }
0x3e0: {  	v17 =	vshll.u32 v17, $0x1;
	v32 =	vand.u32 $0x1F, v53;
	v34 =	vand.u32 $0x1, v34  }
0x3e1: {  	v62 =	vand.u32 $0x1F, v55;
	v18 =	vor.u32 v34, v18;
	v32 =	vshrl.u32 v41, v32  }
0x3e2: {  	v41 =	vand.u32 $0x1F, v56;
	v32 =	vand.u32 $0x1, v32;
	v34 =	vshrl.u32 v60, v62  }
0x3e3: {  	v63 =	vld.idx.msk [tilespmem:v38+s12+$0x0], $0xffff;
	v44 =	vshrl.u32 v61, v41;
	v16 =	vor.u32 v32, v16;
	v43 =	vand.u32 $0x1, v34  }
0x3e4: {  	v15 =	vshll.u32 v15, $0x1;
	v46 =	vand.u32 $0x1, v44;
	v17 =	vor.u32 v43, v17  }
0x3e5: {  	v15 =	vor.u32 v46, v15;
	_ =	sdelay $0x1  }
0x3e6: {  	v45 =	vld.idx.msk [tilespmem:v18+s18+$0x0], $0xffff  }
0x3e7: {  	v22 =	vshrl.u32 v63, v22;
	v48 =	vld.idx.msk [tilespmem:v16+s18+$0x0], $0xffff  }
0x3e8: {  	v26 =	vor.u32 v39, v26;
	v22 =	vand.u32 $0x1, v22;
	v50 =	vld.idx.msk [tilespmem:v17+s18+$0x0], $0xffff  }
0x3e9: {  	v22 =	vor.u32 v22, v27;
	v51 =	vld.idx.msk [tilespmem:v15+s18+$0x0], $0xffff  }
0x3ea: {  	v47 =	vld.idx.msk [tilespmem:v37+s12+$0x0], $0xffff  }
0x3eb: {  	v33 =	vld.idx.msk [tilespmem:v33+s12+$0x0], $0xffff;
	v49 =	vshra.s32 v45, $0x5  }
0x3ec: {  	v27 =	vadd.s32 v11, v49;
	v53 =	vshra.s32 v48, $0x5  }
0x3ed: {  	v52 =	vld.idx.msk [tilespmem:v26+s18+$0x0], $0xffff;
	v37 =	vadd.s32 v9, v53;
	v55 =	vshra.s32 v50, $0x5  }
0x3ee: {  	v54 =	vld.idx.msk [tilespmem:v22+s18+$0x0], $0xffff;
	v56 =	vshra.s32 v51, $0x5;
	v39 =	vadd.s32 v8, v55  }
0x3ef: {  	v31 =	vand.u32 $0x1F, v31;
	v23 =	vshrl.u32 v47, v23;
	v40 =	vadd.s32 v10, v56  }
0x3f0: {  	v31 =	vshrl.u32 v33, v31;
	v23 =	vand.u32 $0x1, v23  }
0x3f1: {  	v29 =	vshll.u32 v29, $0x1;
	v31 =	vand.u32 $0x1, v31;
	v23 =	vor.u32 v23, v28;
	v27 =	vld.idx.msk [tilespmem:v27+s12+$0x0], $0xffff  }
0x3f2: {  	v29 =	vor.u32 v31, v29;
	v58 =	vshra.s32 v52, $0x5;
	v37 =	vld.idx.msk [tilespmem:v37+s12+$0x0], $0xffff  }
0x3f3: {  	v13 =	vor.u32 v25, v13;
	v59 =	vshra.s32 v54, $0x5;
	v31 =	vadd.s32 v3, v58;
	v60 =	vld.idx.msk [tilespmem:v39+s12+$0x0], $0xffff  }
0x3f4: {  	v19 =	vshll.u32 v19, $0x5;
	v61 =	vadd.s32 v4, v59;
	v18 =	vshll.u32 v18, $0x1;
	v40 =	vld.idx.msk [tilespmem:v40+s12+$0x0], $0xffff  }
0x3f5: {  	v16 =	vshll.u32 v16, $0x1;
	v17 =	vshll.u32 v17, $0x1;
	v35 =	vand.u32 $0x1F, v45  }
0x3f6: {  	v57 =	vld.idx.msk [tilespmem:v23+s18+$0x0], $0xffff;
	v32 =	vand.u32 $0x1F, v48;
	v36 =	vand.u32 $0x1F, v50;
	v27 =	vshrl.u32 v27, v35  }
0x3f7: {  	v41 =	vld.idx.msk [tilespmem:v29+s18+$0x0], $0xffff;
	v34 =	vand.u32 $0x1F, v51;
	v27 =	vand.u32 $0x1, v27;
	v32 =	vshrl.u32 v37, v32  }
0x3f8: {  	v31 =	vld.idx.msk [tilespmem:v31+s12+$0x0], $0xffff;
	v18 =	vor.u32 v27, v18;
	v32 =	vand.u32 $0x1, v32;
	v35 =	vshrl.u32 v60, v36  }
0x3f9: {  	v44 =	vld.idx.msk [tilespmem:v61+s12+$0x0], $0xffff;
	v45 =	vshrl.u32 v40, v34;
	v16 =	vor.u32 v32, v16;
	v46 =	vand.u32 $0x1, v35  }
0x3fa: {  	v15 =	vshll.u32 v15, $0x1;
	v32 =	vand.u32 $0x1, v45;
	v17 =	vor.u32 v46, v17  }
0x3fb: {  	v19 =	vor.u32 v2, v19;
	v62 =	vshra.s32 v57, $0x5;
	v15 =	vor.u32 v32, v15  }
0x3fc: {  	v49 =	vshll.u32 v26, $0x1;
	v48 =	vshra.s32 v41, $0x5;
	v50 =	vand.u32 $0x1F, v52  }
0x3fd: {  	v6 =	vadd.s32 v6, v48;
	v51 =	vand.u32 $0x1F, v54;
	v26 =	vshrl.u32 v31, v50;
	v47 =	vld.idx.msk [tilespmem:v18+s18+$0x0], $0xffff  }
0x3fe: {  	v63 =	vadd.s32 v5, v62;
	v28 =	vshrl.u32 v44, v51;
	v26 =	vand.u32 $0x1, v26;
	v53 =	vld.idx.msk [tilespmem:v16+s18+$0x0], $0xffff  }
0x3ff: {  	s19 =	sadd.s32 $0x40, s19;
	v22 =	vshll.u32 v22, $0x1;
	v28 =	vand.u32 $0x1, v28;
	v25 =	vor.u32 v26, v49;
	v34 =	vld.idx.msk [tilespmem:v17+s18+$0x0], $0xffff  }
0x400: {  	v12 =	vor.u32 v24, v12;
	s21 =	sadd.s32 $0xFFFFFFD0, s19;
	v19 =	vor.u32 v7, v19;
	v22 =	vor.u32 v28, v22;
	v55 =	vld.idx.msk [tilespmem:v15+s18+$0x0], $0xffff  }
0x401: {  	v38 =	vmov s21;
	v23 =	vshll.u32 v23, $0x1;
	v29 =	vshll.u32 v29, $0x1  }
0x402: {  	v52 =	vand.u32 $0x1F, v57;
	v57 =	vand.u32 $0x1, v30;
	v59 =	vld.idx.msk [tilespmem:v6+s12+$0x0], $0xffff;
	v54 =	vshra.s32 v47, $0x5  }
0x403: {  	v20 =	vor.u32 v57, v20;
	v27 =	vld.idx.msk [tilespmem:v63+s12+$0x0], $0xffff;
	v31 =	vadd.s32 v11, v54;
	v58 =	vshra.s32 v53, $0x5  }
0x404: {  	v44 =	vand.u32 $0x1F, v41;
	v42 =	vld.idx.msk [tilespmem:v25+s18+$0x0], $0xffff;
	v60 =	vshra.s32 v34, $0x5;
	v26 =	vadd.s32 v9, v58  }
0x405: {  	s23 =	sadd.s32 $0xFFFFFFF0, s19;
	v39 =	vshll.u32 v14, $0x5;
	v43 =	vld.idx.msk [tilespmem:v22+s18+$0x0], $0xffff;
	v62 =	vshra.s32 v55, $0x5;
	v63 =	vadd.s32 v8, v60  }
0x406: {  	v41 =	vmov s23;
	v6 =	vor.u32 v2, v39;
	v28 =	vadd.s32 v10, v62  }
0x407: {  	v6 =	vor.u32 v7, v6;
	v25 =	vshll.u32 v25, $0x1;
	v22 =	vshll.u32 v22, $0x1  }
0x408: {  	v25 =	vand.u32 $0x3FE, v25;
	v22 =	vand.u32 $0x3FE, v22;
	v27 =	vshrl.u32 v27, v52;
	v61 =	vld.idx.msk [tilespmem:v31+s12+$0x0], $0xffff  }
0x409: {  	v24 =	vshrl.u32 v59, v44;
	v40 =	vor.u32 v2, v21;
	v56 =	vand.u32 $0x1, v27;
	v26 =	vld.idx.msk [tilespmem:v26+s12+$0x0], $0xffff  }
0x40a: {  	v48 =	vshra.s32 v42, $0x5;
	v49 =	vshra.s32 v43, $0x5;
	v23 =	vor.u32 v56, v23;
	v30 =	vld.idx.msk [tilespmem:v63+s12+$0x0], $0xffff  }
0x40b: {  	v18 =	vshll.u32 v18, $0x1;
	v3 =	vadd.s32 v3, v48;
	v51 =	vadd.s32 v4, v49;
	v28 =	vld.idx.msk [tilespmem:v28+s12+$0x0], $0xffff  }
0x40c: {  	v16 =	vshll.u32 v16, $0x1;
	v17 =	vshll.u32 v17, $0x1;
	v35 =	vand.u32 $0x1F, v47  }
0x40d: {  	v53 =	vand.u32 $0x1F, v53;
	v54 =	vand.u32 $0x1F, v34;
	v27 =	vshrl.u32 v61, v35  }
0x40e: {  	v32 =	vand.u32 $0x1F, v55;
	v27 =	vand.u32 $0x1, v27;
	v26 =	vshrl.u32 v26, v53  }
0x40f: {  	v45 =	vld.idx.msk [tilespmem:v23+s18+$0x0], $0xffff;
	v18 =	vor.u32 v27, v18;
	v55 =	vshrl.u32 v30, v54;
	v26 =	vand.u32 $0x1, v26  }
0x410: {  	v28 =	vshrl.u32 v28, v32;
	v27 =	vand.u32 $0x1, v55;
	v16 =	vor.u32 v26, v16  }
0x411: {  	v12 =	vld.idx.msk [tilespmem:v12+s20+$0x0], $0xffff;
	v15 =	vshll.u32 v15, $0x1;
	v57 =	vand.u32 $0x1, v28;
	v17 =	vor.u32 v27, v17  }
0x412: {  	s22 =	sadd.s32 $0xFFFFFFE0, s19;
	v24 =	vand.u32 $0x1, v24;
	v14 =	vor.u32 v7, v40;
	v3 =	vld.idx.msk [tilespmem:v3+s12+$0x0], $0xffff;
	v15 =	vor.u32 v57, v15  }
0x413: {  	v40 =	vmov s22;
	v46 =	vmov s19;
	v21 =	vand.u32 $0x1F, v42;
	v4 =	vld.idx.msk [tilespmem:v51+s12+$0x0], $0xffff  }
0x414: {  	v48 =	vshll.u32 v40, $0x5;
	v49 =	vshll.u32 v41, $0x5;
	v50 =	vshra.s32 v45, $0x5;
	v56 =	vld.idx.msk [tilespmem:v18+s18+$0x0], $0xffff  }
0x415: {  	v47 =	vshll.u32 v46, $0x5;
	v23 =	vshll.u32 v23, $0x1;
	v52 =	vadd.s32 v5, v50;
	v62 =	vld.idx.msk [tilespmem:v16+s18+$0x0], $0xffff  }
0x416: {  	s30 =	sadd.s32 $0x40, s19;
	v59 =	vor.u32 v2, v47;
	v23 =	vand.u32 $0x3FE, v23;
	v58 =	vand.u32 $0x3FE, v29;
	v37 =	vld.idx.msk [tilespmem:v17+s18+$0x0], $0xffff  }
0x417: {  	s19 =	sadd.s32 $0xFFFFFFD0, s30;
	v24 =	vor.u32 v24, v58;
	v60 =	vand.u32 $0x1F, v43;
	v3 =	vshrl.u32 v3, v21;
	v39 =	vld.idx.msk [tilespmem:v15+s18+$0x0], $0xffff  }
0x418: {  	v21 =	vor.u32 v2, v48;
	v58 =	vmov s19;
	v4 =	vshrl.u32 v4, v60  }
0x419: {  	v3 =	vand.u32 $0x1, v3;
	v21 =	vor.u32 v7, v21;
	v61 =	vshra.s32 v56, $0x5  }
0x41a: {  	[tilespmem:v6+s13+$0x0] =	vst.idx.msk $0xffff, v12;
	v12 =	vshll.u32 v58, $0x5;
	v5 =	vld.idx.msk [tilespmem:v52+s12+$0x0], $0xffff;
	v36 =	vadd.s32 v11, v61;
	v42 =	vshra.s32 v62, $0x5  }
0x41b: {  	v4 =	vand.u32 $0x1, v4;
	v43 =	vshra.s32 v37, $0x5;
	v44 =	vadd.s32 v9, v42  }
0x41c: {  	v63 =	vand.u32 $0x1F, v45;
	v45 =	vshra.s32 v39, $0x5;
	v46 =	vadd.s32 v8, v43  }
0x41d: {  	v3 =	vor.u32 v3, v25;
	v12 =	vor.u32 v2, v12;
	v47 =	vadd.s32 v10, v45  }
0x41e: {  	v4 =	vor.u32 v4, v22;
	v22 =	vor.u32 v2, v49;
	v12 =	vor.u32 v7, v12  }
0x41f: {  	v52 =	vmov s30;
	v32 =	vshll.u32 v38, $0x5;
	v5 =	vshrl.u32 v5, v63;
	v11 =	vld.idx.msk [tilespmem:v36+s12+$0x0], $0xffff  }
0x420: {  	v50 =	vor.u32 v2, v32;
	v18 =	vshll.u32 v18, $0x1;
	v5 =	vand.u32 $0x1, v5;
	v9 =	vld.idx.msk [tilespmem:v44+s12+$0x0], $0xffff  }
0x421: {  	v18 =	vand.u32 $0x3FE, v18;
	v5 =	vor.u32 v5, v23;
	v23 =	vor.u32 v7, v50;
	v8 =	vld.idx.msk [tilespmem:v46+s12+$0x0], $0xffff  }
0x422: {  	v16 =	vshll.u32 v16, $0x1;
	v17 =	vshll.u32 v17, $0x1;
	v15 =	vshll.u32 v15, $0x1;
	v10 =	vld.idx.msk [tilespmem:v47+s12+$0x0], $0xffff  }
0x423: {  	v16 =	vand.u32 $0x3FE, v16;
	v51 =	vand.u32 $0x1F, v56;
	v17 =	vand.u32 $0x3FE, v17  }
0x424: {  	v53 =	vand.u32 $0x1F, v62;
	v54 =	vand.u32 $0x1F, v37;
	v11 =	vshrl.u32 v11, v51  }
0x425: {  	v20 =	vld.idx.msk [tilespmem:v20+s20+$0x0], $0xffff;
	v55 =	vand.u32 $0x1F, v39;
	v11 =	vand.u32 $0x1, v11;
	v9 =	vshrl.u32 v9, v53  }
0x426: {  	v13 =	vld.idx.msk [tilespmem:v13+s20+$0x0], $0xffff;
	v11 =	vor.u32 v11, v18;
	v8 =	vshrl.u32 v8, v54;
	v9 =	vand.u32 $0x1, v9  }
0x427: {  	v4 =	vld.idx.msk [tilespmem:v4+s20+$0x0], $0xffff;
	v10 =	vshrl.u32 v10, v55;
	v8 =	vand.u32 $0x1, v8;
	v9 =	vor.u32 v9, v16  }
0x428: {  	v3 =	vld.idx.msk [tilespmem:v3+s20+$0x0], $0xffff;
	v56 =	vand.u32 $0x3FE, v15;
	v10 =	vand.u32 $0x1, v10;
	v8 =	vor.u32 v8, v17  }
0x429: {  	s31 =	sadd.s32 $0xFFFFFFE0, s30;
	v24 =	vld.idx.msk [tilespmem:v24+s20+$0x0], $0xffff;
	v26 =	vor.u32 v7, v59;
	v18 =	vshll.u32 v52, $0x5;
	v10 =	vor.u32 v10, v56  }
0x42a: {  	[tilespmem:v19+s13+$0x0] =	vst.idx.msk $0xffff, v20;
	v22 =	vor.u32 v7, v22;
	v59 =	vmov s31;
	s18 =	sadd.s32 $0xFFFFFFF0, s30;
	v5 =	vld.idx.msk [tilespmem:v5+s20+$0x0], $0xffff;
	v57 =	vor.u32 v2, v18  }
0x42b: {  	[tilespmem:v14+s13+$0x0] =	vst.idx.msk $0xffff, v13;
	v13 =	vshll.u32 v59, $0x5;
	v60 =	vmov s18;
	v6 =	vor.u32 v7, v57;
	v11 =	vld.idx.msk [tilespmem:v11+s20+$0x0], $0xffff  }
0x42c: {  	v13 =	vor.u32 v2, v13;
	[tilespmem:v21+s13+$0x0] =	vst.idx.msk $0xffff, v4;
	v14 =	vshll.u32 v60, $0x5;
	v9 =	vld.idx.msk [tilespmem:v9+s20+$0x0], $0xffff  }
0x42d: {  	s17 =	sadd.s32 $0x1, s17;
	[tilespmem:v23+s13+$0x0] =	vst.idx.msk $0xffff, v3;
	v3 =	vor.u32 v7, v13;
	v61 =	vor.u32 v2, v14;
	v8 =	vld.idx.msk [tilespmem:v8+s20+$0x0], $0xffff  }
0x42e: {  	p0 =	sne.s32 s17, $0x20;
	[tilespmem:v26+s13+$0x0] =	vst.idx.msk $0xffff, v24;
	v62 =	vor.u32 v7, v61;
	v63 =	vld.idx.msk [tilespmem:v10+s20+$0x0], $0xffff  }
.Ltmp3:
0x42f: {  	[tilespmem:v22+s13+$0x0] =	vst.idx.msk $0xffff, v5;
	(pc) =	sbr.rel @p0 .LBB2_6-.Ltmp3, $4  }
0x430: {  	[tilespmem:v6+s13+$0x0] =	vst.idx.msk $0xffff, v11  }
0x431: {  	[tilespmem:v12+s13+$0x0] =	vst.idx.msk $0xffff, v9  }
0x432: {  	[tilespmem:v3+s13+$0x0] =	vst.idx.msk $0xffff, v8  }
0x433: {  	[tilespmem:v62+s13+$0x0] =	vst.idx.msk $0xffff, v63  }
0x434: {  	s16 =	sadd.s32 $0x1, s16  }
0x435: {  	p0 =	sne.s32 s16, s9  }
.Ltmp4:
0x436: {  	_ = 	snop;
	(pc) =	sbr.rel @p0 .LBB2_1-.Ltmp4, $4  }
0x437: {  	[hbm4b:s8+s14] =	stream.strided.scatter [tilespmem:s13], [sflag:$0x1], $0x8000, s15, s14, $0x38;
	[tilespmem:$0x1C000] =	vst v63  }
0x438: {  	_ =	swait.ge [sflag:s10], $0x8000  }
0x439: {  	[sflag:s10] =	ssyncset.done $0x0  }
0x43a: {  	[sflag:s10] =	ssyncadd.s32 $0xFFFF8000  }
0x43b: {  	_ =	sfence.sel $0x180000  }
0x43c: {  	[bflag:$0x0] =	sbarrier.arrive $0xFFFF  }
0x43d: {  	p0 =	sne.s32 s1, $0x0;
	_ =	strace $0x9000004A  }
0x43e: {  	s0 =	sadd.s32 @!p0 $0x100000, s0;
	[bflag:$0x2] =	sbarrier.arrive $0xFFFF  }
0x43f: {  	[sflag:s0] =	ssyncadd.tile.s32 @!p0 $0x1;
	_ =	shalt  }
.Lfunc_end2:
_tile_overlayer_lowered:
.L_overlay_start_2:
0x440: {  	(tag) =	ssettag $0x2  }
0x441: {  	s0 =	rddreg [dreg:$0x0];
	s2 =	stileid.u32  }
0x442: {  	s1 =	rddreg [dreg:$0x1];
	p0 =	sne.s32 s2, $0x0  }
0x443: {  	s3 =	rddreg [dreg:$0x2];
	[bflag:$0x3] =	sbarrier.arrive $0xFFFF;
	s2 =	simm.s32 @!p0 $0x1C01  }
0x444: {  	[timem:s3], [sflag:s2] =	dma.local @!p0 [hbm:s0], s1  }
0x445: {  	s0 =	simm.s32 @!p0 $0x1  }
0x446: {  	_ =	swait.ge @!p0 [sflag:s0], s1  }
0x447: {  	s1 =	ssub.s32 @!p0 $0x0, s1;
	[sflag:s0] =	ssyncset.done @!p0 $0x0  }
0x448: {  	[sflag:s0] =	ssyncadd.s32 @!p0 s1  }
0x449: {  	[bflag:$0x3] =	sbarrier.arrive $0xFFFF  }
0x44a: {  	_ =	shalt  }

// kernel: sparse-core-data-format-call.cloned.1.call-start
scs
called_computation_lowered:
.L_overlay_start_0:
0x0: {  	s1 =	sld [smem:$0x3FD9]  }
0x1: {  	s2 =	sld [smem:$0x3FFE];
	_ =	sdelay $0x1  }
0x2: {  	s3 =	srdreg.scid  }
0x3: {  	s0 =	sand.u32 $0x1, s3  }
0x4: {  	s17 =	sshll.u32 s0, $0xA;
	s1 =	sadd.s32 s2, s1  }
0x5: {  	s1 =	sadd.s32 s1, s17  }
0x6: {  	[smem:$0x3FC5] =	sst s1  }
0x7: {  	_ = 	snop  }
0x8: {  	(tm) =	ssettm $0x1  }
0x9: {  	s18 =	sld [smem:$0x3FFB];
	_ =	sdelay $0x3  }
0xa: {  	_ =	strace s18  }
0xb: {  	s1 =	sld [smem:$0x3FFC];
	_ =	sdelay $0x3  }
0xc: {  	_ =	strace s1  }
0xd: {  	s1 =	sld [smem:$0x3FFD];
	_ =	sdelay $0x3  }
0xe: {  	_ =	strace s1  }
0xf: {  	_ =	strace $0x8FFFFFFF  }
0x10: {  	s19 =	sld [smem:$0x3FDB];
	_ =	sdelay $0x1  }
0x11: {  	s20 =	simm.s32 $_scs_section_size  }
0x12: {  	s4 =	simm.s32 $_size__tile_overlayer_lowered;
	s5 =	simm.s32 $_tile_overlayer_lowered  }
0x13: {  	s23 =	simm.s32 $0x1BFF;
	s22 =	sshll.u32 s5, $0x1;
	s1 =	sadd.s32 s20, s19  }
0x14: {  	s6 =	simm.s32 $0x0;
	s21 =	sshll.u32 s4, $0x1;
	s4 =	sadd.s32 s22, s1  }
0x15: {  	[timem:s6], [sflag:s23] =	dma.local [hbm:s4], s21  }
0x16: {  	_ =	swait.ge [sflag:s23], s21  }
0x17: {  	s2 =	ssub.s32 $0x0, s21;
	[sflag:s23] =	ssyncset.done $0x0  }
0x18: {  	[sflag:s23] =	ssyncadd.s32 s2;
	_ =	sdelay $0x1  }
0x19: {  	s24 =	simm.s32 $0x1B8B  }
0x1a: {  	_ =	swait.ge [sflag:s24], $0x1  }
0x1b: {  	[sflag:s24] =	ssyncset.done $0x0  }
0x1c: {  	s26 =	simm.s32 $0x1B8E;
	s25 =	sld [smem:$0x3FFE];
	[sflag:s24] =	ssyncadd.s32 $0xFFFFFFFF  }
0x1d: {  	s27 =	simm.s32 $execute0_lowered;
	[smem:$0x3FD2] =	sst s26  }
0x1e: {  	s4 =	sshll.u32 s27, $0x1;
	_ =	strace $0x80000046;
	[dreg:$0x1] =	wrdreg $0xFFFFFFFF  }
0x1f: {  	s28 =	simm.s32 $_size_execute0_lowered;
	s1 =	sadd.s32 s1, s4;
	[dreg:$0x0] =	wrdreg $0x0  }
0x20: {  	s4 =	sshll.u32 s28, $0x1;
	[dreg:$0x2] =	wrdreg s1  }
0x21: {  	[dreg:$0x3] =	wrdreg s4  }
0x22: {  	[dreg:$0x4] =	wrdreg $0xC0  }
0x23: {  	_ =	task [dreg:s6], $0x5FFFF  }
0x24: {  	[dreg:$0x1] =	wrdreg $0xFFFFFFFF  }
0x25: {  	[dreg:$0x0] =	wrdreg $0x60  }
0x26: {  	[dreg:$0x2] =	wrdreg s25  }
0x27: {  	[dreg:$0x3] =	wrdreg $0x9  }
0x28: {  	_ =	task.clear_ibuf [dreg:s6], $0x4FFFF;
	_ =	strace $0x90000046  }
0x29: {  	s29 =	simm.s32 $0x9;
	_ =	strace $0x80000048  }
0x2a: {  	_ =	swait.ge [sflag:s29], $0x1  }
0x2b: {  	[sflag:s29] =	ssyncadd.s32 $0xFFFFFFFF  }
0x2c: {  	_ =	strace $0x90000048  }
0x2d: {  	_ =	sfence  }
0x2e: {  	s30 =	sld [smem:$0x0];
	_ =	sdelay $0x2  }
0x2f: {  	s31 =	sshll.u32 s3, $0xD;
	s3 =	sshrl.u32 s3, $0x2  }
0x30: {  	s2 =	sand.u32 $0x4000, s31;
	s1 =	sadd.s32 s3, s30  }
0x31: {  	s0 =	sor.u32 s2, s0;
	s1 =	sshll.u32 s1, $0x11  }
0x32: {  	s0 =	sor.u32 s1, s0  }
0x33: {  	s0 =	sadd.s32 $0x8F2B, s0  }
0x34: {  	[sflag:s0] =	ssyncadd.remote.s32 $0x1  }
0x35: {  	_ =	sfence.sel $0xFFFF  }
0x36: {  	[dreg:$0x0] =	wrdreg $0xFFFFFFFF;
	(pc) =	sbr.abs _section_cstart, $3  }
0x37: {  	[dreg:$0x1] =	wrdreg $0xFFFFFFFF  }
0x38: {  	_ =	task.clear_ibuf [dreg:s6], $0x2FFFF;
	_ =	strace $0x9FFFFFFF  }
0x39: {  	(tm) =	ssettm $0x7FFFFFFF  }
tec
execute0_lowered:
.L_overlay_start_1:
0x0: {  	(tag) =	ssettag $0x1  }
0x1: {  	s0 =	srdreg.scid  }
0x2: {  	s1 =	sshll.u32 s0, $0x4  }
0x3: {  	s6 =	rddreg [dreg:$0x0];
	s0 =	stileid.u32;
	s1 =	sand.u32 $0x10, s1  }
0x4: {  	s5 =	simm.s32 $0x1;
	s31 =	simm.s32 $0x2;
	s1 =	sor.u32 s0, s1  }
0x5: {  	s13 =	simm.s32 $0x0;
	s8 =	simm.s32 $0x20000;
	s2 =	sshll.u32 s1, $0x7  }
0x6: {  	s12 =	simm.s32 $0x0;
	s9 =	simm.s32 $0x0;
	s3 =	ssub.s32 $0x4000, s2  }
0x7: {  	s11 =	simm.s32 $0x0;
	s1 =	rddreg [dreg:$0x1];
	s4 =	sand.u32 $0xF80, s3  }
.Ltmp0:
0x8: {  	_ =	strace $0x80000047;
	p0 =	sne.s32 s4, $0x0;
	(pc) =	sbr.rel .LBB1_1-.Ltmp0, $4  }
0x9: {  	s10 =	smov.u32 s2;
	s7 =	sshrl.u32 s3, $0xC;
	s5 =	simm.s32 @!p0 $0x0  }
0xa: {  	s3 =	sadd.s32 $0xE00, s6;
	s4 =	simm.s32 $0x1;
	s5 =	sadd.s32 s5, s7  }
0xb: {  	s6 =	sadd.s32 $0x100E00, s6;
	[sflag:s4] =	ssyncpa.u1 $0x0;
	s5 =	sshll.u32 s5, $0x2  }
0xc: {  	p0 =	por $0x0, $0x0;
	[sflag:s31] =	ssyncpa.u1 $0x0;
	s7 =	sor.u32 $0x1, s5  }
.LBB1_4:
0xd: {  	v5 =	vld [tilespmem:s16+$0xFFFFFFD0]  }
0xe: {  	[tilespmem:s17+$0x2040 ss:$0x81] =	vst.msk $0xffff, v1;
	v58 =	vld [tilespmem:s16+$0xFFFFFFE0]  }
0xf: {  	[tilespmem:s17+$0x2850 ss:$0x81] =	vst.msk $0xffff, v2;
	v59 =	vld [tilespmem:s16+$0xFFFFFFF0]  }
0x10: {  	s18 =	sshra.s32 s18, $0x2;
	[tilespmem:s17+$0x3060 ss:$0x81] =	vst.msk $0xffff, v3;
	v60 =	vld [tilespmem:s16+$0x0]  }
0x11: {  	[tilespmem:s17+$0x0 ss:$0x81] =	vst.msk $0xffff, v0;
	v61 =	vld [tilespmem:s16+$0x10];
	s15 =	sadd.s32 s18, s15  }
0x12: {  	s26 =	sshll.u32 s13, $0xE;
	v62 =	vld [tilespmem:s16+$0x20];
	[tilespmem:s15+$0x3870 ss:$0x81] =	vst.msk $0xffff, v4  }
0x13: {  	s27 =	sand.u32 $0x78, s12;
	s19 =	sshll.u32 s12, $0x3;
	v63 =	vld [tilespmem:s16+$0xFFFFFFC0];
	s29 =	sshll.u32 s13, $0x7;
	[tilespmem:s15+$0x810 ss:$0x81] =	vst.msk $0xffff, v5  }
0x14: {  	s17 =	sand.u32 $0x7E0000, s26;
	s28 =	sand.u32 $0x7FFC00, s19;
	s19 =	sand.u32 $0x3C00, s19;
	[tilespmem:s15+$0x1020 ss:$0x81] =	vst.msk $0xffff, v58  }
0x15: {  	s13 =	sand.u32 $0x380, s29;
	s16 =	sadd.s32 s28, s17;
	s30 =	sor.u32 s27, s19;
	[tilespmem:s15+$0x1830 ss:$0x81] =	vst.msk $0xffff, v59  }
0x16: {  	s16 =	sand.u32 $0x7FC000, s16;
	s13 =	sor.u32 s13, s30;
	[tilespmem:s15+$0x2040 ss:$0x81] =	vst.msk $0xffff, v60  }
0x17: {  	s31 =	sand.u32 $0x7, s12;
	s13 =	sor.u32 s16, s13;
	[tilespmem:s15+$0x2850 ss:$0x81] =	vst.msk $0xffff, v61  }
0x18: {  	s12 =	sshll.u32 s31, $0x12;
	[tilespmem:s15+$0x3060 ss:$0x81] =	vst.msk $0xffff, v62;
	s13 =	sshrl.u32 s13, $0x3  }
0x19: {  	s12 =	sor.u32 $0x400, s12;
	[tilespmem:s15+$0x0 ss:$0x81] =	vst.msk $0xffff, v63;
	s13 =	sadd.s32 s6, s13  }
0x1a: {  	[hbm4b:s13+s12] =	stream.strided.scatter [tilespmem:s14], [sflag:$0x2], $0x4000, s8, s12, $0x20;
	[tilespmem:$0x10100] =	vst v63  }
.LBB1_5:
0x1b: {  	s14 =	sadd.s32 $0x80, s9  }
0x1c: {  	s12 =	sadd.s32 $0x1000, s10;
	s16 =	smov.u32 s10;
	p2 =	sgt.s32 s14, $0x1FF  }
0x1d: {  	s16 =	smov.u32 @p2 s12  }
0x1e: {  	s14 =	simm.s32 @p2 $0x0;
	p2 =	sgt.s32 s16, $0x3FFF  }
0x1f: {  	s16 =	smov.u32 @p2 s2;
	p2 =	sne.s32 s11, s7  }
.Ltmp1:
0x20: {  	p1 =	slt.u32 s11, $0x2;
	(pc) =	sbr.rel @!p2 .LBB1_6-.Ltmp1, $4  }
0x21: {  	s15 =	simm.s32 @!p1 $0x2  }
0x22: {  	s13 =	smov.u32 s9;
	p0 =	por !p0, !p0;
	_ =	swait.ge @!p1 [sflag:s15], $0x4000  }
0x23: {  	s12 =	smov.u32 s10;
	[sflag:s15] =	ssyncset.done @!p1 $0x0;
	s9 =	smov.u32 s14  }
0x24: {  	s11 =	sadd.s32 $0x1, s11;
	[sflag:s15] =	ssyncadd.s32 @!p1 $0xFFFFC000;
	s10 =	smov.u32 s16  }
.LBB1_1:
0x25: {  	p1 =	sge.u32 s11, s5  }
0x26: {  	s31 =	sadd.s32 $0xFFFFFFFF, s11;
	s14 =	sshll.u32 @!p1 s10, $0x9  }
0x27: {  	s15 =	sshll.u32 @!p1 s9, $0x3;
	s16 =	sshll.u32 @!p1 s10, $0x7;
	s14 =	sand.u32 @!p1 $0x7FF000, s14  }
0x28: {  	s17 =	sand.u32 @!p1 $0x78, s9;
	s14 =	sadd.s32 @!p1 s14, s15;
	s15 =	sand.u32 @!p1 $0x380, s16  }
0x29: {  	s16 =	sxor.u32 @!p1 $0xFFFFFFFF, s11;
	s14 =	sand.u32 @!p1 $0x7FFC00, s14;
	s15 =	sor.u32 @!p1 s15, s17  }
0x2a: {  	s16 =	sshll.u32 @!p1 s16, $0xE;
	s14 =	sor.u32 @!p1 s14, s15;
	s15 =	sand.u32 @!p1 $0x7, s9  }
0x2b: {  	s17 =	simm.s32 @!p1 $0x1000;
	s14 =	sshrl.u32 @!p1 s14, $0x3;
	s15 =	sshll.u32 @!p1 s15, $0x12  }
0x2c: {  	s16 =	sand.u32 @!p1 $0x4000, s16;
	s14 =	sadd.s32 @!p1 s3, s14;
	s15 =	sor.u32 @!p1 $0x400, s15  }
0x2d: {  	[tilespmem:s16], [sflag:$0x1] =	stream.strided.gather @!p1 [hbm4b:s14+s15], $0x4000, s17, s15, $0x38;
	[tilespmem:$0x10100] =	vst v63  }
0x2e: {  	p1 =	sge.u32 s31, s5  }
.Ltmp2:
0x2f: {  	_ = 	snop;
	(pc) =	sbr.rel @p1 .LBB1_5-.Ltmp2, $1  }
0x30: {  	_ =	sdelay $0x3  }
0x31: {  	s14 =	simm.s32 $0x1  }
0x32: {  	_ =	swait.ge [sflag:s4], $0x4000;
	s14 =	simm.s32 @!p0 $0x0  }
0x33: {  	[sflag:s4] =	ssyncset.done $0x0;
	s15 =	sshll.u32 s14, $0xE  }
0x34: {  	[sflag:s4] =	ssyncadd.s32 $0xFFFFC000;
	s16 =	sor.u32 $0x40, s15  }
0x35: {  	s14 =	smul.u32 $0x10200, s14;
	v0 =	vld [tilespmem:s16+$0x30]  }
0x36: {  	v3 =	vld [tilespmem:s16+$0xFFFFFFD0]  }
0x37: {  	s14 =	sshrl.u32 s14, $0x2;
	v4 =	vld [tilespmem:s16+$0xFFFFFFE0]  }
0x38: {  	v5 =	vld [tilespmem:s16+$0xFFFFFFF0];
	s15 =	sor.u32 $0x8000, s14  }
0x39: {  	s31 =	sand.u32 $0x1, s11;
	v1 =	vld [tilespmem:s16+$0x0];
	s17 =	sadd.s32 $0x0, s15  }
0x3a: {  	v2 =	vld [tilespmem:s16+$0x10];
	s14 =	smul.u32 $0x10200, s31;
	[tilespmem:s17+$0x3870 ss:$0x81] =	vst.msk $0xffff, v0  }
0x3b: {  	[tilespmem:s17+$0x810 ss:$0x81] =	vst.msk $0xffff, v3;
	v3 =	vld [tilespmem:s16+$0x20]  }
0x3c: {  	s14 =	sshrl.u32 s14, $0x2;
	v0 =	vld [tilespmem:s16+$0xFFFFFFC0];
	[tilespmem:s17+$0x1020 ss:$0x81] =	vst.msk $0xffff, v4;
	s16 =	sadd.s32 $0x80, s16  }
0x3d: {  	s18 =	simm.s32 $0x4;
	s19 =	simm.s32 $0x8;
	s14 =	sor.u32 $0x8000, s14;
	[tilespmem:s17+$0x1830 ss:$0x81] =	vst.msk $0xffff, v5;
	v4 =	vld [tilespmem:s16+$0x30]  }
.LBB1_3:
0x3e: {  	p1 =	sne.s32 s19, $0x1FC;
	v5 =	vld [tilespmem:s16+$0xFFFFFFD0];
	[tilespmem:s17+$0x2040 ss:$0x81] =	vst.msk $0xffff, v1  }
0x3f: {  	v6 =	vld [tilespmem:s16+$0xFFFFFFE0];
	[tilespmem:s17+$0x2850 ss:$0x81] =	vst.msk $0xffff, v2  }
0x40: {  	s20 =	sshra.s32 s18, $0x2;
	s18 =	smov.u32 s19;
	v7 =	vld [tilespmem:s16+$0xFFFFFFF0];
	[tilespmem:s17+$0x3060 ss:$0x81] =	vst.msk $0xffff, v3  }
.Ltmp3:
0x41: {  	v1 =	vld [tilespmem:s16+$0x0];
	[tilespmem:s17+$0x0 ss:$0x81] =	vst.msk $0xffff, v0;
	s17 =	sadd.s32 s20, s15;
	(pc) =	sbr.rel @p1 .LBB1_3-.Ltmp3, $4  }
0x42: {  	v2 =	vld [tilespmem:s16+$0x10];
	[tilespmem:s17+$0x3870 ss:$0x81] =	vst.msk $0xffff, v4  }
0x43: {  	[tilespmem:s17+$0x810 ss:$0x81] =	vst.msk $0xffff, v5;
	v3 =	vld [tilespmem:s16+$0x20]  }
0x44: {  	v0 =	vld [tilespmem:s16+$0xFFFFFFC0];
	[tilespmem:s17+$0x1020 ss:$0x81] =	vst.msk $0xffff, v6;
	s16 =	sadd.s32 $0x80, s16  }
0x45: {  	s19 =	sadd.s32 $0x4, s19;
	v4 =	vld [tilespmem:s16+$0x30];
	[tilespmem:s17+$0x1830 ss:$0x81] =	vst.msk $0xffff, v7  }
.Ltmp4:
0x46: {  	_ = 	snop;
	(pc) =	sbr.rel .LBB1_4-.Ltmp4, $1  }
0x47: {  	_ =	sdelay $0x3  }
.LBB1_6:
0x48: {  	_ =	sfence.sel $0x180000  }
0x49: {  	s2 =	simm.s32 $0x1;
	[bflag:$0x0] =	sbarrier.arrive $0xFFFF  }
0x4a: {  	s31 =	simm.s32 $0x2;
	[sflag:s2] =	ssyncpa.u1 $0x1  }
0x4b: {  	[sflag:s31] =	ssyncpa.u1 $0x1  }
0x4c: {  	p0 =	sne.s32 s0, $0x0;
	_ =	strace $0x90000047  }
0x4d: {  	s0 =	sadd.s32 @!p0 $0x100000, s1;
	[bflag:$0x2] =	sbarrier.arrive $0xFFFF  }
0x4e: {  	[sflag:s0] =	ssyncadd.tile.s32 @!p0 $0x1;
	_ =	shalt  }
.Lfunc_end1:
_tile_overlayer_lowered:
.L_overlay_start_2:
0x4f: {  	(tag) =	ssettag $0x2  }
0x50: {  	s0 =	rddreg [dreg:$0x0];
	s2 =	stileid.u32  }
0x51: {  	s1 =	rddreg [dreg:$0x1];
	p0 =	sne.s32 s2, $0x0  }
0x52: {  	s3 =	rddreg [dreg:$0x2];
	[bflag:$0x3] =	sbarrier.arrive $0xFFFF;
	s2 =	simm.s32 @!p0 $0x1C01  }
0x53: {  	[timem:s3], [sflag:s2] =	dma.local @!p0 [hbm:s0], s1  }
0x54: {  	s0 =	simm.s32 @!p0 $0x1  }
0x55: {  	_ =	swait.ge @!p0 [sflag:s0], s1  }
0x56: {  	s1 =	ssub.s32 @!p0 $0x0, s1;
	[sflag:s0] =	ssyncset.done @!p0 $0x0  }
0x57: {  	[sflag:s0] =	ssyncadd.s32 @!p0 s1  }
0x58: {  	[bflag:$0x3] =	sbarrier.arrive $0xFFFF  }
0x59: {  	_ =	shalt  }

</sc_bundles>
